<compile_context>
chip_gen: v7x
topology: tpu7x:2x2x1
jax: 0.10.2.dev20260603
libtpu: 0.0.44.dev20260713+nightly
codegen_flags: <defaults>
</compile_context>

<pallas_src>
import functools

import jax
import jax.numpy as jnp
from jax import lax
from jax.experimental import pallas as pl
from jax.experimental.pallas import tpu as pltpu
from jax.experimental.pallas import tpu_sc as plsc

B = 4096
M = 64
K = 512
D = 64
IN_DIM = M * D

BT = 512

_NW = 32
_CH = 128
_NCB = B // _CH
_NB = 4


def _argmax_body(x_ref, cb_ref, idx_ref):
    iota_f = lax.broadcasted_iota(jnp.int32, (K, BT), 0).astype(jnp.float32)
    for m in range(M):
        xm = x_ref[:, m * D:(m + 1) * D]
        cbm = cb_ref[m]
        dots = lax.dot_general(
            cbm, xm, (((1,), (1,)), ((), ())),
            preferred_element_type=jnp.float32)
        maxv = jnp.max(dots, axis=0, keepdims=True)
        idxf = jnp.min(jnp.where(dots == maxv, iota_f, jnp.float32(K)),
                       axis=0)
        idx_ref[m:m + 1, :] = (idxf.astype(jnp.int32) + m * K)[None, :]


def _tc_argmax(x, codebooks):
    return pl.pallas_call(
        _argmax_body,
        grid=(B // BT,),
        in_specs=[
            pl.BlockSpec((BT, IN_DIM), lambda i: (i, 0)),
            pl.BlockSpec((M, K, D), lambda i: (0, 0, 0)),
        ],
        out_specs=pl.BlockSpec((M, BT), lambda i: (0, i)),
        out_shape=jax.ShapeDtypeStruct((M, B), jnp.int32),
    )(x, codebooks)


def _sc_gather_body(table_hbm, idx_hbm, out_hbm, idxa_v, idxb_v, rows_v,
                    gsem, wsem):
    wid = lax.axis_index("s") * 2 + lax.axis_index("c")
    pltpu.sync_copy(idx_hbm.at[2 * wid], idxa_v)
    pltpu.sync_copy(idx_hbm.at[2 * wid + 1], idxb_v)
    idx_planes = (idxa_v, idxb_v)

    def group(g, carry):
        @pl.when(g > 0)
        def _():
            for b in range(_NB):
                for h in range(2):
                    pltpu.make_async_copy(
                        rows_v[b][h],
                        out_hbm.at[pl.ds(0, _CH), 0, pl.ds(h * D, D)],
                        wsem).wait()

        cps = []
        for b in range(_NB):
            ci = g * _NB + b
            for h in range(2):
                cps.append(pltpu.async_copy(
                    table_hbm.at[idx_planes[h].at[ci]], rows_v[b][h], gsem))
        for b in range(_NB):
            ci = g * _NB + b
            for h in range(2):
                cps[2 * b + h].wait()
                pltpu.async_copy(
                    rows_v[b][h],
                    out_hbm.at[pl.ds(ci * _CH, _CH), wid, pl.ds(h * D, D)],
                    wsem)
        return carry

    lax.fori_loop(0, _NCB // _NB, group, 0)
    for b in range(_NB):
        for h in range(2):
            pltpu.make_async_copy(rows_v[b][h],
                                  out_hbm.at[pl.ds(0, _CH), 0, pl.ds(h * D, D)],
                                  wsem).wait()


@functools.lru_cache(maxsize=None)
def _sc_gather_call():
    return functools.partial(
        pl.kernel,
        out_type=jax.ShapeDtypeStruct((B, M // 2, 128), jnp.float32),
        mesh=plsc.VectorSubcoreMesh(core_axis_name="c", subcore_axis_name="s"),
        scratch_types=[
            pltpu.VMEM((_NCB, _CH), jnp.int32),
            pltpu.VMEM((_NCB, _CH), jnp.int32),
            [[pltpu.VMEM((_CH, D), jnp.float32) for _ in range(2)]
             for _ in range(_NB)],
            pltpu.SemaphoreType.DMA,
            pltpu.SemaphoreType.DMA,
        ],
        compiler_params=pltpu.CompilerParams(use_tc_tiling_on_sc=False),
    )(_sc_gather_body)


def kernel(x, codebooks):
    idx = _tc_argmax(x, codebooks).reshape(M, _NCB, _CH)
    table = codebooks.reshape(M * K, D)
    rows = _sc_gather_call()(table, idx)
    return rows.reshape(B, M * D)

# --- scband reference (transcript-rebuilt; emitter-appended) ---
"""Pipeline reference for scband-pqhead-35502199669511 (READ-ONLY COPY).

The authoritative reference and input builder live on the scoring server;
editing this copy changes nothing except your own understanding.
"""

import jax, jax.numpy as jnp
import numpy as np

INPUT_DIM = 4096
NUM_SUBVECTORS = 64
CODE_SIZE = 512
SUBVECTOR_DIM = INPUT_DIM // NUM_SUBVECTORS
BATCH = 4096


def setup_inputs(seed: int = 0) -> dict:
    key = jax.random.key(seed)
    kx, kc = jax.random.split(key)
    x = jax.random.normal(kx, (BATCH, INPUT_DIM), dtype=jnp.float32)
    # nn.Parameter initialized with normal(mean=0, std=0.01)
    codebooks = jax.random.normal(kc, (NUM_SUBVECTORS, CODE_SIZE, SUBVECTOR_DIM), dtype=jnp.float32) * 0.01
    return {"x": x, "codebooks": codebooks}


def reference(x, codebooks):
    # PQHead.forward with use_pq=True, module in training mode (torch default)
    batch_size = x.shape[0]
    M, K, d = codebooks.shape
    subvectors = x.reshape(batch_size, M, d)
    # dot_products = sum(subvectors.unsqueeze(2) * codebooks.unsqueeze(0), dim=-1)
    dot_products = jnp.einsum('bmd,mkd->bmk', subvectors, codebooks)
    # training branch: soft assignment + straight-through hard quantization
    soft_assignment = jax.nn.softmax(dot_products, axis=2)
    soft_quantized_subvectors = jnp.einsum('bmk,mkd->bmd', soft_assignment, codebooks)
    indices = jnp.argmax(dot_products, axis=2)  # [B, M]
    subvec_indices = jnp.broadcast_to(jnp.arange(M)[None, :], (batch_size, M))
    discrete_quantized_subvectors = codebooks[subvec_indices, indices, :]  # [B, M, d]
    quantized_subvectors = soft_quantized_subvectors - jax.lax.stop_gradient(
        soft_quantized_subvectors - discrete_quantized_subvectors)
    quantized = quantized_subvectors.reshape(batch_size, -1)
    return quantized

if __name__ == "__main__":
    import jax
    _d = setup_inputs()
    print(jax.jit(kernel)(*tuple(_d.values())))

</pallas_src>

<mosaic_0001>
#map = affine_map<(d0, d1) -> (0, 0)>
#map1 = affine_map<(d0, d1) -> (0, 0, 0)>
module attributes {stable_mosaic.version = 14 : i64} {
  func.func @_sc_gather_body(%arg0: i32, %arg1: i32, %arg2: memref<32768x64xf32, #tpu.memory_space<hbm>>, %arg3: memref<64x32x128xi32, #tpu.memory_space<hbm>>, %arg4: memref<4096x32x128xf32, #tpu.memory_space<hbm>>, %arg5: memref<32x128xi32, #tpu.memory_space<vmem>>, %arg6: memref<32x128xi32, #tpu.memory_space<vmem>>, %arg7: memref<128x64xf32, #tpu.memory_space<vmem>>, %arg8: memref<128x64xf32, #tpu.memory_space<vmem>>, %arg9: memref<128x64xf32, #tpu.memory_space<vmem>>, %arg10: memref<128x64xf32, #tpu.memory_space<vmem>>, %arg11: memref<128x64xf32, #tpu.memory_space<vmem>>, %arg12: memref<128x64xf32, #tpu.memory_space<vmem>>, %arg13: memref<128x64xf32, #tpu.memory_space<vmem>>, %arg14: memref<128x64xf32, #tpu.memory_space<vmem>>, %arg15: memref<!tpu.dma_semaphore, #tpu.memory_space<semaphore_mem>>, %arg16: memref<!tpu.dma_semaphore, #tpu.memory_space<semaphore_mem>>) attributes {dimension_semantics = [#tpu.dimension_semantics<core_parallel>, #tpu.dimension_semantics<subcore_parallel>], iteration_bounds = array<i64: 2, 16>, scalar_prefetch = 0 : i64, scratch_operands = 12 : i64, tpu.core_type = #tpu.core_type<sc_vector_subcore>, window_params = [{transform_indices = #map}, {transform_indices = #map1}, {transform_indices = #map1}]} {
    %mul3A = arith.constant 2 : i32
    %mul3A_0 = arith.muli %arg1, %mul3A : i32
    %add3A = arith.addi %mul3A_0, %arg0 : i32
    %mul3A_1 = arith.constant 2 : i32
    %mul3A_2 = arith.muli %mul3A_1, %add3A : i32
    "tpu.region"() ({
      %run_scoped3A = tpu.sem_alloc : memref<!tpu.dma_semaphore, #tpu.memory_space<semaphore_mem>>
      %dma_start3A = arith.constant 0 : i32
      %dma_start3A_83 = arith.constant 0 : i32
      %dma_start3A_84 = tpu.memref_slice %arg3[%mul3A_2, %dma_start3A, %dma_start3A_83] : memref<64x32x128xi32, #tpu.memory_space<hbm>> -> memref<1x32x128xi32, #tpu.memory_space<hbm>>
      %dma_start3A_85 = tpu.memref_squeeze %dma_start3A_84 : memref<1x32x128xi32, #tpu.memory_space<hbm>> -> memref<32x128xi32, #tpu.memory_space<hbm>>
      %dma_start3A_86 = arith.constant 0 : i32
      %dma_start3A_87 = arith.constant 0 : i32
      %dma_start3A_88 = tpu.memref_slice %arg3[%mul3A_2, %dma_start3A_86, %dma_start3A_87] : memref<64x32x128xi32, #tpu.memory_space<hbm>> -> memref<1x32x128xi32, #tpu.memory_space<hbm>>
      %dma_start3A_89 = tpu.memref_squeeze %dma_start3A_88 : memref<1x32x128xi32, #tpu.memory_space<hbm>> -> memref<32x128xi32, #tpu.memory_space<hbm>>
      tpu.enqueue_dma source(%dma_start3A_89 : memref<32x128xi32, #tpu.memory_space<hbm>>) target(%arg5 : memref<32x128xi32, #tpu.memory_space<vmem>>) target_semaphore(%run_scoped3A : memref<!tpu.dma_semaphore, #tpu.memory_space<semaphore_mem>>)
      %dma_wait3A_90 = arith.constant 0 : i32
      %dma_wait3A_91 = arith.constant 0 : i32
      %dma_wait3A_92 = tpu.memref_slice %arg3[%mul3A_2, %dma_wait3A_90, %dma_wait3A_91] : memref<64x32x128xi32, #tpu.memory_space<hbm>> -> memref<1x32x128xi32, #tpu.memory_space<hbm>>
      %dma_wait3A_93 = tpu.memref_squeeze %dma_wait3A_92 : memref<1x32x128xi32, #tpu.memory_space<hbm>> -> memref<32x128xi32, #tpu.memory_space<hbm>>
      %dma_wait3A_94 = arith.constant 0 : i32
      %dma_wait3A_95 = arith.constant 0 : i32
      %dma_wait3A_96 = tpu.memref_slice %arg3[%mul3A_2, %dma_wait3A_94, %dma_wait3A_95] : memref<64x32x128xi32, #tpu.memory_space<hbm>> -> memref<1x32x128xi32, #tpu.memory_space<hbm>>
      %dma_wait3A_97 = tpu.memref_squeeze %dma_wait3A_96 : memref<1x32x128xi32, #tpu.memory_space<hbm>> -> memref<32x128xi32, #tpu.memory_space<hbm>>
      tpu.wait_dma2 semaphore(%run_scoped3A : memref<!tpu.dma_semaphore, #tpu.memory_space<semaphore_mem>>) src(%dma_wait3A_97 : memref<32x128xi32, #tpu.memory_space<hbm>>) dst(%arg5 : memref<32x128xi32, #tpu.memory_space<vmem>>)
      tpu.yield
    }) : () -> ()
    %mul3A_3 = arith.constant 2 : i32
    %mul3A_4 = arith.muli %mul3A_3, %add3A : i32
    %add3A_5 = arith.constant 1 : i32
    %add3A_6 = arith.addi %mul3A_4, %add3A_5 : i32
    "tpu.region"() ({
      %run_scoped3A = tpu.sem_alloc : memref<!tpu.dma_semaphore, #tpu.memory_space<semaphore_mem>>
      %dma_start3A = arith.constant 0 : i32
      %dma_start3A_83 = arith.constant 0 : i32
      %dma_start3A_84 = tpu.memref_slice %arg3[%add3A_6, %dma_start3A, %dma_start3A_83] : memref<64x32x128xi32, #tpu.memory_space<hbm>> -> memref<1x32x128xi32, #tpu.memory_space<hbm>>
      %dma_start3A_85 = tpu.memref_squeeze %dma_start3A_84 : memref<1x32x128xi32, #tpu.memory_space<hbm>> -> memref<32x128xi32, #tpu.memory_space<hbm>>
      %dma_start3A_86 = arith.constant 0 : i32
      %dma_start3A_87 = arith.constant 0 : i32
      %dma_start3A_88 = tpu.memref_slice %arg3[%add3A_6, %dma_start3A_86, %dma_start3A_87] : memref<64x32x128xi32, #tpu.memory_space<hbm>> -> memref<1x32x128xi32, #tpu.memory_space<hbm>>
      %dma_start3A_89 = tpu.memref_squeeze %dma_start3A_88 : memref<1x32x128xi32, #tpu.memory_space<hbm>> -> memref<32x128xi32, #tpu.memory_space<hbm>>
      tpu.enqueue_dma source(%dma_start3A_89 : memref<32x128xi32, #tpu.memory_space<hbm>>) target(%arg6 : memref<32x128xi32, #tpu.memory_space<vmem>>) target_semaphore(%run_scoped3A : memref<!tpu.dma_semaphore, #tpu.memory_space<semaphore_mem>>)
      %dma_wait3A_90 = arith.constant 0 : i32
      %dma_wait3A_91 = arith.constant 0 : i32
      %dma_wait3A_92 = tpu.memref_slice %arg3[%add3A_6, %dma_wait3A_90, %dma_wait3A_91] : memref<64x32x128xi32, #tpu.memory_space<hbm>> -> memref<1x32x128xi32, #tpu.memory_space<hbm>>
      %dma_wait3A_93 = tpu.memref_squeeze %dma_wait3A_92 : memref<1x32x128xi32, #tpu.memory_space<hbm>> -> memref<32x128xi32, #tpu.memory_space<hbm>>
      %dma_wait3A_94 = arith.constant 0 : i32
      %dma_wait3A_95 = arith.constant 0 : i32
      %dma_wait3A_96 = tpu.memref_slice %arg3[%add3A_6, %dma_wait3A_94, %dma_wait3A_95] : memref<64x32x128xi32, #tpu.memory_space<hbm>> -> memref<1x32x128xi32, #tpu.memory_space<hbm>>
      %dma_wait3A_97 = tpu.memref_squeeze %dma_wait3A_96 : memref<1x32x128xi32, #tpu.memory_space<hbm>> -> memref<32x128xi32, #tpu.memory_space<hbm>>
      tpu.wait_dma2 semaphore(%run_scoped3A : memref<!tpu.dma_semaphore, #tpu.memory_space<semaphore_mem>>) src(%dma_wait3A_97 : memref<32x128xi32, #tpu.memory_space<hbm>>) dst(%arg6 : memref<32x128xi32, #tpu.memory_space<vmem>>)
      tpu.yield
    }) : () -> ()
    %scan3A = arith.constant 0 : i32
    %scan3A_7 = arith.constant 0 : i32
    %scan3A_8 = arith.constant 8 : i32
    %scan3A_9 = arith.addi %scan3A_7, %scan3A_8 : i32
    %scan3A_10 = arith.constant 1 : i32
    scf.for %scan3A_83 = %scan3A_7 to %scan3A_9 step %scan3A_10  : i32 {
      %gt3A = arith.constant 0 : i32
      %gt3A_84 = arith.cmpi sgt, %scan3A_83, %gt3A : i32
      %convert_element_type3A = arith.extui %gt3A_84 : i1 to i32
      %cond3A = arith.constant 0 : i32
      %cond3A_85 = arith.cmpi ne, %convert_element_type3A, %cond3A : i32
      scf.if %cond3A_85 {
        %dma_wait3A_277 = arith.constant 0 : i32
        %dma_wait3A_278 = arith.constant 0 : i32
        %dma_wait3A_279 = arith.constant 0 : i32
        %dma_wait3A_280 = tpu.memref_slice %arg4[%dma_wait3A_278, %dma_wait3A_277, %dma_wait3A_279] : memref<4096x32x128xf32, #tpu.memory_space<hbm>> -> memref<128x1x64xf32, #tpu.memory_space<hbm>>
        %dma_wait3A_281 = tpu.memref_squeeze %dma_wait3A_280 : memref<128x1x64xf32, #tpu.memory_space<hbm>> -> memref<128x64xf32, #tpu.memory_space<hbm>>
        %dma_wait3A_282 = arith.constant 0 : i32
        %dma_wait3A_283 = arith.constant 0 : i32
        %dma_wait3A_284 = tpu.memref_slice %arg4[%dma_wait3A_282, %dma_wait3A_277, %dma_wait3A_283] : memref<4096x32x128xf32, #tpu.memory_space<hbm>> -> memref<128x1x64xf32, #tpu.memory_space<hbm>>
        %dma_wait3A_285 = tpu.memref_squeeze %dma_wait3A_284 : memref<128x1x64xf32, #tpu.memory_space<hbm>> -> memref<128x64xf32, #tpu.memory_space<hbm>>
        tpu.wait_dma2 semaphore(%arg16 : memref<!tpu.dma_semaphore, #tpu.memory_space<semaphore_mem>>) src(%arg7 : memref<128x64xf32, #tpu.memory_space<vmem>>) dst(%dma_wait3A_285 : memref<128x64xf32, #tpu.memory_space<hbm>>)
        %dma_wait3A_286 = arith.constant 0 : i32
        %dma_wait3A_287 = arith.constant 0 : i32
        %dma_wait3A_288 = arith.constant 64 : i32
        %dma_wait3A_289 = tpu.memref_slice %arg4[%dma_wait3A_287, %dma_wait3A_286, %dma_wait3A_288] : memref<4096x32x128xf32, #tpu.memory_space<hbm>> -> memref<128x1x64xf32, #tpu.memory_space<hbm>>
        %dma_wait3A_290 = tpu.memref_squeeze %dma_wait3A_289 : memref<128x1x64xf32, #tpu.memory_space<hbm>> -> memref<128x64xf32, #tpu.memory_space<hbm>>
        %dma_wait3A_291 = arith.constant 0 : i32
        %dma_wait3A_292 = arith.constant 64 : i32
        %dma_wait3A_293 = tpu.memref_slice %arg4[%dma_wait3A_291, %dma_wait3A_286, %dma_wait3A_292] : memref<4096x32x128xf32, #tpu.memory_space<hbm>> -> memref<128x1x64xf32, #tpu.memory_space<hbm>>
        %dma_wait3A_294 = tpu.memref_squeeze %dma_wait3A_293 : memref<128x1x64xf32, #tpu.memory_space<hbm>> -> memref<128x64xf32, #tpu.memory_space<hbm>>
        tpu.wait_dma2 semaphore(%arg16 : memref<!tpu.dma_semaphore, #tpu.memory_space<semaphore_mem>>) src(%arg8 : memref<128x64xf32, #tpu.memory_space<vmem>>) dst(%dma_wait3A_294 : memref<128x64xf32, #tpu.memory_space<hbm>>)
        %dma_wait3A_295 = arith.constant 0 : i32
        %dma_wait3A_296 = arith.constant 0 : i32
        %dma_wait3A_297 = arith.constant 0 : i32
        %dma_wait3A_298 = tpu.memref_slice %arg4[%dma_wait3A_296, %dma_wait3A_295, %dma_wait3A_297] : memref<4096x32x128xf32, #tpu.memory_space<hbm>> -> memref<128x1x64xf32, #tpu.memory_space<hbm>>
        %dma_wait3A_299 = tpu.memref_squeeze %dma_wait3A_298 : memref<128x1x64xf32, #tpu.memory_space<hbm>> -> memref<128x64xf32, #tpu.memory_space<hbm>>
        %dma_wait3A_300 = arith.constant 0 : i32
        %dma_wait3A_301 = arith.constant 0 : i32
        %dma_wait3A_302 = tpu.memref_slice %arg4[%dma_wait3A_300, %dma_wait3A_295, %dma_wait3A_301] : memref<4096x32x128xf32, #tpu.memory_space<hbm>> -> memref<128x1x64xf32, #tpu.memory_space<hbm>>
        %dma_wait3A_303 = tpu.memref_squeeze %dma_wait3A_302 : memref<128x1x64xf32, #tpu.memory_space<hbm>> -> memref<128x64xf32, #tpu.memory_space<hbm>>
        tpu.wait_dma2 semaphore(%arg16 : memref<!tpu.dma_semaphore, #tpu.memory_space<semaphore_mem>>) src(%arg9 : memref<128x64xf32, #tpu.memory_space<vmem>>) dst(%dma_wait3A_303 : memref<128x64xf32, #tpu.memory_space<hbm>>)
        %dma_wait3A_304 = arith.constant 0 : i32
        %dma_wait3A_305 = arith.constant 0 : i32
        %dma_wait3A_306 = arith.constant 64 : i32
        %dma_wait3A_307 = tpu.memref_slice %arg4[%dma_wait3A_305, %dma_wait3A_304, %dma_wait3A_306] : memref<4096x32x128xf32, #tpu.memory_space<hbm>> -> memref<128x1x64xf32, #tpu.memory_space<hbm>>
        %dma_wait3A_308 = tpu.memref_squeeze %dma_wait3A_307 : memref<128x1x64xf32, #tpu.memory_space<hbm>> -> memref<128x64xf32, #tpu.memory_space<hbm>>
        %dma_wait3A_309 = arith.constant 0 : i32
        %dma_wait3A_310 = arith.constant 64 : i32
        %dma_wait3A_311 = tpu.memref_slice %arg4[%dma_wait3A_309, %dma_wait3A_304, %dma_wait3A_310] : memref<4096x32x128xf32, #tpu.memory_space<hbm>> -> memref<128x1x64xf32, #tpu.memory_space<hbm>>
        %dma_wait3A_312 = tpu.memref_squeeze %dma_wait3A_311 : memref<128x1x64xf32, #tpu.memory_space<hbm>> -> memref<128x64xf32, #tpu.memory_space<hbm>>
        tpu.wait_dma2 semaphore(%arg16 : memref<!tpu.dma_semaphore, #tpu.memory_space<semaphore_mem>>) src(%arg10 : memref<128x64xf32, #tpu.memory_space<vmem>>) dst(%dma_wait3A_312 : memref<128x64xf32, #tpu.memory_space<hbm>>)
        %dma_wait3A_313 = arith.constant 0 : i32
        %dma_wait3A_314 = arith.constant 0 : i32
        %dma_wait3A_315 = arith.constant 0 : i32
        %dma_wait3A_316 = tpu.memref_slice %arg4[%dma_wait3A_314, %dma_wait3A_313, %dma_wait3A_315] : memref<4096x32x128xf32, #tpu.memory_space<hbm>> -> memref<128x1x64xf32, #tpu.memory_space<hbm>>
        %dma_wait3A_317 = tpu.memref_squeeze %dma_wait3A_316 : memref<128x1x64xf32, #tpu.memory_space<hbm>> -> memref<128x64xf32, #tpu.memory_space<hbm>>
        %dma_wait3A_318 = arith.constant 0 : i32
        %dma_wait3A_319 = arith.constant 0 : i32
        %dma_wait3A_320 = tpu.memref_slice %arg4[%dma_wait3A_318, %dma_wait3A_313, %dma_wait3A_319] : memref<4096x32x128xf32, #tpu.memory_space<hbm>> -> memref<128x1x64xf32, #tpu.memory_space<hbm>>
        %dma_wait3A_321 = tpu.memref_squeeze %dma_wait3A_320 : memref<128x1x64xf32, #tpu.memory_space<hbm>> -> memref<128x64xf32, #tpu.memory_space<hbm>>
        tpu.wait_dma2 semaphore(%arg16 : memref<!tpu.dma_semaphore, #tpu.memory_space<semaphore_mem>>) src(%arg11 : memref<128x64xf32, #tpu.memory_space<vmem>>) dst(%dma_wait3A_321 : memref<128x64xf32, #tpu.memory_space<hbm>>)
        %dma_wait3A_322 = arith.constant 0 : i32
        %dma_wait3A_323 = arith.constant 0 : i32
        %dma_wait3A_324 = arith.constant 64 : i32
        %dma_wait3A_325 = tpu.memref_slice %arg4[%dma_wait3A_323, %dma_wait3A_322, %dma_wait3A_324] : memref<4096x32x128xf32, #tpu.memory_space<hbm>> -> memref<128x1x64xf32, #tpu.memory_space<hbm>>
        %dma_wait3A_326 = tpu.memref_squeeze %dma_wait3A_325 : memref<128x1x64xf32, #tpu.memory_space<hbm>> -> memref<128x64xf32, #tpu.memory_space<hbm>>
        %dma_wait3A_327 = arith.constant 0 : i32
        %dma_wait3A_328 = arith.constant 64 : i32
        %dma_wait3A_329 = tpu.memref_slice %arg4[%dma_wait3A_327, %dma_wait3A_322, %dma_wait3A_328] : memref<4096x32x128xf32, #tpu.memory_space<hbm>> -> memref<128x1x64xf32, #tpu.memory_space<hbm>>
        %dma_wait3A_330 = tpu.memref_squeeze %dma_wait3A_329 : memref<128x1x64xf32, #tpu.memory_space<hbm>> -> memref<128x64xf32, #tpu.memory_space<hbm>>
        tpu.wait_dma2 semaphore(%arg16 : memref<!tpu.dma_semaphore, #tpu.memory_space<semaphore_mem>>) src(%arg12 : memref<128x64xf32, #tpu.memory_space<vmem>>) dst(%dma_wait3A_330 : memref<128x64xf32, #tpu.memory_space<hbm>>)
        %dma_wait3A_331 = arith.constant 0 : i32
        %dma_wait3A_332 = arith.constant 0 : i32
        %dma_wait3A_333 = arith.constant 0 : i32
        %dma_wait3A_334 = tpu.memref_slice %arg4[%dma_wait3A_332, %dma_wait3A_331, %dma_wait3A_333] : memref<4096x32x128xf32, #tpu.memory_space<hbm>> -> memref<128x1x64xf32, #tpu.memory_space<hbm>>
        %dma_wait3A_335 = tpu.memref_squeeze %dma_wait3A_334 : memref<128x1x64xf32, #tpu.memory_space<hbm>> -> memref<128x64xf32, #tpu.memory_space<hbm>>
        %dma_wait3A_336 = arith.constant 0 : i32
        %dma_wait3A_337 = arith.constant 0 : i32
        %dma_wait3A_338 = tpu.memref_slice %arg4[%dma_wait3A_336, %dma_wait3A_331, %dma_wait3A_337] : memref<4096x32x128xf32, #tpu.memory_space<hbm>> -> memref<128x1x64xf32, #tpu.memory_space<hbm>>
        %dma_wait3A_339 = tpu.memref_squeeze %dma_wait3A_338 : memref<128x1x64xf32, #tpu.memory_space<hbm>> -> memref<128x64xf32, #tpu.memory_space<hbm>>
        tpu.wait_dma2 semaphore(%arg16 : memref<!tpu.dma_semaphore, #tpu.memory_space<semaphore_mem>>) src(%arg13 : memref<128x64xf32, #tpu.memory_space<vmem>>) dst(%dma_wait3A_339 : memref<128x64xf32, #tpu.memory_space<hbm>>)
        %dma_wait3A_340 = arith.constant 0 : i32
        %dma_wait3A_341 = arith.constant 0 : i32
        %dma_wait3A_342 = arith.constant 64 : i32
        %dma_wait3A_343 = tpu.memref_slice %arg4[%dma_wait3A_341, %dma_wait3A_340, %dma_wait3A_342] : memref<4096x32x128xf32, #tpu.memory_space<hbm>> -> memref<128x1x64xf32, #tpu.memory_space<hbm>>
        %dma_wait3A_344 = tpu.memref_squeeze %dma_wait3A_343 : memref<128x1x64xf32, #tpu.memory_space<hbm>> -> memref<128x64xf32, #tpu.memory_space<hbm>>
        %dma_wait3A_345 = arith.constant 0 : i32
        %dma_wait3A_346 = arith.constant 64 : i32
        %dma_wait3A_347 = tpu.memref_slice %arg4[%dma_wait3A_345, %dma_wait3A_340, %dma_wait3A_346] : memref<4096x32x128xf32, #tpu.memory_space<hbm>> -> memref<128x1x64xf32, #tpu.memory_space<hbm>>
        %dma_wait3A_348 = tpu.memref_squeeze %dma_wait3A_347 : memref<128x1x64xf32, #tpu.memory_space<hbm>> -> memref<128x64xf32, #tpu.memory_space<hbm>>
        tpu.wait_dma2 semaphore(%arg16 : memref<!tpu.dma_semaphore, #tpu.memory_space<semaphore_mem>>) src(%arg14 : memref<128x64xf32, #tpu.memory_space<vmem>>) dst(%dma_wait3A_348 : memref<128x64xf32, #tpu.memory_space<hbm>>)
      } else {
      }
      %mul3A_86 = arith.constant 4 : i32
      %mul3A_87 = arith.muli %scan3A_83, %mul3A_86 : i32
      %add3A_88 = arith.constant 0 : i32
      %add3A_89 = arith.addi %mul3A_87, %add3A_88 : i32
      %dma_start3A = arith.constant 0 : i32
      %dma_start3A_90 = tpu.memref_slice %arg5[%add3A_89, %dma_start3A] : memref<32x128xi32, #tpu.memory_space<vmem>> -> memref<1x128xi32, #tpu.memory_space<vmem>>
      %dma_start3A_91 = tpu.memref_squeeze %dma_start3A_90 : memref<1x128xi32, #tpu.memory_space<vmem>> -> memref<128xi32, #tpu.memory_space<vmem>>
      %dma_start3A_92 = arith.constant 0 : i32
      %dma_start3A_93 = arith.constant 0 : i32
      %dma_start3A_94 = tpu.memref_slice %arg2[%dma_start3A_92, %dma_start3A_93] : memref<32768x64xf32, #tpu.memory_space<hbm>> -> memref<32768x64xf32, #tpu.memory_space<hbm>>
      tpu.enqueue_indirect_dma source(%dma_start3A_94 : memref<32768x64xf32, #tpu.memory_space<hbm>>) target(%arg7 : memref<128x64xf32, #tpu.memory_space<vmem>>) offsets(%dma_start3A_91 : memref<128xi32, #tpu.memory_space<vmem>>) semaphore(%arg15 : memref<!tpu.dma_semaphore, #tpu.memory_space<semaphore_mem>>)
      %dma_start3A_95 = arith.constant 0 : i32
      %dma_start3A_96 = tpu.memref_slice %arg6[%add3A_89, %dma_start3A_95] : memref<32x128xi32, #tpu.memory_space<vmem>> -> memref<1x128xi32, #tpu.memory_space<vmem>>
      %dma_start3A_97 = tpu.memref_squeeze %dma_start3A_96 : memref<1x128xi32, #tpu.memory_space<vmem>> -> memref<128xi32, #tpu.memory_space<vmem>>
      %dma_start3A_98 = arith.constant 0 : i32
      %dma_start3A_99 = arith.constant 0 : i32
      %dma_start3A_100 = tpu.memref_slice %arg2[%dma_start3A_98, %dma_start3A_99] : memref<32768x64xf32, #tpu.memory_space<hbm>> -> memref<32768x64xf32, #tpu.memory_space<hbm>>
      tpu.enqueue_indirect_dma source(%dma_start3A_100 : memref<32768x64xf32, #tpu.memory_space<hbm>>) target(%arg8 : memref<128x64xf32, #tpu.memory_space<vmem>>) offsets(%dma_start3A_97 : memref<128xi32, #tpu.memory_space<vmem>>) semaphore(%arg15 : memref<!tpu.dma_semaphore, #tpu.memory_space<semaphore_mem>>)
      %mul3A_101 = arith.constant 4 : i32
      %mul3A_102 = arith.muli %scan3A_83, %mul3A_101 : i32
      %add3A_103 = arith.constant 1 : i32
      %add3A_104 = arith.addi %mul3A_102, %add3A_103 : i32
      %dma_start3A_105 = arith.constant 0 : i32
      %dma_start3A_106 = tpu.memref_slice %arg5[%add3A_104, %dma_start3A_105] : memref<32x128xi32, #tpu.memory_space<vmem>> -> memref<1x128xi32, #tpu.memory_space<vmem>>
      %dma_start3A_107 = tpu.memref_squeeze %dma_start3A_106 : memref<1x128xi32, #tpu.memory_space<vmem>> -> memref<128xi32, #tpu.memory_space<vmem>>
      %dma_start3A_108 = arith.constant 0 : i32
      %dma_start3A_109 = arith.constant 0 : i32
      %dma_start3A_110 = tpu.memref_slice %arg2[%dma_start3A_108, %dma_start3A_109] : memref<32768x64xf32, #tpu.memory_space<hbm>> -> memref<32768x64xf32, #tpu.memory_space<hbm>>
      tpu.enqueue_indirect_dma source(%dma_start3A_110 : memref<32768x64xf32, #tpu.memory_space<hbm>>) target(%arg9 : memref<128x64xf32, #tpu.memory_space<vmem>>) offsets(%dma_start3A_107 : memref<128xi32, #tpu.memory_space<vmem>>) semaphore(%arg15 : memref<!tpu.dma_semaphore, #tpu.memory_space<semaphore_mem>>)
      %dma_start3A_111 = arith.constant 0 : i32
      %dma_start3A_112 = tpu.memref_slice %arg6[%add3A_104, %dma_start3A_111] : memref<32x128xi32, #tpu.memory_space<vmem>> -> memref<1x128xi32, #tpu.memory_space<vmem>>
      %dma_start3A_113 = tpu.memref_squeeze %dma_start3A_112 : memref<1x128xi32, #tpu.memory_space<vmem>> -> memref<128xi32, #tpu.memory_space<vmem>>
      %dma_start3A_114 = arith.constant 0 : i32
      %dma_start3A_115 = arith.constant 0 : i32
      %dma_start3A_116 = tpu.memref_slice %arg2[%dma_start3A_114, %dma_start3A_115] : memref<32768x64xf32, #tpu.memory_space<hbm>> -> memref<32768x64xf32, #tpu.memory_space<hbm>>
      tpu.enqueue_indirect_dma source(%dma_start3A_116 : memref<32768x64xf32, #tpu.memory_space<hbm>>) target(%arg10 : memref<128x64xf32, #tpu.memory_space<vmem>>) offsets(%dma_start3A_113 : memref<128xi32, #tpu.memory_space<vmem>>) semaphore(%arg15 : memref<!tpu.dma_semaphore, #tpu.memory_space<semaphore_mem>>)
      %mul3A_117 = arith.constant 4 : i32
      %mul3A_118 = arith.muli %scan3A_83, %mul3A_117 : i32
      %add3A_119 = arith.constant 2 : i32
      %add3A_120 = arith.addi %mul3A_118, %add3A_119 : i32
      %dma_start3A_121 = arith.constant 0 : i32
      %dma_start3A_122 = tpu.memref_slice %arg5[%add3A_120, %dma_start3A_121] : memref<32x128xi32, #tpu.memory_space<vmem>> -> memref<1x128xi32, #tpu.memory_space<vmem>>
      %dma_start3A_123 = tpu.memref_squeeze %dma_start3A_122 : memref<1x128xi32, #tpu.memory_space<vmem>> -> memref<128xi32, #tpu.memory_space<vmem>>
      %dma_start3A_124 = arith.constant 0 : i32
      %dma_start3A_125 = arith.constant 0 : i32
      %dma_start3A_126 = tpu.memref_slice %arg2[%dma_start3A_124, %dma_start3A_125] : memref<32768x64xf32, #tpu.memory_space<hbm>> -> memref<32768x64xf32, #tpu.memory_space<hbm>>
      tpu.enqueue_indirect_dma source(%dma_start3A_126 : memref<32768x64xf32, #tpu.memory_space<hbm>>) target(%arg11 : memref<128x64xf32, #tpu.memory_space<vmem>>) offsets(%dma_start3A_123 : memref<128xi32, #tpu.memory_space<vmem>>) semaphore(%arg15 : memref<!tpu.dma_semaphore, #tpu.memory_space<semaphore_mem>>)
      %dma_start3A_127 = arith.constant 0 : i32
      %dma_start3A_128 = tpu.memref_slice %arg6[%add3A_120, %dma_start3A_127] : memref<32x128xi32, #tpu.memory_space<vmem>> -> memref<1x128xi32, #tpu.memory_space<vmem>>
      %dma_start3A_129 = tpu.memref_squeeze %dma_start3A_128 : memref<1x128xi32, #tpu.memory_space<vmem>> -> memref<128xi32, #tpu.memory_space<vmem>>
      %dma_start3A_130 = arith.constant 0 : i32
      %dma_start3A_131 = arith.constant 0 : i32
      %dma_start3A_132 = tpu.memref_slice %arg2[%dma_start3A_130, %dma_start3A_131] : memref<32768x64xf32, #tpu.memory_space<hbm>> -> memref<32768x64xf32, #tpu.memory_space<hbm>>
      tpu.enqueue_indirect_dma source(%dma_start3A_132 : memref<32768x64xf32, #tpu.memory_space<hbm>>) target(%arg12 : memref<128x64xf32, #tpu.memory_space<vmem>>) offsets(%dma_start3A_129 : memref<128xi32, #tpu.memory_space<vmem>>) semaphore(%arg15 : memref<!tpu.dma_semaphore, #tpu.memory_space<semaphore_mem>>)
      %mul3A_133 = arith.constant 4 : i32
      %mul3A_134 = arith.muli %scan3A_83, %mul3A_133 : i32
      %add3A_135 = arith.constant 3 : i32
      %add3A_136 = arith.addi %mul3A_134, %add3A_135 : i32
      %dma_start3A_137 = arith.constant 0 : i32
      %dma_start3A_138 = tpu.memref_slice %arg5[%add3A_136, %dma_start3A_137] : memref<32x128xi32, #tpu.memory_space<vmem>> -> memref<1x128xi32, #tpu.memory_space<vmem>>
      %dma_start3A_139 = tpu.memref_squeeze %dma_start3A_138 : memref<1x128xi32, #tpu.memory_space<vmem>> -> memref<128xi32, #tpu.memory_space<vmem>>
      %dma_start3A_140 = arith.constant 0 : i32
      %dma_start3A_141 = arith.constant 0 : i32
      %dma_start3A_142 = tpu.memref_slice %arg2[%dma_start3A_140, %dma_start3A_141] : memref<32768x64xf32, #tpu.memory_space<hbm>> -> memref<32768x64xf32, #tpu.memory_space<hbm>>
      tpu.enqueue_indirect_dma source(%dma_start3A_142 : memref<32768x64xf32, #tpu.memory_space<hbm>>) target(%arg13 : memref<128x64xf32, #tpu.memory_space<vmem>>) offsets(%dma_start3A_139 : memref<128xi32, #tpu.memory_space<vmem>>) semaphore(%arg15 : memref<!tpu.dma_semaphore, #tpu.memory_space<semaphore_mem>>)
      %dma_start3A_143 = arith.constant 0 : i32
      %dma_start3A_144 = tpu.memref_slice %arg6[%add3A_136, %dma_start3A_143] : memref<32x128xi32, #tpu.memory_space<vmem>> -> memref<1x128xi32, #tpu.memory_space<vmem>>
      %dma_start3A_145 = tpu.memref_squeeze %dma_start3A_144 : memref<1x128xi32, #tpu.memory_space<vmem>> -> memref<128xi32, #tpu.memory_space<vmem>>
      %dma_start3A_146 = arith.constant 0 : i32
      %dma_start3A_147 = arith.constant 0 : i32
      %dma_start3A_148 = tpu.memref_slice %arg2[%dma_start3A_146, %dma_start3A_147] : memref<32768x64xf32, #tpu.memory_space<hbm>> -> memref<32768x64xf32, #tpu.memory_space<hbm>>
      tpu.enqueue_indirect_dma source(%dma_start3A_148 : memref<32768x64xf32, #tpu.memory_space<hbm>>) target(%arg14 : memref<128x64xf32, #tpu.memory_space<vmem>>) offsets(%dma_start3A_145 : memref<128xi32, #tpu.memory_space<vmem>>) semaphore(%arg15 : memref<!tpu.dma_semaphore, #tpu.memory_space<semaphore_mem>>)
      %mul3A_149 = arith.constant 4 : i32
      %mul3A_150 = arith.muli %scan3A_83, %mul3A_149 : i32
      %add3A_151 = arith.constant 0 : i32
      %add3A_152 = arith.addi %mul3A_150, %add3A_151 : i32
      %dma_wait3A_153 = arith.constant 0 : i32
      %dma_wait3A_154 = tpu.memref_slice %arg5[%add3A_89, %dma_wait3A_153] : memref<32x128xi32, #tpu.memory_space<vmem>> -> memref<1x128xi32, #tpu.memory_space<vmem>>
      %dma_wait3A_155 = tpu.memref_squeeze %dma_wait3A_154 : memref<1x128xi32, #tpu.memory_space<vmem>> -> memref<128xi32, #tpu.memory_space<vmem>>
      %dma_wait3A_156 = arith.constant 0 : i32
      %dma_wait3A_157 = arith.constant 0 : i32
      %dma_wait3A_158 = tpu.memref_slice %arg2[%dma_wait3A_156, %dma_wait3A_157] : memref<32768x64xf32, #tpu.memory_space<hbm>> -> memref<32768x64xf32, #tpu.memory_space<hbm>>
      tpu.wait_indirect_dma semaphore(%arg15 : memref<!tpu.dma_semaphore, #tpu.memory_space<semaphore_mem>>) src(%dma_wait3A_158 : memref<32768x64xf32, #tpu.memory_space<hbm>>) dst(%arg7 : memref<128x64xf32, #tpu.memory_space<vmem>>)
      %mul3A_159 = arith.constant 128 : i32
      %mul3A_160 = arith.muli %add3A_152, %mul3A_159 : i32
      %dma_start3A_161 = arith.constant 0 : i32
      %dma_start3A_162 = tpu.memref_slice %arg4[%mul3A_160, %add3A, %dma_start3A_161] : memref<4096x32x128xf32, #tpu.memory_space<hbm>> -> memref<128x1x64xf32, #tpu.memory_space<hbm>>
      %dma_start3A_163 = tpu.memref_squeeze %dma_start3A_162 : memref<128x1x64xf32, #tpu.memory_space<hbm>> -> memref<128x64xf32, #tpu.memory_space<hbm>>
      %dma_start3A_164 = arith.constant 0 : i32
      %dma_start3A_165 = tpu.memref_slice %arg4[%mul3A_160, %add3A, %dma_start3A_164] : memref<4096x32x128xf32, #tpu.memory_space<hbm>> -> memref<128x1x64xf32, #tpu.memory_space<hbm>>
      %dma_start3A_166 = tpu.memref_squeeze %dma_start3A_165 : memref<128x1x64xf32, #tpu.memory_space<hbm>> -> memref<128x64xf32, #tpu.memory_space<hbm>>
      tpu.enqueue_dma source(%arg7 : memref<128x64xf32, #tpu.memory_space<vmem>>) target(%dma_start3A_166 : memref<128x64xf32, #tpu.memory_space<hbm>>) target_semaphore(%arg16 : memref<!tpu.dma_semaphore, #tpu.memory_space<semaphore_mem>>)
      %dma_wait3A_167 = arith.constant 0 : i32
      %dma_wait3A_168 = tpu.memref_slice %arg6[%add3A_89, %dma_wait3A_167] : memref<32x128xi32, #tpu.memory_space<vmem>> -> memref<1x128xi32, #tpu.memory_space<vmem>>
      %dma_wait3A_169 = tpu.memref_squeeze %dma_wait3A_168 : memref<1x128xi32, #tpu.memory_space<vmem>> -> memref<128xi32, #tpu.memory_space<vmem>>
      %dma_wait3A_170 = arith.constant 0 : i32
      %dma_wait3A_171 = arith.constant 0 : i32
      %dma_wait3A_172 = tpu.memref_slice %arg2[%dma_wait3A_170, %dma_wait3A_171] : memref<32768x64xf32, #tpu.memory_space<hbm>> -> memref<32768x64xf32, #tpu.memory_space<hbm>>
      tpu.wait_indirect_dma semaphore(%arg15 : memref<!tpu.dma_semaphore, #tpu.memory_space<semaphore_mem>>) src(%dma_wait3A_172 : memref<32768x64xf32, #tpu.memory_space<hbm>>) dst(%arg8 : memref<128x64xf32, #tpu.memory_space<vmem>>)
      %mul3A_173 = arith.constant 128 : i32
      %mul3A_174 = arith.muli %add3A_152, %mul3A_173 : i32
      %dma_start3A_175 = arith.constant 64 : i32
      %dma_start3A_176 = tpu.memref_slice %arg4[%mul3A_174, %add3A, %dma_start3A_175] : memref<4096x32x128xf32, #tpu.memory_space<hbm>> -> memref<128x1x64xf32, #tpu.memory_space<hbm>>
      %dma_start3A_177 = tpu.memref_squeeze %dma_start3A_176 : memref<128x1x64xf32, #tpu.memory_space<hbm>> -> memref<128x64xf32, #tpu.memory_space<hbm>>
      %dma_start3A_178 = arith.constant 64 : i32
      %dma_start3A_179 = tpu.memref_slice %arg4[%mul3A_174, %add3A, %dma_start3A_178] : memref<4096x32x128xf32, #tpu.memory_space<hbm>> -> memref<128x1x64xf32, #tpu.memory_space<hbm>>
      %dma_start3A_180 = tpu.memref_squeeze %dma_start3A_179 : memref<128x1x64xf32, #tpu.memory_space<hbm>> -> memref<128x64xf32, #tpu.memory_space<hbm>>
      tpu.enqueue_dma source(%arg8 : memref<128x64xf32, #tpu.memory_space<vmem>>) target(%dma_start3A_180 : memref<128x64xf32, #tpu.memory_space<hbm>>) target_semaphore(%arg16 : memref<!tpu.dma_semaphore, #tpu.memory_space<semaphore_mem>>)
      %mul3A_181 = arith.constant 4 : i32
      %mul3A_182 = arith.muli %scan3A_83, %mul3A_181 : i32
      %add3A_183 = arith.constant 1 : i32
      %add3A_184 = arith.addi %mul3A_182, %add3A_183 : i32
      %dma_wait3A_185 = arith.constant 0 : i32
      %dma_wait3A_186 = tpu.memref_slice %arg5[%add3A_104, %dma_wait3A_185] : memref<32x128xi32, #tpu.memory_space<vmem>> -> memref<1x128xi32, #tpu.memory_space<vmem>>
      %dma_wait3A_187 = tpu.memref_squeeze %dma_wait3A_186 : memref<1x128xi32, #tpu.memory_space<vmem>> -> memref<128xi32, #tpu.memory_space<vmem>>
      %dma_wait3A_188 = arith.constant 0 : i32
      %dma_wait3A_189 = arith.constant 0 : i32
      %dma_wait3A_190 = tpu.memref_slice %arg2[%dma_wait3A_188, %dma_wait3A_189] : memref<32768x64xf32, #tpu.memory_space<hbm>> -> memref<32768x64xf32, #tpu.memory_space<hbm>>
      tpu.wait_indirect_dma semaphore(%arg15 : memref<!tpu.dma_semaphore, #tpu.memory_space<semaphore_mem>>) src(%dma_wait3A_190 : memref<32768x64xf32, #tpu.memory_space<hbm>>) dst(%arg9 : memref<128x64xf32, #tpu.memory_space<vmem>>)
      %mul3A_191 = arith.constant 128 : i32
      %mul3A_192 = arith.muli %add3A_184, %mul3A_191 : i32
      %dma_start3A_193 = arith.constant 0 : i32
      %dma_start3A_194 = tpu.memref_slice %arg4[%mul3A_192, %add3A, %dma_start3A_193] : memref<4096x32x128xf32, #tpu.memory_space<hbm>> -> memref<128x1x64xf32, #tpu.memory_space<hbm>>
      %dma_start3A_195 = tpu.memref_squeeze %dma_start3A_194 : memref<128x1x64xf32, #tpu.memory_space<hbm>> -> memref<128x64xf32, #tpu.memory_space<hbm>>
      %dma_start3A_196 = arith.constant 0 : i32
      %dma_start3A_197 = tpu.memref_slice %arg4[%mul3A_192, %add3A, %dma_start3A_196] : memref<4096x32x128xf32, #tpu.memory_space<hbm>> -> memref<128x1x64xf32, #tpu.memory_space<hbm>>
      %dma_start3A_198 = tpu.memref_squeeze %dma_start3A_197 : memref<128x1x64xf32, #tpu.memory_space<hbm>> -> memref<128x64xf32, #tpu.memory_space<hbm>>
      tpu.enqueue_dma source(%arg9 : memref<128x64xf32, #tpu.memory_space<vmem>>) target(%dma_start3A_198 : memref<128x64xf32, #tpu.memory_space<hbm>>) target_semaphore(%arg16 : memref<!tpu.dma_semaphore, #tpu.memory_space<semaphore_mem>>)
      %dma_wait3A_199 = arith.constant 0 : i32
      %dma_wait3A_200 = tpu.memref_slice %arg6[%add3A_104, %dma_wait3A_199] : memref<32x128xi32, #tpu.memory_space<vmem>> -> memref<1x128xi32, #tpu.memory_space<vmem>>
      %dma_wait3A_201 = tpu.memref_squeeze %dma_wait3A_200 : memref<1x128xi32, #tpu.memory_space<vmem>> -> memref<128xi32, #tpu.memory_space<vmem>>
      %dma_wait3A_202 = arith.constant 0 : i32
      %dma_wait3A_203 = arith.constant 0 : i32
      %dma_wait3A_204 = tpu.memref_slice %arg2[%dma_wait3A_202, %dma_wait3A_203] : memref<32768x64xf32, #tpu.memory_space<hbm>> -> memref<32768x64xf32, #tpu.memory_space<hbm>>
      tpu.wait_indirect_dma semaphore(%arg15 : memref<!tpu.dma_semaphore, #tpu.memory_space<semaphore_mem>>) src(%dma_wait3A_204 : memref<32768x64xf32, #tpu.memory_space<hbm>>) dst(%arg10 : memref<128x64xf32, #tpu.memory_space<vmem>>)
      %mul3A_205 = arith.constant 128 : i32
      %mul3A_206 = arith.muli %add3A_184, %mul3A_205 : i32
      %dma_start3A_207 = arith.constant 64 : i32
      %dma_start3A_208 = tpu.memref_slice %arg4[%mul3A_206, %add3A, %dma_start3A_207] : memref<4096x32x128xf32, #tpu.memory_space<hbm>> -> memref<128x1x64xf32, #tpu.memory_space<hbm>>
      %dma_start3A_209 = tpu.memref_squeeze %dma_start3A_208 : memref<128x1x64xf32, #tpu.memory_space<hbm>> -> memref<128x64xf32, #tpu.memory_space<hbm>>
      %dma_start3A_210 = arith.constant 64 : i32
      %dma_start3A_211 = tpu.memref_slice %arg4[%mul3A_206, %add3A, %dma_start3A_210] : memref<4096x32x128xf32, #tpu.memory_space<hbm>> -> memref<128x1x64xf32, #tpu.memory_space<hbm>>
      %dma_start3A_212 = tpu.memref_squeeze %dma_start3A_211 : memref<128x1x64xf32, #tpu.memory_space<hbm>> -> memref<128x64xf32, #tpu.memory_space<hbm>>
      tpu.enqueue_dma source(%arg10 : memref<128x64xf32, #tpu.memory_space<vmem>>) target(%dma_start3A_212 : memref<128x64xf32, #tpu.memory_space<hbm>>) target_semaphore(%arg16 : memref<!tpu.dma_semaphore, #tpu.memory_space<semaphore_mem>>)
      %mul3A_213 = arith.constant 4 : i32
      %mul3A_214 = arith.muli %scan3A_83, %mul3A_213 : i32
      %add3A_215 = arith.constant 2 : i32
      %add3A_216 = arith.addi %mul3A_214, %add3A_215 : i32
      %dma_wait3A_217 = arith.constant 0 : i32
      %dma_wait3A_218 = tpu.memref_slice %arg5[%add3A_120, %dma_wait3A_217] : memref<32x128xi32, #tpu.memory_space<vmem>> -> memref<1x128xi32, #tpu.memory_space<vmem>>
      %dma_wait3A_219 = tpu.memref_squeeze %dma_wait3A_218 : memref<1x128xi32, #tpu.memory_space<vmem>> -> memref<128xi32, #tpu.memory_space<vmem>>
      %dma_wait3A_220 = arith.constant 0 : i32
      %dma_wait3A_221 = arith.constant 0 : i32
      %dma_wait3A_222 = tpu.memref_slice %arg2[%dma_wait3A_220, %dma_wait3A_221] : memref<32768x64xf32, #tpu.memory_space<hbm>> -> memref<32768x64xf32, #tpu.memory_space<hbm>>
      tpu.wait_indirect_dma semaphore(%arg15 : memref<!tpu.dma_semaphore, #tpu.memory_space<semaphore_mem>>) src(%dma_wait3A_222 : memref<32768x64xf32, #tpu.memory_space<hbm>>) dst(%arg11 : memref<128x64xf32, #tpu.memory_space<vmem>>)
      %mul3A_223 = arith.constant 128 : i32
      %mul3A_224 = arith.muli %add3A_216, %mul3A_223 : i32
      %dma_start3A_225 = arith.constant 0 : i32
      %dma_start3A_226 = tpu.memref_slice %arg4[%mul3A_224, %add3A, %dma_start3A_225] : memref<4096x32x128xf32, #tpu.memory_space<hbm>> -> memref<128x1x64xf32, #tpu.memory_space<hbm>>
      %dma_start3A_227 = tpu.memref_squeeze %dma_start3A_226 : memref<128x1x64xf32, #tpu.memory_space<hbm>> -> memref<128x64xf32, #tpu.memory_space<hbm>>
      %dma_start3A_228 = arith.constant 0 : i32
      %dma_start3A_229 = tpu.memref_slice %arg4[%mul3A_224, %add3A, %dma_start3A_228] : memref<4096x32x128xf32, #tpu.memory_space<hbm>> -> memref<128x1x64xf32, #tpu.memory_space<hbm>>
      %dma_start3A_230 = tpu.memref_squeeze %dma_start3A_229 : memref<128x1x64xf32, #tpu.memory_space<hbm>> -> memref<128x64xf32, #tpu.memory_space<hbm>>
      tpu.enqueue_dma source(%arg11 : memref<128x64xf32, #tpu.memory_space<vmem>>) target(%dma_start3A_230 : memref<128x64xf32, #tpu.memory_space<hbm>>) target_semaphore(%arg16 : memref<!tpu.dma_semaphore, #tpu.memory_space<semaphore_mem>>)
      %dma_wait3A_231 = arith.constant 0 : i32
      %dma_wait3A_232 = tpu.memref_slice %arg6[%add3A_120, %dma_wait3A_231] : memref<32x128xi32, #tpu.memory_space<vmem>> -> memref<1x128xi32, #tpu.memory_space<vmem>>
      %dma_wait3A_233 = tpu.memref_squeeze %dma_wait3A_232 : memref<1x128xi32, #tpu.memory_space<vmem>> -> memref<128xi32, #tpu.memory_space<vmem>>
      %dma_wait3A_234 = arith.constant 0 : i32
      %dma_wait3A_235 = arith.constant 0 : i32
      %dma_wait3A_236 = tpu.memref_slice %arg2[%dma_wait3A_234, %dma_wait3A_235] : memref<32768x64xf32, #tpu.memory_space<hbm>> -> memref<32768x64xf32, #tpu.memory_space<hbm>>
      tpu.wait_indirect_dma semaphore(%arg15 : memref<!tpu.dma_semaphore, #tpu.memory_space<semaphore_mem>>) src(%dma_wait3A_236 : memref<32768x64xf32, #tpu.memory_space<hbm>>) dst(%arg12 : memref<128x64xf32, #tpu.memory_space<vmem>>)
      %mul3A_237 = arith.constant 128 : i32
      %mul3A_238 = arith.muli %add3A_216, %mul3A_237 : i32
      %dma_start3A_239 = arith.constant 64 : i32
      %dma_start3A_240 = tpu.memref_slice %arg4[%mul3A_238, %add3A, %dma_start3A_239] : memref<4096x32x128xf32, #tpu.memory_space<hbm>> -> memref<128x1x64xf32, #tpu.memory_space<hbm>>
      %dma_start3A_241 = tpu.memref_squeeze %dma_start3A_240 : memref<128x1x64xf32, #tpu.memory_space<hbm>> -> memref<128x64xf32, #tpu.memory_space<hbm>>
      %dma_start3A_242 = arith.constant 64 : i32
      %dma_start3A_243 = tpu.memref_slice %arg4[%mul3A_238, %add3A, %dma_start3A_242] : memref<4096x32x128xf32, #tpu.memory_space<hbm>> -> memref<128x1x64xf32, #tpu.memory_space<hbm>>
      %dma_start3A_244 = tpu.memref_squeeze %dma_start3A_243 : memref<128x1x64xf32, #tpu.memory_space<hbm>> -> memref<128x64xf32, #tpu.memory_space<hbm>>
      tpu.enqueue_dma source(%arg12 : memref<128x64xf32, #tpu.memory_space<vmem>>) target(%dma_start3A_244 : memref<128x64xf32, #tpu.memory_space<hbm>>) target_semaphore(%arg16 : memref<!tpu.dma_semaphore, #tpu.memory_space<semaphore_mem>>)
      %mul3A_245 = arith.constant 4 : i32
      %mul3A_246 = arith.muli %scan3A_83, %mul3A_245 : i32
      %add3A_247 = arith.constant 3 : i32
      %add3A_248 = arith.addi %mul3A_246, %add3A_247 : i32
      %dma_wait3A_249 = arith.constant 0 : i32
      %dma_wait3A_250 = tpu.memref_slice %arg5[%add3A_136, %dma_wait3A_249] : memref<32x128xi32, #tpu.memory_space<vmem>> -> memref<1x128xi32, #tpu.memory_space<vmem>>
      %dma_wait3A_251 = tpu.memref_squeeze %dma_wait3A_250 : memref<1x128xi32, #tpu.memory_space<vmem>> -> memref<128xi32, #tpu.memory_space<vmem>>
      %dma_wait3A_252 = arith.constant 0 : i32
      %dma_wait3A_253 = arith.constant 0 : i32
      %dma_wait3A_254 = tpu.memref_slice %arg2[%dma_wait3A_252, %dma_wait3A_253] : memref<32768x64xf32, #tpu.memory_space<hbm>> -> memref<32768x64xf32, #tpu.memory_space<hbm>>
      tpu.wait_indirect_dma semaphore(%arg15 : memref<!tpu.dma_semaphore, #tpu.memory_space<semaphore_mem>>) src(%dma_wait3A_254 : memref<32768x64xf32, #tpu.memory_space<hbm>>) dst(%arg13 : memref<128x64xf32, #tpu.memory_space<vmem>>)
      %mul3A_255 = arith.constant 128 : i32
      %mul3A_256 = arith.muli %add3A_248, %mul3A_255 : i32
      %dma_start3A_257 = arith.constant 0 : i32
      %dma_start3A_258 = tpu.memref_slice %arg4[%mul3A_256, %add3A, %dma_start3A_257] : memref<4096x32x128xf32, #tpu.memory_space<hbm>> -> memref<128x1x64xf32, #tpu.memory_space<hbm>>
      %dma_start3A_259 = tpu.memref_squeeze %dma_start3A_258 : memref<128x1x64xf32, #tpu.memory_space<hbm>> -> memref<128x64xf32, #tpu.memory_space<hbm>>
      %dma_start3A_260 = arith.constant 0 : i32
      %dma_start3A_261 = tpu.memref_slice %arg4[%mul3A_256, %add3A, %dma_start3A_260] : memref<4096x32x128xf32, #tpu.memory_space<hbm>> -> memref<128x1x64xf32, #tpu.memory_space<hbm>>
      %dma_start3A_262 = tpu.memref_squeeze %dma_start3A_261 : memref<128x1x64xf32, #tpu.memory_space<hbm>> -> memref<128x64xf32, #tpu.memory_space<hbm>>
      tpu.enqueue_dma source(%arg13 : memref<128x64xf32, #tpu.memory_space<vmem>>) target(%dma_start3A_262 : memref<128x64xf32, #tpu.memory_space<hbm>>) target_semaphore(%arg16 : memref<!tpu.dma_semaphore, #tpu.memory_space<semaphore_mem>>)
      %dma_wait3A_263 = arith.constant 0 : i32
      %dma_wait3A_264 = tpu.memref_slice %arg6[%add3A_136, %dma_wait3A_263] : memref<32x128xi32, #tpu.memory_space<vmem>> -> memref<1x128xi32, #tpu.memory_space<vmem>>
      %dma_wait3A_265 = tpu.memref_squeeze %dma_wait3A_264 : memref<1x128xi32, #tpu.memory_space<vmem>> -> memref<128xi32, #tpu.memory_space<vmem>>
      %dma_wait3A_266 = arith.constant 0 : i32
      %dma_wait3A_267 = arith.constant 0 : i32
      %dma_wait3A_268 = tpu.memref_slice %arg2[%dma_wait3A_266, %dma_wait3A_267] : memref<32768x64xf32, #tpu.memory_space<hbm>> -> memref<32768x64xf32, #tpu.memory_space<hbm>>
      tpu.wait_indirect_dma semaphore(%arg15 : memref<!tpu.dma_semaphore, #tpu.memory_space<semaphore_mem>>) src(%dma_wait3A_268 : memref<32768x64xf32, #tpu.memory_space<hbm>>) dst(%arg14 : memref<128x64xf32, #tpu.memory_space<vmem>>)
      %mul3A_269 = arith.constant 128 : i32
      %mul3A_270 = arith.muli %add3A_248, %mul3A_269 : i32
      %dma_start3A_271 = arith.constant 64 : i32
      %dma_start3A_272 = tpu.memref_slice %arg4[%mul3A_270, %add3A, %dma_start3A_271] : memref<4096x32x128xf32, #tpu.memory_space<hbm>> -> memref<128x1x64xf32, #tpu.memory_space<hbm>>
      %dma_start3A_273 = tpu.memref_squeeze %dma_start3A_272 : memref<128x1x64xf32, #tpu.memory_space<hbm>> -> memref<128x64xf32, #tpu.memory_space<hbm>>
      %dma_start3A_274 = arith.constant 64 : i32
      %dma_start3A_275 = tpu.memref_slice %arg4[%mul3A_270, %add3A, %dma_start3A_274] : memref<4096x32x128xf32, #tpu.memory_space<hbm>> -> memref<128x1x64xf32, #tpu.memory_space<hbm>>
      %dma_start3A_276 = tpu.memref_squeeze %dma_start3A_275 : memref<128x1x64xf32, #tpu.memory_space<hbm>> -> memref<128x64xf32, #tpu.memory_space<hbm>>
      tpu.enqueue_dma source(%arg14 : memref<128x64xf32, #tpu.memory_space<vmem>>) target(%dma_start3A_276 : memref<128x64xf32, #tpu.memory_space<hbm>>) target_semaphore(%arg16 : memref<!tpu.dma_semaphore, #tpu.memory_space<semaphore_mem>>)
    }
    %scan3A_11 = arith.constant 8 : i32
    %dma_wait3A = arith.constant 0 : i32
    %dma_wait3A_12 = arith.constant 0 : i32
    %dma_wait3A_13 = arith.constant 0 : i32
    %dma_wait3A_14 = tpu.memref_slice %arg4[%dma_wait3A_12, %dma_wait3A, %dma_wait3A_13] : memref<4096x32x128xf32, #tpu.memory_space<hbm>> -> memref<128x1x64xf32, #tpu.memory_space<hbm>>
    %dma_wait3A_15 = tpu.memref_squeeze %dma_wait3A_14 : memref<128x1x64xf32, #tpu.memory_space<hbm>> -> memref<128x64xf32, #tpu.memory_space<hbm>>
    %dma_wait3A_16 = arith.constant 0 : i32
    %dma_wait3A_17 = arith.constant 0 : i32
    %dma_wait3A_18 = tpu.memref_slice %arg4[%dma_wait3A_16, %dma_wait3A, %dma_wait3A_17] : memref<4096x32x128xf32, #tpu.memory_space<hbm>> -> memref<128x1x64xf32, #tpu.memory_space<hbm>>
    %dma_wait3A_19 = tpu.memref_squeeze %dma_wait3A_18 : memref<128x1x64xf32, #tpu.memory_space<hbm>> -> memref<128x64xf32, #tpu.memory_space<hbm>>
    tpu.wait_dma2 semaphore(%arg16 : memref<!tpu.dma_semaphore, #tpu.memory_space<semaphore_mem>>) src(%arg7 : memref<128x64xf32, #tpu.memory_space<vmem>>) dst(%dma_wait3A_19 : memref<128x64xf32, #tpu.memory_space<hbm>>)
    %dma_wait3A_20 = arith.constant 0 : i32
    %dma_wait3A_21 = arith.constant 0 : i32
    %dma_wait3A_22 = arith.constant 64 : i32
    %dma_wait3A_23 = tpu.memref_slice %arg4[%dma_wait3A_21, %dma_wait3A_20, %dma_wait3A_22] : memref<4096x32x128xf32, #tpu.memory_space<hbm>> -> memref<128x1x64xf32, #tpu.memory_space<hbm>>
    %dma_wait3A_24 = tpu.memref_squeeze %dma_wait3A_23 : memref<128x1x64xf32, #tpu.memory_space<hbm>> -> memref<128x64xf32, #tpu.memory_space<hbm>>
    %dma_wait3A_25 = arith.constant 0 : i32
    %dma_wait3A_26 = arith.constant 64 : i32
    %dma_wait3A_27 = tpu.memref_slice %arg4[%dma_wait3A_25, %dma_wait3A_20, %dma_wait3A_26] : memref<4096x32x128xf32, #tpu.memory_space<hbm>> -> memref<128x1x64xf32, #tpu.memory_space<hbm>>
    %dma_wait3A_28 = tpu.memref_squeeze %dma_wait3A_27 : memref<128x1x64xf32, #tpu.memory_space<hbm>> -> memref<128x64xf32, #tpu.memory_space<hbm>>
    tpu.wait_dma2 semaphore(%arg16 : memref<!tpu.dma_semaphore, #tpu.memory_space<semaphore_mem>>) src(%arg8 : memref<128x64xf32, #tpu.memory_space<vmem>>) dst(%dma_wait3A_28 : memref<128x64xf32, #tpu.memory_space<hbm>>)
    %dma_wait3A_29 = arith.constant 0 : i32
    %dma_wait3A_30 = arith.constant 0 : i32
    %dma_wait3A_31 = arith.constant 0 : i32
    %dma_wait3A_32 = tpu.memref_slice %arg4[%dma_wait3A_30, %dma_wait3A_29, %dma_wait3A_31] : memref<4096x32x128xf32, #tpu.memory_space<hbm>> -> memref<128x1x64xf32, #tpu.memory_space<hbm>>
    %dma_wait3A_33 = tpu.memref_squeeze %dma_wait3A_32 : memref<128x1x64xf32, #tpu.memory_space<hbm>> -> memref<128x64xf32, #tpu.memory_space<hbm>>
    %dma_wait3A_34 = arith.constant 0 : i32
    %dma_wait3A_35 = arith.constant 0 : i32
    %dma_wait3A_36 = tpu.memref_slice %arg4[%dma_wait3A_34, %dma_wait3A_29, %dma_wait3A_35] : memref<4096x32x128xf32, #tpu.memory_space<hbm>> -> memref<128x1x64xf32, #tpu.memory_space<hbm>>
    %dma_wait3A_37 = tpu.memref_squeeze %dma_wait3A_36 : memref<128x1x64xf32, #tpu.memory_space<hbm>> -> memref<128x64xf32, #tpu.memory_space<hbm>>
    tpu.wait_dma2 semaphore(%arg16 : memref<!tpu.dma_semaphore, #tpu.memory_space<semaphore_mem>>) src(%arg9 : memref<128x64xf32, #tpu.memory_space<vmem>>) dst(%dma_wait3A_37 : memref<128x64xf32, #tpu.memory_space<hbm>>)
    %dma_wait3A_38 = arith.constant 0 : i32
    %dma_wait3A_39 = arith.constant 0 : i32
    %dma_wait3A_40 = arith.constant 64 : i32
    %dma_wait3A_41 = tpu.memref_slice %arg4[%dma_wait3A_39, %dma_wait3A_38, %dma_wait3A_40] : memref<4096x32x128xf32, #tpu.memory_space<hbm>> -> memref<128x1x64xf32, #tpu.memory_space<hbm>>
    %dma_wait3A_42 = tpu.memref_squeeze %dma_wait3A_41 : memref<128x1x64xf32, #tpu.memory_space<hbm>> -> memref<128x64xf32, #tpu.memory_space<hbm>>
    %dma_wait3A_43 = arith.constant 0 : i32
    %dma_wait3A_44 = arith.constant 64 : i32
    %dma_wait3A_45 = tpu.memref_slice %arg4[%dma_wait3A_43, %dma_wait3A_38, %dma_wait3A_44] : memref<4096x32x128xf32, #tpu.memory_space<hbm>> -> memref<128x1x64xf32, #tpu.memory_space<hbm>>
    %dma_wait3A_46 = tpu.memref_squeeze %dma_wait3A_45 : memref<128x1x64xf32, #tpu.memory_space<hbm>> -> memref<128x64xf32, #tpu.memory_space<hbm>>
    tpu.wait_dma2 semaphore(%arg16 : memref<!tpu.dma_semaphore, #tpu.memory_space<semaphore_mem>>) src(%arg10 : memref<128x64xf32, #tpu.memory_space<vmem>>) dst(%dma_wait3A_46 : memref<128x64xf32, #tpu.memory_space<hbm>>)
    %dma_wait3A_47 = arith.constant 0 : i32
    %dma_wait3A_48 = arith.constant 0 : i32
    %dma_wait3A_49 = arith.constant 0 : i32
    %dma_wait3A_50 = tpu.memref_slice %arg4[%dma_wait3A_48, %dma_wait3A_47, %dma_wait3A_49] : memref<4096x32x128xf32, #tpu.memory_space<hbm>> -> memref<128x1x64xf32, #tpu.memory_space<hbm>>
    %dma_wait3A_51 = tpu.memref_squeeze %dma_wait3A_50 : memref<128x1x64xf32, #tpu.memory_space<hbm>> -> memref<128x64xf32, #tpu.memory_space<hbm>>
    %dma_wait3A_52 = arith.constant 0 : i32
    %dma_wait3A_53 = arith.constant 0 : i32
    %dma_wait3A_54 = tpu.memref_slice %arg4[%dma_wait3A_52, %dma_wait3A_47, %dma_wait3A_53] : memref<4096x32x128xf32, #tpu.memory_space<hbm>> -> memref<128x1x64xf32, #tpu.memory_space<hbm>>
    %dma_wait3A_55 = tpu.memref_squeeze %dma_wait3A_54 : memref<128x1x64xf32, #tpu.memory_space<hbm>> -> memref<128x64xf32, #tpu.memory_space<hbm>>
    tpu.wait_dma2 semaphore(%arg16 : memref<!tpu.dma_semaphore, #tpu.memory_space<semaphore_mem>>) src(%arg11 : memref<128x64xf32, #tpu.memory_space<vmem>>) dst(%dma_wait3A_55 : memref<128x64xf32, #tpu.memory_space<hbm>>)
    %dma_wait3A_56 = arith.constant 0 : i32
    %dma_wait3A_57 = arith.constant 0 : i32
    %dma_wait3A_58 = arith.constant 64 : i32
    %dma_wait3A_59 = tpu.memref_slice %arg4[%dma_wait3A_57, %dma_wait3A_56, %dma_wait3A_58] : memref<4096x32x128xf32, #tpu.memory_space<hbm>> -> memref<128x1x64xf32, #tpu.memory_space<hbm>>
    %dma_wait3A_60 = tpu.memref_squeeze %dma_wait3A_59 : memref<128x1x64xf32, #tpu.memory_space<hbm>> -> memref<128x64xf32, #tpu.memory_space<hbm>>
    %dma_wait3A_61 = arith.constant 0 : i32
    %dma_wait3A_62 = arith.constant 64 : i32
    %dma_wait3A_63 = tpu.memref_slice %arg4[%dma_wait3A_61, %dma_wait3A_56, %dma_wait3A_62] : memref<4096x32x128xf32, #tpu.memory_space<hbm>> -> memref<128x1x64xf32, #tpu.memory_space<hbm>>
    %dma_wait3A_64 = tpu.memref_squeeze %dma_wait3A_63 : memref<128x1x64xf32, #tpu.memory_space<hbm>> -> memref<128x64xf32, #tpu.memory_space<hbm>>
    tpu.wait_dma2 semaphore(%arg16 : memref<!tpu.dma_semaphore, #tpu.memory_space<semaphore_mem>>) src(%arg12 : memref<128x64xf32, #tpu.memory_space<vmem>>) dst(%dma_wait3A_64 : memref<128x64xf32, #tpu.memory_space<hbm>>)
    %dma_wait3A_65 = arith.constant 0 : i32
    %dma_wait3A_66 = arith.constant 0 : i32
    %dma_wait3A_67 = arith.constant 0 : i32
    %dma_wait3A_68 = tpu.memref_slice %arg4[%dma_wait3A_66, %dma_wait3A_65, %dma_wait3A_67] : memref<4096x32x128xf32, #tpu.memory_space<hbm>> -> memref<128x1x64xf32, #tpu.memory_space<hbm>>
    %dma_wait3A_69 = tpu.memref_squeeze %dma_wait3A_68 : memref<128x1x64xf32, #tpu.memory_space<hbm>> -> memref<128x64xf32, #tpu.memory_space<hbm>>
    %dma_wait3A_70 = arith.constant 0 : i32
    %dma_wait3A_71 = arith.constant 0 : i32
    %dma_wait3A_72 = tpu.memref_slice %arg4[%dma_wait3A_70, %dma_wait3A_65, %dma_wait3A_71] : memref<4096x32x128xf32, #tpu.memory_space<hbm>> -> memref<128x1x64xf32, #tpu.memory_space<hbm>>
    %dma_wait3A_73 = tpu.memref_squeeze %dma_wait3A_72 : memref<128x1x64xf32, #tpu.memory_space<hbm>> -> memref<128x64xf32, #tpu.memory_space<hbm>>
    tpu.wait_dma2 semaphore(%arg16 : memref<!tpu.dma_semaphore, #tpu.memory_space<semaphore_mem>>) src(%arg13 : memref<128x64xf32, #tpu.memory_space<vmem>>) dst(%dma_wait3A_73 : memref<128x64xf32, #tpu.memory_space<hbm>>)
    %dma_wait3A_74 = arith.constant 0 : i32
    %dma_wait3A_75 = arith.constant 0 : i32
    %dma_wait3A_76 = arith.constant 64 : i32
    %dma_wait3A_77 = tpu.memref_slice %arg4[%dma_wait3A_75, %dma_wait3A_74, %dma_wait3A_76] : memref<4096x32x128xf32, #tpu.memory_space<hbm>> -> memref<128x1x64xf32, #tpu.memory_space<hbm>>
    %dma_wait3A_78 = tpu.memref_squeeze %dma_wait3A_77 : memref<128x1x64xf32, #tpu.memory_space<hbm>> -> memref<128x64xf32, #tpu.memory_space<hbm>>
    %dma_wait3A_79 = arith.constant 0 : i32
    %dma_wait3A_80 = arith.constant 64 : i32
    %dma_wait3A_81 = tpu.memref_slice %arg4[%dma_wait3A_79, %dma_wait3A_74, %dma_wait3A_80] : memref<4096x32x128xf32, #tpu.memory_space<hbm>> -> memref<128x1x64xf32, #tpu.memory_space<hbm>>
    %dma_wait3A_82 = tpu.memref_squeeze %dma_wait3A_81 : memref<128x1x64xf32, #tpu.memory_space<hbm>> -> memref<128x64xf32, #tpu.memory_space<hbm>>
    tpu.wait_dma2 semaphore(%arg16 : memref<!tpu.dma_semaphore, #tpu.memory_space<semaphore_mem>>) src(%arg14 : memref<128x64xf32, #tpu.memory_space<vmem>>) dst(%dma_wait3A_82 : memref<128x64xf32, #tpu.memory_space<hbm>>)
    return
  }
}

module attributes {stable_mosaic.version = 14 : i64} {
  func.func @_argmax_body(%arg0: i32, %arg1: memref<512x4096xf32, #tpu.memory_space<vmem>>, %arg2: memref<64x512x64xf32, #tpu.memory_space<vmem>>, %arg3: memref<64x512xi32, #tpu.memory_space<vmem>>) attributes {dimension_semantics = [#tpu.dimension_semantics<arbitrary>], iteration_bounds = array<i64: 8>, scalar_prefetch = 0 : i64, scratch_operands = 0 : i64, tpu.core_type = #tpu.core_type<tc>, window_params = [{transform_indices = @transform_0, window_bounds = array<i64: 512, 4096>}, {pipeline_mode = #tpu.pipeline_mode<synchronous>, transform_indices = @transform_1, window_bounds = array<i64: 64, 512, 64>}, {transform_indices = @transform_2, window_bounds = array<i64: 64, 512>}]} {
    %iota3A = tpu.iota {dimensions = array<i32: 0>} : vector<512x512xi32>
    %convert_element_type3A = arith.sitofp %iota3A : vector<512x512xi32> to vector<512x512xf32>
    %get3A = arith.constant 0 : index
    %get3A_0 = arith.constant 0 : index
    %get3A_1 = vector.load %arg1[%get3A, %get3A_0] : memref<512x4096xf32, #tpu.memory_space<vmem>>, vector<512x64xf32>
    %get3A_2 = arith.constant 0 : index
    %get3A_3 = arith.constant 0 : index
    %get3A_4 = arith.constant 0 : index
    %get3A_5 = vector.load %arg2[%get3A_2, %get3A_3, %get3A_4] : memref<64x512x64xf32, #tpu.memory_space<vmem>>, vector<1x512x64xf32>
    %get3A_6 = vector.shape_cast %get3A_5 : vector<1x512x64xf32> to vector<512x64xf32>
    %dot_general3A = arith.constant dense<0.000000e+00> : vector<512x512xf32>
    %dot_general3A_7 = tpu.matmul %get3A_6, %get3A_1, %dot_general3A {dimension_numbers = #tpu.dot_dimension_numbers<[1], [1], [0], [0], [0, 0, 1, 0], [], []>, transpose_lhs_hint = false} : vector<512x64xf32>, vector<512x64xf32>, vector<512x512xf32> -> vector<512x512xf32>
    %reduce_max3A = arith.constant dense<0xFF800000> : vector<512xf32>
    %reduce_max3A_8 = vector.multi_reduction <maximumf>, %dot_general3A_7, %reduce_max3A [0] : vector<512x512xf32> to vector<512xf32>
    %broadcast_in_dim3A = vector.shape_cast %reduce_max3A_8 : vector<512xf32> to vector<1x512xf32>
    %eq3A = vector.broadcast %broadcast_in_dim3A : vector<1x512xf32> to vector<512x512xf32>
    %eq3A_9 = arith.cmpf oeq, %dot_general3A_7, %eq3A : vector<512x512xf32>
    %jit3A = arith.constant 5.120000e+02 : f32
    %broadcast_in_dim3A_10 = vector.broadcast %jit3A : f32 to vector<512x512xf32>
    %select_n3A = arith.select %eq3A_9, %convert_element_type3A, %broadcast_in_dim3A_10 : vector<512x512xi1>, vector<512x512xf32>
    %reduce_min3A = arith.constant dense<0x7F800000> : vector<512xf32>
    %reduce_min3A_11 = vector.multi_reduction <minimumf>, %select_n3A, %reduce_min3A [0] : vector<512x512xf32> to vector<512xf32>
    %convert_element_type3A_12 = arith.fptosi %reduce_min3A_11 : vector<512xf32> to vector<512xi32>
    %add3A = arith.constant 0 : i32
    %add3A_13 = vector.broadcast %add3A : i32 to vector<512xi32>
    %add3A_14 = arith.addi %convert_element_type3A_12, %add3A_13 : vector<512xi32>
    %broadcast_in_dim3A_15 = vector.shape_cast %add3A_14 : vector<512xi32> to vector<1x512xi32>
    %swap3A = arith.constant 0 : index
    %swap3A_16 = arith.constant 0 : index
    %swap3A_17 = vector.load %arg3[%swap3A, %swap3A_16] : memref<64x512xi32, #tpu.memory_space<vmem>>, vector<1x512xi32>
    tpu.vector_store %arg3[%swap3A, %swap3A_16], %broadcast_in_dim3A_15 {strides = array<i32>} : memref<64x512xi32, #tpu.memory_space<vmem>>, vector<1x512xi32>,
    %get3A_18 = arith.constant 0 : index
    %get3A_19 = arith.constant 64 : index
    %get3A_20 = vector.load %arg1[%get3A_18, %get3A_19] : memref<512x4096xf32, #tpu.memory_space<vmem>>, vector<512x64xf32>
    %get3A_21 = arith.constant 1 : index
    %get3A_22 = arith.constant 0 : index
    %get3A_23 = arith.constant 0 : index
    %get3A_24 = vector.load %arg2[%get3A_21, %get3A_22, %get3A_23] : memref<64x512x64xf32, #tpu.memory_space<vmem>>, vector<1x512x64xf32>
    %get3A_25 = vector.shape_cast %get3A_24 : vector<1x512x64xf32> to vector<512x64xf32>
    %dot_general3A_26 = arith.constant dense<0.000000e+00> : vector<512x512xf32>
    %dot_general3A_27 = tpu.matmul %get3A_25, %get3A_20, %dot_general3A_26 {dimension_numbers = #tpu.dot_dimension_numbers<[1], [1], [0], [0], [0, 0, 1, 0], [], []>, transpose_lhs_hint = false} : vector<512x64xf32>, vector<512x64xf32>, vector<512x512xf32> -> vector<512x512xf32>
    %reduce_max3A_28 = arith.constant dense<0xFF800000> : vector<512xf32>
    %reduce_max3A_29 = vector.multi_reduction <maximumf>, %dot_general3A_27, %reduce_max3A_28 [0] : vector<512x512xf32> to vector<512xf32>
    %broadcast_in_dim3A_30 = vector.shape_cast %reduce_max3A_29 : vector<512xf32> to vector<1x512xf32>
    %eq3A_31 = vector.broadcast %broadcast_in_dim3A_30 : vector<1x512xf32> to vector<512x512xf32>
    %eq3A_32 = arith.cmpf oeq, %dot_general3A_27, %eq3A_31 : vector<512x512xf32>
    %jit3A_33 = arith.constant 5.120000e+02 : f32
    %broadcast_in_dim3A_34 = vector.broadcast %jit3A_33 : f32 to vector<512x512xf32>
    %select_n3A_35 = arith.select %eq3A_32, %convert_element_type3A, %broadcast_in_dim3A_34 : vector<512x512xi1>, vector<512x512xf32>
    %reduce_min3A_36 = arith.constant dense<0x7F800000> : vector<512xf32>
    %reduce_min3A_37 = vector.multi_reduction <minimumf>, %select_n3A_35, %reduce_min3A_36 [0] : vector<512x512xf32> to vector<512xf32>
    %convert_element_type3A_38 = arith.fptosi %reduce_min3A_37 : vector<512xf32> to vector<512xi32>
    %add3A_39 = arith.constant 512 : i32
    %add3A_40 = vector.broadcast %add3A_39 : i32 to vector<512xi32>
    %add3A_41 = arith.addi %convert_element_type3A_38, %add3A_40 : vector<512xi32>
    %broadcast_in_dim3A_42 = vector.shape_cast %add3A_41 : vector<512xi32> to vector<1x512xi32>
    %swap3A_43 = arith.constant 1 : index
    %swap3A_44 = arith.constant 0 : index
    %swap3A_45 = vector.load %arg3[%swap3A_43, %swap3A_44] : memref<64x512xi32, #tpu.memory_space<vmem>>, vector<1x512xi32>
    tpu.vector_store %arg3[%swap3A_43, %swap3A_44], %broadcast_in_dim3A_42 {strides = array<i32>} : memref<64x512xi32, #tpu.memory_space<vmem>>, vector<1x512xi32>,
    %get3A_46 = arith.constant 0 : index
    %get3A_47 = arith.constant 128 : index
    %get3A_48 = vector.load %arg1[%get3A_46, %get3A_47] : memref<512x4096xf32, #tpu.memory_space<vmem>>, vector<512x64xf32>
    %get3A_49 = arith.constant 2 : index
    %get3A_50 = arith.constant 0 : index
    %get3A_51 = arith.constant 0 : index
    %get3A_52 = vector.load %arg2[%get3A_49, %get3A_50, %get3A_51] : memref<64x512x64xf32, #tpu.memory_space<vmem>>, vector<1x512x64xf32>
    %get3A_53 = vector.shape_cast %get3A_52 : vector<1x512x64xf32> to vector<512x64xf32>
    %dot_general3A_54 = arith.constant dense<0.000000e+00> : vector<512x512xf32>
    %dot_general3A_55 = tpu.matmul %get3A_53, %get3A_48, %dot_general3A_54 {dimension_numbers = #tpu.dot_dimension_numbers<[1], [1], [0], [0], [0, 0, 1, 0], [], []>, transpose_lhs_hint = false} : vector<512x64xf32>, vector<512x64xf32>, vector<512x512xf32> -> vector<512x512xf32>
    %reduce_max3A_56 = arith.constant dense<0xFF800000> : vector<512xf32>
    %reduce_max3A_57 = vector.multi_reduction <maximumf>, %dot_general3A_55, %reduce_max3A_56 [0] : vector<512x512xf32> to vector<512xf32>
    %broadcast_in_dim3A_58 = vector.shape_cast %reduce_max3A_57 : vector<512xf32> to vector<1x512xf32>
    %eq3A_59 = vector.broadcast %broadcast_in_dim3A_58 : vector<1x512xf32> to vector<512x512xf32>
    %eq3A_60 = arith.cmpf oeq, %dot_general3A_55, %eq3A_59 : vector<512x512xf32>
    %jit3A_61 = arith.constant 5.120000e+02 : f32
    %broadcast_in_dim3A_62 = vector.broadcast %jit3A_61 : f32 to vector<512x512xf32>
    %select_n3A_63 = arith.select %eq3A_60, %convert_element_type3A, %broadcast_in_dim3A_62 : vector<512x512xi1>, vector<512x512xf32>
    %reduce_min3A_64 = arith.constant dense<0x7F800000> : vector<512xf32>
    %reduce_min3A_65 = vector.multi_reduction <minimumf>, %select_n3A_63, %reduce_min3A_64 [0] : vector<512x512xf32> to vector<512xf32>
    %convert_element_type3A_66 = arith.fptosi %reduce_min3A_65 : vector<512xf32> to vector<512xi32>
    %add3A_67 = arith.constant 1024 : i32
    %add3A_68 = vector.broadcast %add3A_67 : i32 to vector<512xi32>
    %add3A_69 = arith.addi %convert_element_type3A_66, %add3A_68 : vector<512xi32>
    %broadcast_in_dim3A_70 = vector.shape_cast %add3A_69 : vector<512xi32> to vector<1x512xi32>
    %swap3A_71 = arith.constant 2 : index
    %swap3A_72 = arith.constant 0 : index
    %swap3A_73 = vector.load %arg3[%swap3A_71, %swap3A_72] : memref<64x512xi32, #tpu.memory_space<vmem>>, vector<1x512xi32>
    tpu.vector_store %arg3[%swap3A_71, %swap3A_72], %broadcast_in_dim3A_70 {strides = array<i32>} : memref<64x512xi32, #tpu.memory_space<vmem>>, vector<1x512xi32>,
    %get3A_74 = arith.constant 0 : index
    %get3A_75 = arith.constant 192 : index
    %get3A_76 = vector.load %arg1[%get3A_74, %get3A_75] : memref<512x4096xf32, #tpu.memory_space<vmem>>, vector<512x64xf32>
    %get3A_77 = arith.constant 3 : index
    %get3A_78 = arith.constant 0 : index
    %get3A_79 = arith.constant 0 : index
    %get3A_80 = vector.load %arg2[%get3A_77, %get3A_78, %get3A_79] : memref<64x512x64xf32, #tpu.memory_space<vmem>>, vector<1x512x64xf32>
    %get3A_81 = vector.shape_cast %get3A_80 : vector<1x512x64xf32> to vector<512x64xf32>
    %dot_general3A_82 = arith.constant dense<0.000000e+00> : vector<512x512xf32>
    %dot_general3A_83 = tpu.matmul %get3A_81, %get3A_76, %dot_general3A_82 {dimension_numbers = #tpu.dot_dimension_numbers<[1], [1], [0], [0], [0, 0, 1, 0], [], []>, transpose_lhs_hint = false} : vector<512x64xf32>, vector<512x64xf32>, vector<512x512xf32> -> vector<512x512xf32>
    %reduce_max3A_84 = arith.constant dense<0xFF800000> : vector<512xf32>
    %reduce_max3A_85 = vector.multi_reduction <maximumf>, %dot_general3A_83, %reduce_max3A_84 [0] : vector<512x512xf32> to vector<512xf32>
    %broadcast_in_dim3A_86 = vector.shape_cast %reduce_max3A_85 : vector<512xf32> to vector<1x512xf32>
    %eq3A_87 = vector.broadcast %broadcast_in_dim3A_86 : vector<1x512xf32> to vector<512x512xf32>
    %eq3A_88 = arith.cmpf oeq, %dot_general3A_83, %eq3A_87 : vector<512x512xf32>
    %jit3A_89 = arith.constant 5.120000e+02 : f32
    %broadcast_in_dim3A_90 = vector.broadcast %jit3A_89 : f32 to vector<512x512xf32>
    %select_n3A_91 = arith.select %eq3A_88, %convert_element_type3A, %broadcast_in_dim3A_90 : vector<512x512xi1>, vector<512x512xf32>
    %reduce_min3A_92 = arith.constant dense<0x7F800000> : vector<512xf32>
    %reduce_min3A_93 = vector.multi_reduction <minimumf>, %select_n3A_91, %reduce_min3A_92 [0] : vector<512x512xf32> to vector<512xf32>
    %convert_element_type3A_94 = arith.fptosi %reduce_min3A_93 : vector<512xf32> to vector<512xi32>
    %add3A_95 = arith.constant 1536 : i32
    %add3A_96 = vector.broadcast %add3A_95 : i32 to vector<512xi32>
    %add3A_97 = arith.addi %convert_element_type3A_94, %add3A_96 : vector<512xi32>
    %broadcast_in_dim3A_98 = vector.shape_cast %add3A_97 : vector<512xi32> to vector<1x512xi32>
    %swap3A_99 = arith.constant 3 : index
    %swap3A_100 = arith.constant 0 : index
    %swap3A_101 = vector.load %arg3[%swap3A_99, %swap3A_100] : memref<64x512xi32, #tpu.memory_space<vmem>>, vector<1x512xi32>
    tpu.vector_store %arg3[%swap3A_99, %swap3A_100], %broadcast_in_dim3A_98 {strides = array<i32>} : memref<64x512xi32, #tpu.memory_space<vmem>>, vector<1x512xi32>,
    %get3A_102 = arith.constant 0 : index
    %get3A_103 = arith.constant 256 : index
    %get3A_104 = vector.load %arg1[%get3A_102, %get3A_103] : memref<512x4096xf32, #tpu.memory_space<vmem>>, vector<512x64xf32>
    %get3A_105 = arith.constant 4 : index
    %get3A_106 = arith.constant 0 : index
    %get3A_107 = arith.constant 0 : index
    %get3A_108 = vector.load %arg2[%get3A_105, %get3A_106, %get3A_107] : memref<64x512x64xf32, #tpu.memory_space<vmem>>, vector<1x512x64xf32>
    %get3A_109 = vector.shape_cast %get3A_108 : vector<1x512x64xf32> to vector<512x64xf32>
    %dot_general3A_110 = arith.constant dense<0.000000e+00> : vector<512x512xf32>
    %dot_general3A_111 = tpu.matmul %get3A_109, %get3A_104, %dot_general3A_110 {dimension_numbers = #tpu.dot_dimension_numbers<[1], [1], [0], [0], [0, 0, 1, 0], [], []>, transpose_lhs_hint = false} : vector<512x64xf32>, vector<512x64xf32>, vector<512x512xf32> -> vector<512x512xf32>
    %reduce_max3A_112 = arith.constant dense<0xFF800000> : vector<512xf32>
    %reduce_max3A_113 = vector.multi_reduction <maximumf>, %dot_general3A_111, %reduce_max3A_112 [0] : vector<512x512xf32> to vector<512xf32>
    %broadcast_in_dim3A_114 = vector.shape_cast %reduce_max3A_113 : vector<512xf32> to vector<1x512xf32>
    %eq3A_115 = vector.broadcast %broadcast_in_dim3A_114 : vector<1x512xf32> to vector<512x512xf32>
    %eq3A_116 = arith.cmpf oeq, %dot_general3A_111, %eq3A_115 : vector<512x512xf32>
    %jit3A_117 = arith.constant 5.120000e+02 : f32
    %broadcast_in_dim3A_118 = vector.broadcast %jit3A_117 : f32 to vector<512x512xf32>
    %select_n3A_119 = arith.select %eq3A_116, %convert_element_type3A, %broadcast_in_dim3A_118 : vector<512x512xi1>, vector<512x512xf32>
    %reduce_min3A_120 = arith.constant dense<0x7F800000> : vector<512xf32>
    %reduce_min3A_121 = vector.multi_reduction <minimumf>, %select_n3A_119, %reduce_min3A_120 [0] : vector<512x512xf32> to vector<512xf32>
    %convert_element_type3A_122 = arith.fptosi %reduce_min3A_121 : vector<512xf32> to vector<512xi32>
    %add3A_123 = arith.constant 2048 : i32
    %add3A_124 = vector.broadcast %add3A_123 : i32 to vector<512xi32>
    %add3A_125 = arith.addi %convert_element_type3A_122, %add3A_124 : vector<512xi32>
    %broadcast_in_dim3A_126 = vector.shape_cast %add3A_125 : vector<512xi32> to vector<1x512xi32>
    %swap3A_127 = arith.constant 4 : index
    %swap3A_128 = arith.constant 0 : index
    %swap3A_129 = vector.load %arg3[%swap3A_127, %swap3A_128] : memref<64x512xi32, #tpu.memory_space<vmem>>, vector<1x512xi32>
    tpu.vector_store %arg3[%swap3A_127, %swap3A_128], %broadcast_in_dim3A_126 {strides = array<i32>} : memref<64x512xi32, #tpu.memory_space<vmem>>, vector<1x512xi32>,
    %get3A_130 = arith.constant 0 : index
    %get3A_131 = arith.constant 320 : index
    %get3A_132 = vector.load %arg1[%get3A_130, %get3A_131] : memref<512x4096xf32, #tpu.memory_space<vmem>>, vector<512x64xf32>
    %get3A_133 = arith.constant 5 : index
    %get3A_134 = arith.constant 0 : index
    %get3A_135 = arith.constant 0 : index
    %get3A_136 = vector.load %arg2[%get3A_133, %get3A_134, %get3A_135] : memref<64x512x64xf32, #tpu.memory_space<vmem>>, vector<1x512x64xf32>
    %get3A_137 = vector.shape_cast %get3A_136 : vector<1x512x64xf32> to vector<512x64xf32>
    %dot_general3A_138 = arith.constant dense<0.000000e+00> : vector<512x512xf32>
    %dot_general3A_139 = tpu.matmul %get3A_137, %get3A_132, %dot_general3A_138 {dimension_numbers = #tpu.dot_dimension_numbers<[1], [1], [0], [0], [0, 0, 1, 0], [], []>, transpose_lhs_hint = false} : vector<512x64xf32>, vector<512x64xf32>, vector<512x512xf32> -> vector<512x512xf32>
    %reduce_max3A_140 = arith.constant dense<0xFF800000> : vector<512xf32>
    %reduce_max3A_141 = vector.multi_reduction <maximumf>, %dot_general3A_139, %reduce_max3A_140 [0] : vector<512x512xf32> to vector<512xf32>
    %broadcast_in_dim3A_142 = vector.shape_cast %reduce_max3A_141 : vector<512xf32> to vector<1x512xf32>
    %eq3A_143 = vector.broadcast %broadcast_in_dim3A_142 : vector<1x512xf32> to vector<512x512xf32>
    %eq3A_144 = arith.cmpf oeq, %dot_general3A_139, %eq3A_143 : vector<512x512xf32>
    %jit3A_145 = arith.constant 5.120000e+02 : f32
    %broadcast_in_dim3A_146 = vector.broadcast %jit3A_145 : f32 to vector<512x512xf32>
    %select_n3A_147 = arith.select %eq3A_144, %convert_element_type3A, %broadcast_in_dim3A_146 : vector<512x512xi1>, vector<512x512xf32>
    %reduce_min3A_148 = arith.constant dense<0x7F800000> : vector<512xf32>
    %reduce_min3A_149 = vector.multi_reduction <minimumf>, %select_n3A_147, %reduce_min3A_148 [0] : vector<512x512xf32> to vector<512xf32>
    %convert_element_type3A_150 = arith.fptosi %reduce_min3A_149 : vector<512xf32> to vector<512xi32>
    %add3A_151 = arith.constant 2560 : i32
    %add3A_152 = vector.broadcast %add3A_151 : i32 to vector<512xi32>
    %add3A_153 = arith.addi %convert_element_type3A_150, %add3A_152 : vector<512xi32>
    %broadcast_in_dim3A_154 = vector.shape_cast %add3A_153 : vector<512xi32> to vector<1x512xi32>
    %swap3A_155 = arith.constant 5 : index
    %swap3A_156 = arith.constant 0 : index
    %swap3A_157 = vector.load %arg3[%swap3A_155, %swap3A_156] : memref<64x512xi32, #tpu.memory_space<vmem>>, vector<1x512xi32>
    tpu.vector_store %arg3[%swap3A_155, %swap3A_156], %broadcast_in_dim3A_154 {strides = array<i32>} : memref<64x512xi32, #tpu.memory_space<vmem>>, vector<1x512xi32>,
    %get3A_158 = arith.constant 0 : index
    %get3A_159 = arith.constant 384 : index
    %get3A_160 = vector.load %arg1[%get3A_158, %get3A_159] : memref<512x4096xf32, #tpu.memory_space<vmem>>, vector<512x64xf32>
    %get3A_161 = arith.constant 6 : index
    %get3A_162 = arith.constant 0 : index
    %get3A_163 = arith.constant 0 : index
    %get3A_164 = vector.load %arg2[%get3A_161, %get3A_162, %get3A_163] : memref<64x512x64xf32, #tpu.memory_space<vmem>>, vector<1x512x64xf32>
    %get3A_165 = vector.shape_cast %get3A_164 : vector<1x512x64xf32> to vector<512x64xf32>
    %dot_general3A_166 = arith.constant dense<0.000000e+00> : vector<512x512xf32>
    %dot_general3A_167 = tpu.matmul %get3A_165, %get3A_160, %dot_general3A_166 {dimension_numbers = #tpu.dot_dimension_numbers<[1], [1], [0], [0], [0, 0, 1, 0], [], []>, transpose_lhs_hint = false} : vector<512x64xf32>, vector<512x64xf32>, vector<512x512xf32> -> vector<512x512xf32>
    %reduce_max3A_168 = arith.constant dense<0xFF800000> : vector<512xf32>
    %reduce_max3A_169 = vector.multi_reduction <maximumf>, %dot_general3A_167, %reduce_max3A_168 [0] : vector<512x512xf32> to vector<512xf32>
    %broadcast_in_dim3A_170 = vector.shape_cast %reduce_max3A_169 : vector<512xf32> to vector<1x512xf32>
    %eq3A_171 = vector.broadcast %broadcast_in_dim3A_170 : vector<1x512xf32> to vector<512x512xf32>
    %eq3A_172 = arith.cmpf oeq, %dot_general3A_167, %eq3A_171 : vector<512x512xf32>
    %jit3A_173 = arith.constant 5.120000e+02 : f32
    %broadcast_in_dim3A_174 = vector.broadcast %jit3A_173 : f32 to vector<512x512xf32>
    %select_n3A_175 = arith.select %eq3A_172, %convert_element_type3A, %broadcast_in_dim3A_174 : vector<512x512xi1>, vector<512x512xf32>
    %reduce_min3A_176 = arith.constant dense<0x7F800000> : vector<512xf32>
    %reduce_min3A_177 = vector.multi_reduction <minimumf>, %select_n3A_175, %reduce_min3A_176 [0] : vector<512x512xf32> to vector<512xf32>
    %convert_element_type3A_178 = arith.fptosi %reduce_min3A_177 : vector<512xf32> to vector<512xi32>
    %add3A_179 = arith.constant 3072 : i32
    %add3A_180 = vector.broadcast %add3A_179 : i32 to vector<512xi32>
    %add3A_181 = arith.addi %convert_element_type3A_178, %add3A_180 : vector<512xi32>
    %broadcast_in_dim3A_182 = vector.shape_cast %add3A_181 : vector<512xi32> to vector<1x512xi32>
    %swap3A_183 = arith.constant 6 : index
    %swap3A_184 = arith.constant 0 : index
    %swap3A_185 = vector.load %arg3[%swap3A_183, %swap3A_184] : memref<64x512xi32, #tpu.memory_space<vmem>>, vector<1x512xi32>
    tpu.vector_store %arg3[%swap3A_183, %swap3A_184], %broadcast_in_dim3A_182 {strides = array<i32>} : memref<64x512xi32, #tpu.memory_space<vmem>>, vector<1x512xi32>,
    %get3A_186 = arith.constant 0 : index
    %get3A_187 = arith.constant 448 : index
    %get3A_188 = vector.load %arg1[%get3A_186, %get3A_187] : memref<512x4096xf32, #tpu.memory_space<vmem>>, vector<512x64xf32>
    %get3A_189 = arith.constant 7 : index
    %get3A_190 = arith.constant 0 : index
    %get3A_191 = arith.constant 0 : index
    %get3A_192 = vector.load %arg2[%get3A_189, %get3A_190, %get3A_191] : memref<64x512x64xf32, #tpu.memory_space<vmem>>, vector<1x512x64xf32>
    %get3A_193 = vector.shape_cast %get3A_192 : vector<1x512x64xf32> to vector<512x64xf32>
    %dot_general3A_194 = arith.constant dense<0.000000e+00> : vector<512x512xf32>
    %dot_general3A_195 = tpu.matmul %get3A_193, %get3A_188, %dot_general3A_194 {dimension_numbers = #tpu.dot_dimension_numbers<[1], [1], [0], [0], [0, 0, 1, 0], [], []>, transpose_lhs_hint = false} : vector<512x64xf32>, vector<512x64xf32>, vector<512x512xf32> -> vector<512x512xf32>
    %reduce_max3A_196 = arith.constant dense<0xFF800000> : vector<512xf32>
    %reduce_max3A_197 = vector.multi_reduction <maximumf>, %dot_general3A_195, %reduce_max3A_196 [0] : vector<512x512xf32> to vector<512xf32>
    %broadcast_in_dim3A_198 = vector.shape_cast %reduce_max3A_197 : vector<512xf32> to vector<1x512xf32>
    %eq3A_199 = vector.broadcast %broadcast_in_dim3A_198 : vector<1x512xf32> to vector<512x512xf32>
    %eq3A_200 = arith.cmpf oeq, %dot_general3A_195, %eq3A_199 : vector<512x512xf32>
    %jit3A_201 = arith.constant 5.120000e+02 : f32
    %broadcast_in_dim3A_202 = vector.broadcast %jit3A_201 : f32 to vector<512x512xf32>
    %select_n3A_203 = arith.select %eq3A_200, %convert_element_type3A, %broadcast_in_dim3A_202 : vector<512x512xi1>, vector<512x512xf32>
    %reduce_min3A_204 = arith.constant dense<0x7F800000> : vector<512xf32>
    %reduce_min3A_205 = vector.multi_reduction <minimumf>, %select_n3A_203, %reduce_min3A_204 [0] : vector<512x512xf32> to vector<512xf32>
    %convert_element_type3A_206 = arith.fptosi %reduce_min3A_205 : vector<512xf32> to vector<512xi32>
    %add3A_207 = arith.constant 3584 : i32
    %add3A_208 = vector.broadcast %add3A_207 : i32 to vector<512xi32>
    %add3A_209 = arith.addi %convert_element_type3A_206, %add3A_208 : vector<512xi32>
    %broadcast_in_dim3A_210 = vector.shape_cast %add3A_209 : vector<512xi32> to vector<1x512xi32>
    %swap3A_211 = arith.constant 7 : index
    %swap3A_212 = arith.constant 0 : index
    %swap3A_213 = vector.load %arg3[%swap3A_211, %swap3A_212] : memref<64x512xi32, #tpu.memory_space<vmem>>, vector<1x512xi32>
    tpu.vector_store %arg3[%swap3A_211, %swap3A_212], %broadcast_in_dim3A_210 {strides = array<i32>} : memref<64x512xi32, #tpu.memory_space<vmem>>, vector<1x512xi32>,
    %get3A_214 = arith.constant 0 : index
    %get3A_215 = arith.constant 512 : index
    %get3A_216 = vector.load %arg1[%get3A_214, %get3A_215] : memref<512x4096xf32, #tpu.memory_space<vmem>>, vector<512x64xf32>
    %get3A_217 = arith.constant 8 : index
    %get3A_218 = arith.constant 0 : index
    %get3A_219 = arith.constant 0 : index
    %get3A_220 = vector.load %arg2[%get3A_217, %get3A_218, %get3A_219] : memref<64x512x64xf32, #tpu.memory_space<vmem>>, vector<1x512x64xf32>
    %get3A_221 = vector.shape_cast %get3A_220 : vector<1x512x64xf32> to vector<512x64xf32>
    %dot_general3A_222 = arith.constant dense<0.000000e+00> : vector<512x512xf32>
    %dot_general3A_223 = tpu.matmul %get3A_221, %get3A_216, %dot_general3A_222 {dimension_numbers = #tpu.dot_dimension_numbers<[1], [1], [0], [0], [0, 0, 1, 0], [], []>, transpose_lhs_hint = false} : vector<512x64xf32>, vector<512x64xf32>, vector<512x512xf32> -> vector<512x512xf32>
    %reduce_max3A_224 = arith.constant dense<0xFF800000> : vector<512xf32>
    %reduce_max3A_225 = vector.multi_reduction <maximumf>, %dot_general3A_223, %reduce_max3A_224 [0] : vector<512x512xf32> to vector<512xf32>
    %broadcast_in_dim3A_226 = vector.shape_cast %reduce_max3A_225 : vector<512xf32> to vector<1x512xf32>
    %eq3A_227 = vector.broadcast %broadcast_in_dim3A_226 : vector<1x512xf32> to vector<512x512xf32>
    %eq3A_228 = arith.cmpf oeq, %dot_general3A_223, %eq3A_227 : vector<512x512xf32>
    %jit3A_229 = arith.constant 5.120000e+02 : f32
    %broadcast_in_dim3A_230 = vector.broadcast %jit3A_229 : f32 to vector<512x512xf32>
    %select_n3A_231 = arith.select %eq3A_228, %convert_element_type3A, %broadcast_in_dim3A_230 : vector<512x512xi1>, vector<512x512xf32>
    %reduce_min3A_232 = arith.constant dense<0x7F800000> : vector<512xf32>
    %reduce_min3A_233 = vector.multi_reduction <minimumf>, %select_n3A_231, %reduce_min3A_232 [0] : vector<512x512xf32> to vector<512xf32>
    %convert_element_type3A_234 = arith.fptosi %reduce_min3A_233 : vector<512xf32> to vector<512xi32>
    %add3A_235 = arith.constant 4096 : i32
    %add3A_236 = vector.broadcast %add3A_235 : i32 to vector<512xi32>
    %add3A_237 = arith.addi %convert_element_type3A_234, %add3A_236 : vector<512xi32>
    %broadcast_in_dim3A_238 = vector.shape_cast %add3A_237 : vector<512xi32> to vector<1x512xi32>
    %swap3A_239 = arith.constant 8 : index
    %swap3A_240 = arith.constant 0 : index
    %swap3A_241 = vector.load %arg3[%swap3A_239, %swap3A_240] : memref<64x512xi32, #tpu.memory_space<vmem>>, vector<1x512xi32>
    tpu.vector_store %arg3[%swap3A_239, %swap3A_240], %broadcast_in_dim3A_238 {strides = array<i32>} : memref<64x512xi32, #tpu.memory_space<vmem>>, vector<1x512xi32>,
    %get3A_242 = arith.constant 0 : index
    %get3A_243 = arith.constant 576 : index
    %get3A_244 = vector.load %arg1[%get3A_242, %get3A_243] : memref<512x4096xf32, #tpu.memory_space<vmem>>, vector<512x64xf32>
    %get3A_245 = arith.constant 9 : index
    %get3A_246 = arith.constant 0 : index
    %get3A_247 = arith.constant 0 : index
    %get3A_248 = vector.load %arg2[%get3A_245, %get3A_246, %get3A_247] : memref<64x512x64xf32, #tpu.memory_space<vmem>>, vector<1x512x64xf32>
    %get3A_249 = vector.shape_cast %get3A_248 : vector<1x512x64xf32> to vector<512x64xf32>
    %dot_general3A_250 = arith.constant dense<0.000000e+00> : vector<512x512xf32>
    %dot_general3A_251 = tpu.matmul %get3A_249, %get3A_244, %dot_general3A_250 {dimension_numbers = #tpu.dot_dimension_numbers<[1], [1], [0], [0], [0, 0, 1, 0], [], []>, transpose_lhs_hint = false} : vector<512x64xf32>, vector<512x64xf32>, vector<512x512xf32> -> vector<512x512xf32>
    %reduce_max3A_252 = arith.constant dense<0xFF800000> : vector<512xf32>
    %reduce_max3A_253 = vector.multi_reduction <maximumf>, %dot_general3A_251, %reduce_max3A_252 [0] : vector<512x512xf32> to vector<512xf32>
    %broadcast_in_dim3A_254 = vector.shape_cast %reduce_max3A_253 : vector<512xf32> to vector<1x512xf32>
    %eq3A_255 = vector.broadcast %broadcast_in_dim3A_254 : vector<1x512xf32> to vector<512x512xf32>
    %eq3A_256 = arith.cmpf oeq, %dot_general3A_251, %eq3A_255 : vector<512x512xf32>
    %jit3A_257 = arith.constant 5.120000e+02 : f32
    %broadcast_in_dim3A_258 = vector.broadcast %jit3A_257 : f32 to vector<512x512xf32>
    %select_n3A_259 = arith.select %eq3A_256, %convert_element_type3A, %broadcast_in_dim3A_258 : vector<512x512xi1>, vector<512x512xf32>
    %reduce_min3A_260 = arith.constant dense<0x7F800000> : vector<512xf32>
    %reduce_min3A_261 = vector.multi_reduction <minimumf>, %select_n3A_259, %reduce_min3A_260 [0] : vector<512x512xf32> to vector<512xf32>
    %convert_element_type3A_262 = arith.fptosi %reduce_min3A_261 : vector<512xf32> to vector<512xi32>
    %add3A_263 = arith.constant 4608 : i32
    %add3A_264 = vector.broadcast %add3A_263 : i32 to vector<512xi32>
    %add3A_265 = arith.addi %convert_element_type3A_262, %add3A_264 : vector<512xi32>
    %broadcast_in_dim3A_266 = vector.shape_cast %add3A_265 : vector<512xi32> to vector<1x512xi32>
    %swap3A_267 = arith.constant 9 : index
    %swap3A_268 = arith.constant 0 : index
    %swap3A_269 = vector.load %arg3[%swap3A_267, %swap3A_268] : memref<64x512xi32, #tpu.memory_space<vmem>>, vector<1x512xi32>
    tpu.vector_store %arg3[%swap3A_267, %swap3A_268], %broadcast_in_dim3A_266 {strides = array<i32>} : memref<64x512xi32, #tpu.memory_space<vmem>>, vector<1x512xi32>,
    %get3A_270 = arith.constant 0 : index
    %get3A_271 = arith.constant 640 : index
    %get3A_272 = vector.load %arg1[%get3A_270, %get3A_271] : memref<512x4096xf32, #tpu.memory_space<vmem>>, vector<512x64xf32>
    %get3A_273 = arith.constant 10 : index
    %get3A_274 = arith.constant 0 : index
    %get3A_275 = arith.constant 0 : index
    %get3A_276 = vector.load %arg2[%get3A_273, %get3A_274, %get3A_275] : memref<64x512x64xf32, #tpu.memory_space<vmem>>, vector<1x512x64xf32>
    %get3A_277 = vector.shape_cast %get3A_276 : vector<1x512x64xf32> to vector<512x64xf32>
    %dot_general3A_278 = arith.constant dense<0.000000e+00> : vector<512x512xf32>
    %dot_general3A_279 = tpu.matmul %get3A_277, %get3A_272, %dot_general3A_278 {dimension_numbers = #tpu.dot_dimension_numbers<[1], [1], [0], [0], [0, 0, 1, 0], [], []>, transpose_lhs_hint = false} : vector<512x64xf32>, vector<512x64xf32>, vector<512x512xf32> -> vector<512x512xf32>
    %reduce_max3A_280 = arith.constant dense<0xFF800000> : vector<512xf32>
    %reduce_max3A_281 = vector.multi_reduction <maximumf>, %dot_general3A_279, %reduce_max3A_280 [0] : vector<512x512xf32> to vector<512xf32>
    %broadcast_in_dim3A_282 = vector.shape_cast %reduce_max3A_281 : vector<512xf32> to vector<1x512xf32>
    %eq3A_283 = vector.broadcast %broadcast_in_dim3A_282 : vector<1x512xf32> to vector<512x512xf32>
    %eq3A_284 = arith.cmpf oeq, %dot_general3A_279, %eq3A_283 : vector<512x512xf32>
    %jit3A_285 = arith.constant 5.120000e+02 : f32
    %broadcast_in_dim3A_286 = vector.broadcast %jit3A_285 : f32 to vector<512x512xf32>
    %select_n3A_287 = arith.select %eq3A_284, %convert_element_type3A, %broadcast_in_dim3A_286 : vector<512x512xi1>, vector<512x512xf32>
    %reduce_min3A_288 = arith.constant dense<0x7F800000> : vector<512xf32>
    %reduce_min3A_289 = vector.multi_reduction <minimumf>, %select_n3A_287, %reduce_min3A_288 [0] : vector<512x512xf32> to vector<512xf32>
    %convert_element_type3A_290 = arith.fptosi %reduce_min3A_289 : vector<512xf32> to vector<512xi32>
    %add3A_291 = arith.constant 5120 : i32
    %add3A_292 = vector.broadcast %add3A_291 : i32 to vector<512xi32>
    %add3A_293 = arith.addi %convert_element_type3A_290, %add3A_292 : vector<512xi32>
    %broadcast_in_dim3A_294 = vector.shape_cast %add3A_293 : vector<512xi32> to vector<1x512xi32>
    %swap3A_295 = arith.constant 10 : index
    %swap3A_296 = arith.constant 0 : index
    %swap3A_297 = vector.load %arg3[%swap3A_295, %swap3A_296] : memref<64x512xi32, #tpu.memory_space<vmem>>, vector<1x512xi32>
    tpu.vector_store %arg3[%swap3A_295, %swap3A_296], %broadcast_in_dim3A_294 {strides = array<i32>} : memref<64x512xi32, #tpu.memory_space<vmem>>, vector<1x512xi32>,
    %get3A_298 = arith.constant 0 : index
    %get3A_299 = arith.constant 704 : index
    %get3A_300 = vector.load %arg1[%get3A_298, %get3A_299] : memref<512x4096xf32, #tpu.memory_space<vmem>>, vector<512x64xf32>
    %get3A_301 = arith.constant 11 : index
    %get3A_302 = arith.constant 0 : index
    %get3A_303 = arith.constant 0 : index
    %get3A_304 = vector.load %arg2[%get3A_301, %get3A_302, %get3A_303] : memref<64x512x64xf32, #tpu.memory_space<vmem>>, vector<1x512x64xf32>
    %get3A_305 = vector.shape_cast %get3A_304 : vector<1x512x64xf32> to vector<512x64xf32>
    %dot_general3A_306 = arith.constant dense<0.000000e+00> : vector<512x512xf32>
    %dot_general3A_307 = tpu.matmul %get3A_305, %get3A_300, %dot_general3A_306 {dimension_numbers = #tpu.dot_dimension_numbers<[1], [1], [0], [0], [0, 0, 1, 0], [], []>, transpose_lhs_hint = false} : vector<512x64xf32>, vector<512x64xf32>, vector<512x512xf32> -> vector<512x512xf32>
    %reduce_max3A_308 = arith.constant dense<0xFF800000> : vector<512xf32>
    %reduce_max3A_309 = vector.multi_reduction <maximumf>, %dot_general3A_307, %reduce_max3A_308 [0] : vector<512x512xf32> to vector<512xf32>
    %broadcast_in_dim3A_310 = vector.shape_cast %reduce_max3A_309 : vector<512xf32> to vector<1x512xf32>
    %eq3A_311 = vector.broadcast %broadcast_in_dim3A_310 : vector<1x512xf32> to vector<512x512xf32>
    %eq3A_312 = arith.cmpf oeq, %dot_general3A_307, %eq3A_311 : vector<512x512xf32>
    %jit3A_313 = arith.constant 5.120000e+02 : f32
    %broadcast_in_dim3A_314 = vector.broadcast %jit3A_313 : f32 to vector<512x512xf32>
    %select_n3A_315 = arith.select %eq3A_312, %convert_element_type3A, %broadcast_in_dim3A_314 : vector<512x512xi1>, vector<512x512xf32>
    %reduce_min3A_316 = arith.constant dense<0x7F800000> : vector<512xf32>
    %reduce_min3A_317 = vector.multi_reduction <minimumf>, %select_n3A_315, %reduce_min3A_316 [0] : vector<512x512xf32> to vector<512xf32>
    %convert_element_type3A_318 = arith.fptosi %reduce_min3A_317 : vector<512xf32> to vector<512xi32>
    %add3A_319 = arith.constant 5632 : i32
    %add3A_320 = vector.broadcast %add3A_319 : i32 to vector<512xi32>
    %add3A_321 = arith.addi %convert_element_type3A_318, %add3A_320 : vector<512xi32>
    %broadcast_in_dim3A_322 = vector.shape_cast %add3A_321 : vector<512xi32> to vector<1x512xi32>
    %swap3A_323 = arith.constant 11 : index
    %swap3A_324 = arith.constant 0 : index
    %swap3A_325 = vector.load %arg3[%swap3A_323, %swap3A_324] : memref<64x512xi32, #tpu.memory_space<vmem>>, vector<1x512xi32>
    tpu.vector_store %arg3[%swap3A_323, %swap3A_324], %broadcast_in_dim3A_322 {strides = array<i32>} : memref<64x512xi32, #tpu.memory_space<vmem>>, vector<1x512xi32>,
    %get3A_326 = arith.constant 0 : index
    %get3A_327 = arith.constant 768 : index
    %get3A_328 = vector.load %arg1[%get3A_326, %get3A_327] : memref<512x4096xf32, #tpu.memory_space<vmem>>, vector<512x64xf32>
    %get3A_329 = arith.constant 12 : index
    %get3A_330 = arith.constant 0 : index
    %get3A_331 = arith.constant 0 : index
    %get3A_332 = vector.load %arg2[%get3A_329, %get3A_330, %get3A_331] : memref<64x512x64xf32, #tpu.memory_space<vmem>>, vector<1x512x64xf32>
    %get3A_333 = vector.shape_cast %get3A_332 : vector<1x512x64xf32> to vector<512x64xf32>
    %dot_general3A_334 = arith.constant dense<0.000000e+00> : vector<512x512xf32>
    %dot_general3A_335 = tpu.matmul %get3A_333, %get3A_328, %dot_general3A_334 {dimension_numbers = #tpu.dot_dimension_numbers<[1], [1], [0], [0], [0, 0, 1, 0], [], []>, transpose_lhs_hint = false} : vector<512x64xf32>, vector<512x64xf32>, vector<512x512xf32> -> vector<512x512xf32>
    %reduce_max3A_336 = arith.constant dense<0xFF800000> : vector<512xf32>
    %reduce_max3A_337 = vector.multi_reduction <maximumf>, %dot_general3A_335, %reduce_max3A_336 [0] : vector<512x512xf32> to vector<512xf32>
    %broadcast_in_dim3A_338 = vector.shape_cast %reduce_max3A_337 : vector<512xf32> to vector<1x512xf32>
    %eq3A_339 = vector.broadcast %broadcast_in_dim3A_338 : vector<1x512xf32> to vector<512x512xf32>
    %eq3A_340 = arith.cmpf oeq, %dot_general3A_335, %eq3A_339 : vector<512x512xf32>
    %jit3A_341 = arith.constant 5.120000e+02 : f32
    %broadcast_in_dim3A_342 = vector.broadcast %jit3A_341 : f32 to vector<512x512xf32>
    %select_n3A_343 = arith.select %eq3A_340, %convert_element_type3A, %broadcast_in_dim3A_342 : vector<512x512xi1>, vector<512x512xf32>
    %reduce_min3A_344 = arith.constant dense<0x7F800000> : vector<512xf32>
    %reduce_min3A_345 = vector.multi_reduction <minimumf>, %select_n3A_343, %reduce_min3A_344 [0] : vector<512x512xf32> to vector<512xf32>
    %convert_element_type3A_346 = arith.fptosi %reduce_min3A_345 : vector<512xf32> to vector<512xi32>
    %add3A_347 = arith.constant 6144 : i32
    %add3A_348 = vector.broadcast %add3A_347 : i32 to vector<512xi32>
    %add3A_349 = arith.addi %convert_element_type3A_346, %add3A_348 : vector<512xi32>
    %broadcast_in_dim3A_350 = vector.shape_cast %add3A_349 : vector<512xi32> to vector<1x512xi32>
    %swap3A_351 = arith.constant 12 : index
    %swap3A_352 = arith.constant 0 : index
    %swap3A_353 = vector.load %arg3[%swap3A_351, %swap3A_352] : memref<64x512xi32, #tpu.memory_space<vmem>>, vector<1x512xi32>
    tpu.vector_store %arg3[%swap3A_351, %swap3A_352], %broadcast_in_dim3A_350 {strides = array<i32>} : memref<64x512xi32, #tpu.memory_space<vmem>>, vector<1x512xi32>,
    %get3A_354 = arith.constant 0 : index
    %get3A_355 = arith.constant 832 : index
    %get3A_356 = vector.load %arg1[%get3A_354, %get3A_355] : memref<512x4096xf32, #tpu.memory_space<vmem>>, vector<512x64xf32>
    %get3A_357 = arith.constant 13 : index
    %get3A_358 = arith.constant 0 : index
    %get3A_359 = arith.constant 0 : index
    %get3A_360 = vector.load %arg2[%get3A_357, %get3A_358, %get3A_359] : memref<64x512x64xf32, #tpu.memory_space<vmem>>, vector<1x512x64xf32>
    %get3A_361 = vector.shape_cast %get3A_360 : vector<1x512x64xf32> to vector<512x64xf32>
    %dot_general3A_362 = arith.constant dense<0.000000e+00> : vector<512x512xf32>
    %dot_general3A_363 = tpu.matmul %get3A_361, %get3A_356, %dot_general3A_362 {dimension_numbers = #tpu.dot_dimension_numbers<[1], [1], [0], [0], [0, 0, 1, 0], [], []>, transpose_lhs_hint = false} : vector<512x64xf32>, vector<512x64xf32>, vector<512x512xf32> -> vector<512x512xf32>
    %reduce_max3A_364 = arith.constant dense<0xFF800000> : vector<512xf32>
    %reduce_max3A_365 = vector.multi_reduction <maximumf>, %dot_general3A_363, %reduce_max3A_364 [0] : vector<512x512xf32> to vector<512xf32>
    %broadcast_in_dim3A_366 = vector.shape_cast %reduce_max3A_365 : vector<512xf32> to vector<1x512xf32>
    %eq3A_367 = vector.broadcast %broadcast_in_dim3A_366 : vector<1x512xf32> to vector<512x512xf32>
    %eq3A_368 = arith.cmpf oeq, %dot_general3A_363, %eq3A_367 : vector<512x512xf32>
    %jit3A_369 = arith.constant 5.120000e+02 : f32
    %broadcast_in_dim3A_370 = vector.broadcast %jit3A_369 : f32 to vector<512x512xf32>
    %select_n3A_371 = arith.select %eq3A_368, %convert_element_type3A, %broadcast_in_dim3A_370 : vector<512x512xi1>, vector<512x512xf32>
    %reduce_min3A_372 = arith.constant dense<0x7F800000> : vector<512xf32>
    %reduce_min3A_373 = vector.multi_reduction <minimumf>, %select_n3A_371, %reduce_min3A_372 [0] : vector<512x512xf32> to vector<512xf32>
    %convert_element_type3A_374 = arith.fptosi %reduce_min3A_373 : vector<512xf32> to vector<512xi32>
    %add3A_375 = arith.constant 6656 : i32
    %add3A_376 = vector.broadcast %add3A_375 : i32 to vector<512xi32>
    %add3A_377 = arith.addi %convert_element_type3A_374, %add3A_376 : vector<512xi32>
    %broadcast_in_dim3A_378 = vector.shape_cast %add3A_377 : vector<512xi32> to vector<1x512xi32>
    %swap3A_379 = arith.constant 13 : index
    %swap3A_380 = arith.constant 0 : index
    %swap3A_381 = vector.load %arg3[%swap3A_379, %swap3A_380] : memref<64x512xi32, #tpu.memory_space<vmem>>, vector<1x512xi32>
    tpu.vector_store %arg3[%swap3A_379, %swap3A_380], %broadcast_in_dim3A_378 {strides = array<i32>} : memref<64x512xi32, #tpu.memory_space<vmem>>, vector<1x512xi32>,
    %get3A_382 = arith.constant 0 : index
    %get3A_383 = arith.constant 896 : index
    %get3A_384 = vector.load %arg1[%get3A_382, %get3A_383] : memref<512x4096xf32, #tpu.memory_space<vmem>>, vector<512x64xf32>
    %get3A_385 = arith.constant 14 : index
    %get3A_386 = arith.constant 0 : index
    %get3A_387 = arith.constant 0 : index
    %get3A_388 = vector.load %arg2[%get3A_385, %get3A_386, %get3A_387] : memref<64x512x64xf32, #tpu.memory_space<vmem>>, vector<1x512x64xf32>
    %get3A_389 = vector.shape_cast %get3A_388 : vector<1x512x64xf32> to vector<512x64xf32>
    %dot_general3A_390 = arith.constant dense<0.000000e+00> : vector<512x512xf32>
    %dot_general3A_391 = tpu.matmul %get3A_389, %get3A_384, %dot_general3A_390 {dimension_numbers = #tpu.dot_dimension_numbers<[1], [1], [0], [0], [0, 0, 1, 0], [], []>, transpose_lhs_hint = false} : vector<512x64xf32>, vector<512x64xf32>, vector<512x512xf32> -> vector<512x512xf32>
    %reduce_max3A_392 = arith.constant dense<0xFF800000> : vector<512xf32>
    %reduce_max3A_393 = vector.multi_reduction <maximumf>, %dot_general3A_391, %reduce_max3A_392 [0] : vector<512x512xf32> to vector<512xf32>
    %broadcast_in_dim3A_394 = vector.shape_cast %reduce_max3A_393 : vector<512xf32> to vector<1x512xf32>
    %eq3A_395 = vector.broadcast %broadcast_in_dim3A_394 : vector<1x512xf32> to vector<512x512xf32>
    %eq3A_396 = arith.cmpf oeq, %dot_general3A_391, %eq3A_395 : vector<512x512xf32>
    %jit3A_397 = arith.constant 5.120000e+02 : f32
    %broadcast_in_dim3A_398 = vector.broadcast %jit3A_397 : f32 to vector<512x512xf32>
    %select_n3A_399 = arith.select %eq3A_396, %convert_element_type3A, %broadcast_in_dim3A_398 : vector<512x512xi1>, vector<512x512xf32>
    %reduce_min3A_400 = arith.constant dense<0x7F800000> : vector<512xf32>
    %reduce_min3A_401 = vector.multi_reduction <minimumf>, %select_n3A_399, %reduce_min3A_400 [0] : vector<512x512xf32> to vector<512xf32>
    %convert_element_type3A_402 = arith.fptosi %reduce_min3A_401 : vector<512xf32> to vector<512xi32>
    %add3A_403 = arith.constant 7168 : i32
    %add3A_404 = vector.broadcast %add3A_403 : i32 to vector<512xi32>
    %add3A_405 = arith.addi %convert_element_type3A_402, %add3A_404 : vector<512xi32>
    %broadcast_in_dim3A_406 = vector.shape_cast %add3A_405 : vector<512xi32> to vector<1x512xi32>
    %swap3A_407 = arith.constant 14 : index
    %swap3A_408 = arith.constant 0 : index
    %swap3A_409 = vector.load %arg3[%swap3A_407, %swap3A_408] : memref<64x512xi32, #tpu.memory_space<vmem>>, vector<1x512xi32>
    tpu.vector_store %arg3[%swap3A_407, %swap3A_408], %broadcast_in_dim3A_406 {strides = array<i32>} : memref<64x512xi32, #tpu.memory_space<vmem>>, vector<1x512xi32>,
    %get3A_410 = arith.constant 0 : index
    %get3A_411 = arith.constant 960 : index
    %get3A_412 = vector.load %arg1[%get3A_410, %get3A_411] : memref<512x4096xf32, #tpu.memory_space<vmem>>, vector<512x64xf32>
    %get3A_413 = arith.constant 15 : index
    %get3A_414 = arith.constant 0 : index
    %get3A_415 = arith.constant 0 : index
    %get3A_416 = vector.load %arg2[%get3A_413, %get3A_414, %get3A_415] : memref<64x512x64xf32, #tpu.memory_space<vmem>>, vector<1x512x64xf32>
    %get3A_417 = vector.shape_cast %get3A_416 : vector<1x512x64xf32> to vector<512x64xf32>
    %dot_general3A_418 = arith.constant dense<0.000000e+00> : vector<512x512xf32>
    %dot_general3A_419 = tpu.matmul %get3A_417, %get3A_412, %dot_general3A_418 {dimension_numbers = #tpu.dot_dimension_numbers<[1], [1], [0], [0], [0, 0, 1, 0], [], []>, transpose_lhs_hint = false} : vector<512x64xf32>, vector<512x64xf32>, vector<512x512xf32> -> vector<512x512xf32>
    %reduce_max3A_420 = arith.constant dense<0xFF800000> : vector<512xf32>
    %reduce_max3A_421 = vector.multi_reduction <maximumf>, %dot_general3A_419, %reduce_max3A_420 [0] : vector<512x512xf32> to vector<512xf32>
    %broadcast_in_dim3A_422 = vector.shape_cast %reduce_max3A_421 : vector<512xf32> to vector<1x512xf32>
    %eq3A_423 = vector.broadcast %broadcast_in_dim3A_422 : vector<1x512xf32> to vector<512x512xf32>
    %eq3A_424 = arith.cmpf oeq, %dot_general3A_419, %eq3A_423 : vector<512x512xf32>
    %jit3A_425 = arith.constant 5.120000e+02 : f32
    %broadcast_in_dim3A_426 = vector.broadcast %jit3A_425 : f32 to vector<512x512xf32>
    %select_n3A_427 = arith.select %eq3A_424, %convert_element_type3A, %broadcast_in_dim3A_426 : vector<512x512xi1>, vector<512x512xf32>
    %reduce_min3A_428 = arith.constant dense<0x7F800000> : vector<512xf32>
    %reduce_min3A_429 = vector.multi_reduction <minimumf>, %select_n3A_427, %reduce_min3A_428 [0] : vector<512x512xf32> to vector<512xf32>
    %convert_element_type3A_430 = arith.fptosi %reduce_min3A_429 : vector<512xf32> to vector<512xi32>
    %add3A_431 = arith.constant 7680 : i32
    %add3A_432 = vector.broadcast %add3A_431 : i32 to vector<512xi32>
    %add3A_433 = arith.addi %convert_element_type3A_430, %add3A_432 : vector<512xi32>
    %broadcast_in_dim3A_434 = vector.shape_cast %add3A_433 : vector<512xi32> to vector<1x512xi32>
    %swap3A_435 = arith.constant 15 : index
    %swap3A_436 = arith.constant 0 : index
    %swap3A_437 = vector.load %arg3[%swap3A_435, %swap3A_436] : memref<64x512xi32, #tpu.memory_space<vmem>>, vector<1x512xi32>
    tpu.vector_store %arg3[%swap3A_435, %swap3A_436], %broadcast_in_dim3A_434 {strides = array<i32>} : memref<64x512xi32, #tpu.memory_space<vmem>>, vector<1x512xi32>,
    %get3A_438 = arith.constant 0 : index
    %get3A_439 = arith.constant 1024 : index
    %get3A_440 = vector.load %arg1[%get3A_438, %get3A_439] : memref<512x4096xf32, #tpu.memory_space<vmem>>, vector<512x64xf32>
    %get3A_441 = arith.constant 16 : index
    %get3A_442 = arith.constant 0 : index
    %get3A_443 = arith.constant 0 : index
    %get3A_444 = vector.load %arg2[%get3A_441, %get3A_442, %get3A_443] : memref<64x512x64xf32, #tpu.memory_space<vmem>>, vector<1x512x64xf32>
    %get3A_445 = vector.shape_cast %get3A_444 : vector<1x512x64xf32> to vector<512x64xf32>
    %dot_general3A_446 = arith.constant dense<0.000000e+00> : vector<512x512xf32>
    %dot_general3A_447 = tpu.matmul %get3A_445, %get3A_440, %dot_general3A_446 {dimension_numbers = #tpu.dot_dimension_numbers<[1], [1], [0], [0], [0, 0, 1, 0], [], []>, transpose_lhs_hint = false} : vector<512x64xf32>, vector<512x64xf32>, vector<512x512xf32> -> vector<512x512xf32>
    %reduce_max3A_448 = arith.constant dense<0xFF800000> : vector<512xf32>
    %reduce_max3A_449 = vector.multi_reduction <maximumf>, %dot_general3A_447, %reduce_max3A_448 [0] : vector<512x512xf32> to vector<512xf32>
    %broadcast_in_dim3A_450 = vector.shape_cast %reduce_max3A_449 : vector<512xf32> to vector<1x512xf32>
    %eq3A_451 = vector.broadcast %broadcast_in_dim3A_450 : vector<1x512xf32> to vector<512x512xf32>
    %eq3A_452 = arith.cmpf oeq, %dot_general3A_447, %eq3A_451 : vector<512x512xf32>
    %jit3A_453 = arith.constant 5.120000e+02 : f32
    %broadcast_in_dim3A_454 = vector.broadcast %jit3A_453 : f32 to vector<512x512xf32>
    %select_n3A_455 = arith.select %eq3A_452, %convert_element_type3A, %broadcast_in_dim3A_454 : vector<512x512xi1>, vector<512x512xf32>
    %reduce_min3A_456 = arith.constant dense<0x7F800000> : vector<512xf32>
    %reduce_min3A_457 = vector.multi_reduction <minimumf>, %select_n3A_455, %reduce_min3A_456 [0] : vector<512x512xf32> to vector<512xf32>
    %convert_element_type3A_458 = arith.fptosi %reduce_min3A_457 : vector<512xf32> to vector<512xi32>
    %add3A_459 = arith.constant 8192 : i32
    %add3A_460 = vector.broadcast %add3A_459 : i32 to vector<512xi32>
    %add3A_461 = arith.addi %convert_element_type3A_458, %add3A_460 : vector<512xi32>
    %broadcast_in_dim3A_462 = vector.shape_cast %add3A_461 : vector<512xi32> to vector<1x512xi32>
    %swap3A_463 = arith.constant 16 : index
    %swap3A_464 = arith.constant 0 : index
    %swap3A_465 = vector.load %arg3[%swap3A_463, %swap3A_464] : memref<64x512xi32, #tpu.memory_space<vmem>>, vector<1x512xi32>
    tpu.vector_store %arg3[%swap3A_463, %swap3A_464], %broadcast_in_dim3A_462 {strides = array<i32>} : memref<64x512xi32, #tpu.memory_space<vmem>>, vector<1x512xi32>,
    %get3A_466 = arith.constant 0 : index
    %get3A_467 = arith.constant 1088 : index
    %get3A_468 = vector.load %arg1[%get3A_466, %get3A_467] : memref<512x4096xf32, #tpu.memory_space<vmem>>, vector<512x64xf32>
    %get3A_469 = arith.constant 17 : index
    %get3A_470 = arith.constant 0 : index
    %get3A_471 = arith.constant 0 : index
    %get3A_472 = vector.load %arg2[%get3A_469, %get3A_470, %get3A_471] : memref<64x512x64xf32, #tpu.memory_space<vmem>>, vector<1x512x64xf32>
    %get3A_473 = vector.shape_cast %get3A_472 : vector<1x512x64xf32> to vector<512x64xf32>
    %dot_general3A_474 = arith.constant dense<0.000000e+00> : vector<512x512xf32>
    %dot_general3A_475 = tpu.matmul %get3A_473, %get3A_468, %dot_general3A_474 {dimension_numbers = #tpu.dot_dimension_numbers<[1], [1], [0], [0], [0, 0, 1, 0], [], []>, transpose_lhs_hint = false} : vector<512x64xf32>, vector<512x64xf32>, vector<512x512xf32> -> vector<512x512xf32>
    %reduce_max3A_476 = arith.constant dense<0xFF800000> : vector<512xf32>
    %reduce_max3A_477 = vector.multi_reduction <maximumf>, %dot_general3A_475, %reduce_max3A_476 [0] : vector<512x512xf32> to vector<512xf32>
    %broadcast_in_dim3A_478 = vector.shape_cast %reduce_max3A_477 : vector<512xf32> to vector<1x512xf32>
    %eq3A_479 = vector.broadcast %broadcast_in_dim3A_478 : vector<1x512xf32> to vector<512x512xf32>
    %eq3A_480 = arith.cmpf oeq, %dot_general3A_475, %eq3A_479 : vector<512x512xf32>
    %jit3A_481 = arith.constant 5.120000e+02 : f32
    %broadcast_in_dim3A_482 = vector.broadcast %jit3A_481 : f32 to vector<512x512xf32>
    %select_n3A_483 = arith.select %eq3A_480, %convert_element_type3A, %broadcast_in_dim3A_482 : vector<512x512xi1>, vector<512x512xf32>
    %reduce_min3A_484 = arith.constant dense<0x7F800000> : vector<512xf32>
    %reduce_min3A_485 = vector.multi_reduction <minimumf>, %select_n3A_483, %reduce_min3A_484 [0] : vector<512x512xf32> to vector<512xf32>
    %convert_element_type3A_486 = arith.fptosi %reduce_min3A_485 : vector<512xf32> to vector<512xi32>
    %add3A_487 = arith.constant 8704 : i32
    %add3A_488 = vector.broadcast %add3A_487 : i32 to vector<512xi32>
    %add3A_489 = arith.addi %convert_element_type3A_486, %add3A_488 : vector<512xi32>
    %broadcast_in_dim3A_490 = vector.shape_cast %add3A_489 : vector<512xi32> to vector<1x512xi32>
    %swap3A_491 = arith.constant 17 : index
    %swap3A_492 = arith.constant 0 : index
    %swap3A_493 = vector.load %arg3[%swap3A_491, %swap3A_492] : memref<64x512xi32, #tpu.memory_space<vmem>>, vector<1x512xi32>
    tpu.vector_store %arg3[%swap3A_491, %swap3A_492], %broadcast_in_dim3A_490 {strides = array<i32>} : memref<64x512xi32, #tpu.memory_space<vmem>>, vector<1x512xi32>,
    %get3A_494 = arith.constant 0 : index
    %get3A_495 = arith.constant 1152 : index
    %get3A_496 = vector.load %arg1[%get3A_494, %get3A_495] : memref<512x4096xf32, #tpu.memory_space<vmem>>, vector<512x64xf32>
    %get3A_497 = arith.constant 18 : index
    %get3A_498 = arith.constant 0 : index
    %get3A_499 = arith.constant 0 : index
    %get3A_500 = vector.load %arg2[%get3A_497, %get3A_498, %get3A_499] : memref<64x512x64xf32, #tpu.memory_space<vmem>>, vector<1x512x64xf32>
    %get3A_501 = vector.shape_cast %get3A_500 : vector<1x512x64xf32> to vector<512x64xf32>
    %dot_general3A_502 = arith.constant dense<0.000000e+00> : vector<512x512xf32>
    %dot_general3A_503 = tpu.matmul %get3A_501, %get3A_496, %dot_general3A_502 {dimension_numbers = #tpu.dot_dimension_numbers<[1], [1], [0], [0], [0, 0, 1, 0], [], []>, transpose_lhs_hint = false} : vector<512x64xf32>, vector<512x64xf32>, vector<512x512xf32> -> vector<512x512xf32>
    %reduce_max3A_504 = arith.constant dense<0xFF800000> : vector<512xf32>
    %reduce_max3A_505 = vector.multi_reduction <maximumf>, %dot_general3A_503, %reduce_max3A_504 [0] : vector<512x512xf32> to vector<512xf32>
    %broadcast_in_dim3A_506 = vector.shape_cast %reduce_max3A_505 : vector<512xf32> to vector<1x512xf32>
    %eq3A_507 = vector.broadcast %broadcast_in_dim3A_506 : vector<1x512xf32> to vector<512x512xf32>
    %eq3A_508 = arith.cmpf oeq, %dot_general3A_503, %eq3A_507 : vector<512x512xf32>
    %jit3A_509 = arith.constant 5.120000e+02 : f32
    %broadcast_in_dim3A_510 = vector.broadcast %jit3A_509 : f32 to vector<512x512xf32>
    %select_n3A_511 = arith.select %eq3A_508, %convert_element_type3A, %broadcast_in_dim3A_510 : vector<512x512xi1>, vector<512x512xf32>
    %reduce_min3A_512 = arith.constant dense<0x7F800000> : vector<512xf32>
    %reduce_min3A_513 = vector.multi_reduction <minimumf>, %select_n3A_511, %reduce_min3A_512 [0] : vector<512x512xf32> to vector<512xf32>
    %convert_element_type3A_514 = arith.fptosi %reduce_min3A_513 : vector<512xf32> to vector<512xi32>
    %add3A_515 = arith.constant 9216 : i32
    %add3A_516 = vector.broadcast %add3A_515 : i32 to vector<512xi32>
    %add3A_517 = arith.addi %convert_element_type3A_514, %add3A_516 : vector<512xi32>
    %broadcast_in_dim3A_518 = vector.shape_cast %add3A_517 : vector<512xi32> to vector<1x512xi32>
    %swap3A_519 = arith.constant 18 : index
    %swap3A_520 = arith.constant 0 : index
    %swap3A_521 = vector.load %arg3[%swap3A_519, %swap3A_520] : memref<64x512xi32, #tpu.memory_space<vmem>>, vector<1x512xi32>
    tpu.vector_store %arg3[%swap3A_519, %swap3A_520], %broadcast_in_dim3A_518 {strides = array<i32>} : memref<64x512xi32, #tpu.memory_space<vmem>>, vector<1x512xi32>,
    %get3A_522 = arith.constant 0 : index
    %get3A_523 = arith.constant 1216 : index
    %get3A_524 = vector.load %arg1[%get3A_522, %get3A_523] : memref<512x4096xf32, #tpu.memory_space<vmem>>, vector<512x64xf32>
    %get3A_525 = arith.constant 19 : index
    %get3A_526 = arith.constant 0 : index
    %get3A_527 = arith.constant 0 : index
    %get3A_528 = vector.load %arg2[%get3A_525, %get3A_526, %get3A_527] : memref<64x512x64xf32, #tpu.memory_space<vmem>>, vector<1x512x64xf32>
    %get3A_529 = vector.shape_cast %get3A_528 : vector<1x512x64xf32> to vector<512x64xf32>
    %dot_general3A_530 = arith.constant dense<0.000000e+00> : vector<512x512xf32>
    %dot_general3A_531 = tpu.matmul %get3A_529, %get3A_524, %dot_general3A_530 {dimension_numbers = #tpu.dot_dimension_numbers<[1], [1], [0], [0], [0, 0, 1, 0], [], []>, transpose_lhs_hint = false} : vector<512x64xf32>, vector<512x64xf32>, vector<512x512xf32> -> vector<512x512xf32>
    %reduce_max3A_532 = arith.constant dense<0xFF800000> : vector<512xf32>
    %reduce_max3A_533 = vector.multi_reduction <maximumf>, %dot_general3A_531, %reduce_max3A_532 [0] : vector<512x512xf32> to vector<512xf32>
    %broadcast_in_dim3A_534 = vector.shape_cast %reduce_max3A_533 : vector<512xf32> to vector<1x512xf32>
    %eq3A_535 = vector.broadcast %broadcast_in_dim3A_534 : vector<1x512xf32> to vector<512x512xf32>
    %eq3A_536 = arith.cmpf oeq, %dot_general3A_531, %eq3A_535 : vector<512x512xf32>
    %jit3A_537 = arith.constant 5.120000e+02 : f32
    %broadcast_in_dim3A_538 = vector.broadcast %jit3A_537 : f32 to vector<512x512xf32>
    %select_n3A_539 = arith.select %eq3A_536, %convert_element_type3A, %broadcast_in_dim3A_538 : vector<512x512xi1>, vector<512x512xf32>
    %reduce_min3A_540 = arith.constant dense<0x7F800000> : vector<512xf32>
    %reduce_min3A_541 = vector.multi_reduction <minimumf>, %select_n3A_539, %reduce_min3A_540 [0] : vector<512x512xf32> to vector<512xf32>
    %convert_element_type3A_542 = arith.fptosi %reduce_min3A_541 : vector<512xf32> to vector<512xi32>
    %add3A_543 = arith.constant 9728 : i32
    %add3A_544 = vector.broadcast %add3A_543 : i32 to vector<512xi32>
    %add3A_545 = arith.addi %convert_element_type3A_542, %add3A_544 : vector<512xi32>
    %broadcast_in_dim3A_546 = vector.shape_cast %add3A_545 : vector<512xi32> to vector<1x512xi32>
    %swap3A_547 = arith.constant 19 : index
    %swap3A_548 = arith.constant 0 : index
    %swap3A_549 = vector.load %arg3[%swap3A_547, %swap3A_548] : memref<64x512xi32, #tpu.memory_space<vmem>>, vector<1x512xi32>
    tpu.vector_store %arg3[%swap3A_547, %swap3A_548], %broadcast_in_dim3A_546 {strides = array<i32>} : memref<64x512xi32, #tpu.memory_space<vmem>>, vector<1x512xi32>,
    %get3A_550 = arith.constant 0 : index
    %get3A_551 = arith.constant 1280 : index
    %get3A_552 = vector.load %arg1[%get3A_550, %get3A_551] : memref<512x4096xf32, #tpu.memory_space<vmem>>, vector<512x64xf32>
    %get3A_553 = arith.constant 20 : index
    %get3A_554 = arith.constant 0 : index
    %get3A_555 = arith.constant 0 : index
    %get3A_556 = vector.load %arg2[%get3A_553, %get3A_554, %get3A_555] : memref<64x512x64xf32, #tpu.memory_space<vmem>>, vector<1x512x64xf32>
    %get3A_557 = vector.shape_cast %get3A_556 : vector<1x512x64xf32> to vector<512x64xf32>
    %dot_general3A_558 = arith.constant dense<0.000000e+00> : vector<512x512xf32>
    %dot_general3A_559 = tpu.matmul %get3A_557, %get3A_552, %dot_general3A_558 {dimension_numbers = #tpu.dot_dimension_numbers<[1], [1], [0], [0], [0, 0, 1, 0], [], []>, transpose_lhs_hint = false} : vector<512x64xf32>, vector<512x64xf32>, vector<512x512xf32> -> vector<512x512xf32>
    %reduce_max3A_560 = arith.constant dense<0xFF800000> : vector<512xf32>
    %reduce_max3A_561 = vector.multi_reduction <maximumf>, %dot_general3A_559, %reduce_max3A_560 [0] : vector<512x512xf32> to vector<512xf32>
    %broadcast_in_dim3A_562 = vector.shape_cast %reduce_max3A_561 : vector<512xf32> to vector<1x512xf32>
    %eq3A_563 = vector.broadcast %broadcast_in_dim3A_562 : vector<1x512xf32> to vector<512x512xf32>
    %eq3A_564 = arith.cmpf oeq, %dot_general3A_559, %eq3A_563 : vector<512x512xf32>
    %jit3A_565 = arith.constant 5.120000e+02 : f32
    %broadcast_in_dim3A_566 = vector.broadcast %jit3A_565 : f32 to vector<512x512xf32>
    %select_n3A_567 = arith.select %eq3A_564, %convert_element_type3A, %broadcast_in_dim3A_566 : vector<512x512xi1>, vector<512x512xf32>
    %reduce_min3A_568 = arith.constant dense<0x7F800000> : vector<512xf32>
    %reduce_min3A_569 = vector.multi_reduction <minimumf>, %select_n3A_567, %reduce_min3A_568 [0] : vector<512x512xf32> to vector<512xf32>
    %convert_element_type3A_570 = arith.fptosi %reduce_min3A_569 : vector<512xf32> to vector<512xi32>
    %add3A_571 = arith.constant 10240 : i32
    %add3A_572 = vector.broadcast %add3A_571 : i32 to vector<512xi32>
    %add3A_573 = arith.addi %convert_element_type3A_570, %add3A_572 : vector<512xi32>
    %broadcast_in_dim3A_574 = vector.shape_cast %add3A_573 : vector<512xi32> to vector<1x512xi32>
    %swap3A_575 = arith.constant 20 : index
    %swap3A_576 = arith.constant 0 : index
    %swap3A_577 = vector.load %arg3[%swap3A_575, %swap3A_576] : memref<64x512xi32, #tpu.memory_space<vmem>>, vector<1x512xi32>
    tpu.vector_store %arg3[%swap3A_575, %swap3A_576], %broadcast_in_dim3A_574 {strides = array<i32>} : memref<64x512xi32, #tpu.memory_space<vmem>>, vector<1x512xi32>,
    %get3A_578 = arith.constant 0 : index
    %get3A_579 = arith.constant 1344 : index
    %get3A_580 = vector.load %arg1[%get3A_578, %get3A_579] : memref<512x4096xf32, #tpu.memory_space<vmem>>, vector<512x64xf32>
    %get3A_581 = arith.constant 21 : index
    %get3A_582 = arith.constant 0 : index
    %get3A_583 = arith.constant 0 : index
    %get3A_584 = vector.load %arg2[%get3A_581, %get3A_582, %get3A_583] : memref<64x512x64xf32, #tpu.memory_space<vmem>>, vector<1x512x64xf32>
    %get3A_585 = vector.shape_cast %get3A_584 : vector<1x512x64xf32> to vector<512x64xf32>
    %dot_general3A_586 = arith.constant dense<0.000000e+00> : vector<512x512xf32>
    %dot_general3A_587 = tpu.matmul %get3A_585, %get3A_580, %dot_general3A_586 {dimension_numbers = #tpu.dot_dimension_numbers<[1], [1], [0], [0], [0, 0, 1, 0], [], []>, transpose_lhs_hint = false} : vector<512x64xf32>, vector<512x64xf32>, vector<512x512xf32> -> vector<512x512xf32>
    %reduce_max3A_588 = arith.constant dense<0xFF800000> : vector<512xf32>
    %reduce_max3A_589 = vector.multi_reduction <maximumf>, %dot_general3A_587, %reduce_max3A_588 [0] : vector<512x512xf32> to vector<512xf32>
    %broadcast_in_dim3A_590 = vector.shape_cast %reduce_max3A_589 : vector<512xf32> to vector<1x512xf32>
    %eq3A_591 = vector.broadcast %broadcast_in_dim3A_590 : vector<1x512xf32> to vector<512x512xf32>
    %eq3A_592 = arith.cmpf oeq, %dot_general3A_587, %eq3A_591 : vector<512x512xf32>
    %jit3A_593 = arith.constant 5.120000e+02 : f32
    %broadcast_in_dim3A_594 = vector.broadcast %jit3A_593 : f32 to vector<512x512xf32>
    %select_n3A_595 = arith.select %eq3A_592, %convert_element_type3A, %broadcast_in_dim3A_594 : vector<512x512xi1>, vector<512x512xf32>
    %reduce_min3A_596 = arith.constant dense<0x7F800000> : vector<512xf32>
    %reduce_min3A_597 = vector.multi_reduction <minimumf>, %select_n3A_595, %reduce_min3A_596 [0] : vector<512x512xf32> to vector<512xf32>
    %convert_element_type3A_598 = arith.fptosi %reduce_min3A_597 : vector<512xf32> to vector<512xi32>
    %add3A_599 = arith.constant 10752 : i32
    %add3A_600 = vector.broadcast %add3A_599 : i32 to vector<512xi32>
    %add3A_601 = arith.addi %convert_element_type3A_598, %add3A_600 : vector<512xi32>
    %broadcast_in_dim3A_602 = vector.shape_cast %add3A_601 : vector<512xi32> to vector<1x512xi32>
    %swap3A_603 = arith.constant 21 : index
    %swap3A_604 = arith.constant 0 : index
    %swap3A_605 = vector.load %arg3[%swap3A_603, %swap3A_604] : memref<64x512xi32, #tpu.memory_space<vmem>>, vector<1x512xi32>
    tpu.vector_store %arg3[%swap3A_603, %swap3A_604], %broadcast_in_dim3A_602 {strides = array<i32>} : memref<64x512xi32, #tpu.memory_space<vmem>>, vector<1x512xi32>,
    %get3A_606 = arith.constant 0 : index
    %get3A_607 = arith.constant 1408 : index
    %get3A_608 = vector.load %arg1[%get3A_606, %get3A_607] : memref<512x4096xf32, #tpu.memory_space<vmem>>, vector<512x64xf32>
    %get3A_609 = arith.constant 22 : index
    %get3A_610 = arith.constant 0 : index
    %get3A_611 = arith.constant 0 : index
    %get3A_612 = vector.load %arg2[%get3A_609, %get3A_610, %get3A_611] : memref<64x512x64xf32, #tpu.memory_space<vmem>>, vector<1x512x64xf32>
    %get3A_613 = vector.shape_cast %get3A_612 : vector<1x512x64xf32> to vector<512x64xf32>
    %dot_general3A_614 = arith.constant dense<0.000000e+00> : vector<512x512xf32>
    %dot_general3A_615 = tpu.matmul %get3A_613, %get3A_608, %dot_general3A_614 {dimension_numbers = #tpu.dot_dimension_numbers<[1], [1], [0], [0], [0, 0, 1, 0], [], []>, transpose_lhs_hint = false} : vector<512x64xf32>, vector<512x64xf32>, vector<512x512xf32> -> vector<512x512xf32>
    %reduce_max3A_616 = arith.constant dense<0xFF800000> : vector<512xf32>
    %reduce_max3A_617 = vector.multi_reduction <maximumf>, %dot_general3A_615, %reduce_max3A_616 [0] : vector<512x512xf32> to vector<512xf32>
    %broadcast_in_dim3A_618 = vector.shape_cast %reduce_max3A_617 : vector<512xf32> to vector<1x512xf32>
    %eq3A_619 = vector.broadcast %broadcast_in_dim3A_618 : vector<1x512xf32> to vector<512x512xf32>
    %eq3A_620 = arith.cmpf oeq, %dot_general3A_615, %eq3A_619 : vector<512x512xf32>
    %jit3A_621 = arith.constant 5.120000e+02 : f32
    %broadcast_in_dim3A_622 = vector.broadcast %jit3A_621 : f32 to vector<512x512xf32>
    %select_n3A_623 = arith.select %eq3A_620, %convert_element_type3A, %broadcast_in_dim3A_622 : vector<512x512xi1>, vector<512x512xf32>
    %reduce_min3A_624 = arith.constant dense<0x7F800000> : vector<512xf32>
    %reduce_min3A_625 = vector.multi_reduction <minimumf>, %select_n3A_623, %reduce_min3A_624 [0] : vector<512x512xf32> to vector<512xf32>
    %convert_element_type3A_626 = arith.fptosi %reduce_min3A_625 : vector<512xf32> to vector<512xi32>
    %add3A_627 = arith.constant 11264 : i32
    %add3A_628 = vector.broadcast %add3A_627 : i32 to vector<512xi32>
    %add3A_629 = arith.addi %convert_element_type3A_626, %add3A_628 : vector<512xi32>
    %broadcast_in_dim3A_630 = vector.shape_cast %add3A_629 : vector<512xi32> to vector<1x512xi32>
    %swap3A_631 = arith.constant 22 : index
    %swap3A_632 = arith.constant 0 : index
    %swap3A_633 = vector.load %arg3[%swap3A_631, %swap3A_632] : memref<64x512xi32, #tpu.memory_space<vmem>>, vector<1x512xi32>
    tpu.vector_store %arg3[%swap3A_631, %swap3A_632], %broadcast_in_dim3A_630 {strides = array<i32>} : memref<64x512xi32, #tpu.memory_space<vmem>>, vector<1x512xi32>,
    %get3A_634 = arith.constant 0 : index
    %get3A_635 = arith.constant 1472 : index
    %get3A_636 = vector.load %arg1[%get3A_634, %get3A_635] : memref<512x4096xf32, #tpu.memory_space<vmem>>, vector<512x64xf32>
    %get3A_637 = arith.constant 23 : index
    %get3A_638 = arith.constant 0 : index
    %get3A_639 = arith.constant 0 : index
    %get3A_640 = vector.load %arg2[%get3A_637, %get3A_638, %get3A_639] : memref<64x512x64xf32, #tpu.memory_space<vmem>>, vector<1x512x64xf32>
    %get3A_641 = vector.shape_cast %get3A_640 : vector<1x512x64xf32> to vector<512x64xf32>
    %dot_general3A_642 = arith.constant dense<0.000000e+00> : vector<512x512xf32>
    %dot_general3A_643 = tpu.matmul %get3A_641, %get3A_636, %dot_general3A_642 {dimension_numbers = #tpu.dot_dimension_numbers<[1], [1], [0], [0], [0, 0, 1, 0], [], []>, transpose_lhs_hint = false} : vector<512x64xf32>, vector<512x64xf32>, vector<512x512xf32> -> vector<512x512xf32>
    %reduce_max3A_644 = arith.constant dense<0xFF800000> : vector<512xf32>
    %reduce_max3A_645 = vector.multi_reduction <maximumf>, %dot_general3A_643, %reduce_max3A_644 [0] : vector<512x512xf32> to vector<512xf32>
    %broadcast_in_dim3A_646 = vector.shape_cast %reduce_max3A_645 : vector<512xf32> to vector<1x512xf32>
    %eq3A_647 = vector.broadcast %broadcast_in_dim3A_646 : vector<1x512xf32> to vector<512x512xf32>
    %eq3A_648 = arith.cmpf oeq, %dot_general3A_643, %eq3A_647 : vector<512x512xf32>
    %jit3A_649 = arith.constant 5.120000e+02 : f32
    %broadcast_in_dim3A_650 = vector.broadcast %jit3A_649 : f32 to vector<512x512xf32>
    %select_n3A_651 = arith.select %eq3A_648, %convert_element_type3A, %broadcast_in_dim3A_650 : vector<512x512xi1>, vector<512x512xf32>
    %reduce_min3A_652 = arith.constant dense<0x7F800000> : vector<512xf32>
    %reduce_min3A_653 = vector.multi_reduction <minimumf>, %select_n3A_651, %reduce_min3A_652 [0] : vector<512x512xf32> to vector<512xf32>
    %convert_element_type3A_654 = arith.fptosi %reduce_min3A_653 : vector<512xf32> to vector<512xi32>
    %add3A_655 = arith.constant 11776 : i32
    %add3A_656 = vector.broadcast %add3A_655 : i32 to vector<512xi32>
    %add3A_657 = arith.addi %convert_element_type3A_654, %add3A_656 : vector<512xi32>
    %broadcast_in_dim3A_658 = vector.shape_cast %add3A_657 : vector<512xi32> to vector<1x512xi32>
    %swap3A_659 = arith.constant 23 : index
    %swap3A_660 = arith.constant 0 : index
    %swap3A_661 = vector.load %arg3[%swap3A_659, %swap3A_660] : memref<64x512xi32, #tpu.memory_space<vmem>>, vector<1x512xi32>
    tpu.vector_store %arg3[%swap3A_659, %swap3A_660], %broadcast_in_dim3A_658 {strides = array<i32>} : memref<64x512xi32, #tpu.memory_space<vmem>>, vector<1x512xi32>,
    %get3A_662 = arith.constant 0 : index
    %get3A_663 = arith.constant 1536 : index
    %get3A_664 = vector.load %arg1[%get3A_662, %get3A_663] : memref<512x4096xf32, #tpu.memory_space<vmem>>, vector<512x64xf32>
    %get3A_665 = arith.constant 24 : index
    %get3A_666 = arith.constant 0 : index
    %get3A_667 = arith.constant 0 : index
    %get3A_668 = vector.load %arg2[%get3A_665, %get3A_666, %get3A_667] : memref<64x512x64xf32, #tpu.memory_space<vmem>>, vector<1x512x64xf32>
    %get3A_669 = vector.shape_cast %get3A_668 : vector<1x512x64xf32> to vector<512x64xf32>
    %dot_general3A_670 = arith.constant dense<0.000000e+00> : vector<512x512xf32>
    %dot_general3A_671 = tpu.matmul %get3A_669, %get3A_664, %dot_general3A_670 {dimension_numbers = #tpu.dot_dimension_numbers<[1], [1], [0], [0], [0, 0, 1, 0], [], []>, transpose_lhs_hint = false} : vector<512x64xf32>, vector<512x64xf32>, vector<512x512xf32> -> vector<512x512xf32>
    %reduce_max3A_672 = arith.constant dense<0xFF800000> : vector<512xf32>
    %reduce_max3A_673 = vector.multi_reduction <maximumf>, %dot_general3A_671, %reduce_max3A_672 [0] : vector<512x512xf32> to vector<512xf32>
    %broadcast_in_dim3A_674 = vector.shape_cast %reduce_max3A_673 : vector<512xf32> to vector<1x512xf32>
    %eq3A_675 = vector.broadcast %broadcast_in_dim3A_674 : vector<1x512xf32> to vector<512x512xf32>
    %eq3A_676 = arith.cmpf oeq, %dot_general3A_671, %eq3A_675 : vector<512x512xf32>
    %jit3A_677 = arith.constant 5.120000e+02 : f32
    %broadcast_in_dim3A_678 = vector.broadcast %jit3A_677 : f32 to vector<512x512xf32>
    %select_n3A_679 = arith.select %eq3A_676, %convert_element_type3A, %broadcast_in_dim3A_678 : vector<512x512xi1>, vector<512x512xf32>
    %reduce_min3A_680 = arith.constant dense<0x7F800000> : vector<512xf32>
    %reduce_min3A_681 = vector.multi_reduction <minimumf>, %select_n3A_679, %reduce_min3A_680 [0] : vector<512x512xf32> to vector<512xf32>
    %convert_element_type3A_682 = arith.fptosi %reduce_min3A_681 : vector<512xf32> to vector<512xi32>
    %add3A_683 = arith.constant 12288 : i32
    %add3A_684 = vector.broadcast %add3A_683 : i32 to vector<512xi32>
    %add3A_685 = arith.addi %convert_element_type3A_682, %add3A_684 : vector<512xi32>
    %broadcast_in_dim3A_686 = vector.shape_cast %add3A_685 : vector<512xi32> to vector<1x512xi32>
    %swap3A_687 = arith.constant 24 : index
    %swap3A_688 = arith.constant 0 : index
    %swap3A_689 = vector.load %arg3[%swap3A_687, %swap3A_688] : memref<64x512xi32, #tpu.memory_space<vmem>>, vector<1x512xi32>
    tpu.vector_store %arg3[%swap3A_687, %swap3A_688], %broadcast_in_dim3A_686 {strides = array<i32>} : memref<64x512xi32, #tpu.memory_space<vmem>>, vector<1x512xi32>,
    %get3A_690 = arith.constant 0 : index
    %get3A_691 = arith.constant 1600 : index
    %get3A_692 = vector.load %arg1[%get3A_690, %get3A_691] : memref<512x4096xf32, #tpu.memory_space<vmem>>, vector<512x64xf32>
    %get3A_693 = arith.constant 25 : index
    %get3A_694 = arith.constant 0 : index
    %get3A_695 = arith.constant 0 : index
    %get3A_696 = vector.load %arg2[%get3A_693, %get3A_694, %get3A_695] : memref<64x512x64xf32, #tpu.memory_space<vmem>>, vector<1x512x64xf32>
    %get3A_697 = vector.shape_cast %get3A_696 : vector<1x512x64xf32> to vector<512x64xf32>
    %dot_general3A_698 = arith.constant dense<0.000000e+00> : vector<512x512xf32>
    %dot_general3A_699 = tpu.matmul %get3A_697, %get3A_692, %dot_general3A_698 {dimension_numbers = #tpu.dot_dimension_numbers<[1], [1], [0], [0], [0, 0, 1, 0], [], []>, transpose_lhs_hint = false} : vector<512x64xf32>, vector<512x64xf32>, vector<512x512xf32> -> vector<512x512xf32>
    %reduce_max3A_700 = arith.constant dense<0xFF800000> : vector<512xf32>
    %reduce_max3A_701 = vector.multi_reduction <maximumf>, %dot_general3A_699, %reduce_max3A_700 [0] : vector<512x512xf32> to vector<512xf32>
    %broadcast_in_dim3A_702 = vector.shape_cast %reduce_max3A_701 : vector<512xf32> to vector<1x512xf32>
    %eq3A_703 = vector.broadcast %broadcast_in_dim3A_702 : vector<1x512xf32> to vector<512x512xf32>
    %eq3A_704 = arith.cmpf oeq, %dot_general3A_699, %eq3A_703 : vector<512x512xf32>
    %jit3A_705 = arith.constant 5.120000e+02 : f32
    %broadcast_in_dim3A_706 = vector.broadcast %jit3A_705 : f32 to vector<512x512xf32>
    %select_n3A_707 = arith.select %eq3A_704, %convert_element_type3A, %broadcast_in_dim3A_706 : vector<512x512xi1>, vector<512x512xf32>
    %reduce_min3A_708 = arith.constant dense<0x7F800000> : vector<512xf32>
    %reduce_min3A_709 = vector.multi_reduction <minimumf>, %select_n3A_707, %reduce_min3A_708 [0] : vector<512x512xf32> to vector<512xf32>
    %convert_element_type3A_710 = arith.fptosi %reduce_min3A_709 : vector<512xf32> to vector<512xi32>
    %add3A_711 = arith.constant 12800 : i32
    %add3A_712 = vector.broadcast %add3A_711 : i32 to vector<512xi32>
    %add3A_713 = arith.addi %convert_element_type3A_710, %add3A_712 : vector<512xi32>
    %broadcast_in_dim3A_714 = vector.shape_cast %add3A_713 : vector<512xi32> to vector<1x512xi32>
    %swap3A_715 = arith.constant 25 : index
    %swap3A_716 = arith.constant 0 : index
    %swap3A_717 = vector.load %arg3[%swap3A_715, %swap3A_716] : memref<64x512xi32, #tpu.memory_space<vmem>>, vector<1x512xi32>
    tpu.vector_store %arg3[%swap3A_715, %swap3A_716], %broadcast_in_dim3A_714 {strides = array<i32>} : memref<64x512xi32, #tpu.memory_space<vmem>>, vector<1x512xi32>,
    %get3A_718 = arith.constant 0 : index
    %get3A_719 = arith.constant 1664 : index
    %get3A_720 = vector.load %arg1[%get3A_718, %get3A_719] : memref<512x4096xf32, #tpu.memory_space<vmem>>, vector<512x64xf32>
    %get3A_721 = arith.constant 26 : index
    %get3A_722 = arith.constant 0 : index
    %get3A_723 = arith.constant 0 : index
    %get3A_724 = vector.load %arg2[%get3A_721, %get3A_722, %get3A_723] : memref<64x512x64xf32, #tpu.memory_space<vmem>>, vector<1x512x64xf32>
    %get3A_725 = vector.shape_cast %get3A_724 : vector<1x512x64xf32> to vector<512x64xf32>
    %dot_general3A_726 = arith.constant dense<0.000000e+00> : vector<512x512xf32>
    %dot_general3A_727 = tpu.matmul %get3A_725, %get3A_720, %dot_general3A_726 {dimension_numbers = #tpu.dot_dimension_numbers<[1], [1], [0], [0], [0, 0, 1, 0], [], []>, transpose_lhs_hint = false} : vector<512x64xf32>, vector<512x64xf32>, vector<512x512xf32> -> vector<512x512xf32>
    %reduce_max3A_728 = arith.constant dense<0xFF800000> : vector<512xf32>
    %reduce_max3A_729 = vector.multi_reduction <maximumf>, %dot_general3A_727, %reduce_max3A_728 [0] : vector<512x512xf32> to vector<512xf32>
    %broadcast_in_dim3A_730 = vector.shape_cast %reduce_max3A_729 : vector<512xf32> to vector<1x512xf32>
    %eq3A_731 = vector.broadcast %broadcast_in_dim3A_730 : vector<1x512xf32> to vector<512x512xf32>
    %eq3A_732 = arith.cmpf oeq, %dot_general3A_727, %eq3A_731 : vector<512x512xf32>
    %jit3A_733 = arith.constant 5.120000e+02 : f32
    %broadcast_in_dim3A_734 = vector.broadcast %jit3A_733 : f32 to vector<512x512xf32>
    %select_n3A_735 = arith.select %eq3A_732, %convert_element_type3A, %broadcast_in_dim3A_734 : vector<512x512xi1>, vector<512x512xf32>
    %reduce_min3A_736 = arith.constant dense<0x7F800000> : vector<512xf32>
    %reduce_min3A_737 = vector.multi_reduction <minimumf>, %select_n3A_735, %reduce_min3A_736 [0] : vector<512x512xf32> to vector<512xf32>
    %convert_element_type3A_738 = arith.fptosi %reduce_min3A_737 : vector<512xf32> to vector<512xi32>
    %add3A_739 = arith.constant 13312 : i32
    %add3A_740 = vector.broadcast %add3A_739 : i32 to vector<512xi32>
    %add3A_741 = arith.addi %convert_element_type3A_738, %add3A_740 : vector<512xi32>
    %broadcast_in_dim3A_742 = vector.shape_cast %add3A_741 : vector<512xi32> to vector<1x512xi32>
    %swap3A_743 = arith.constant 26 : index
    %swap3A_744 = arith.constant 0 : index
    %swap3A_745 = vector.load %arg3[%swap3A_743, %swap3A_744] : memref<64x512xi32, #tpu.memory_space<vmem>>, vector<1x512xi32>
    tpu.vector_store %arg3[%swap3A_743, %swap3A_744], %broadcast_in_dim3A_742 {strides = array<i32>} : memref<64x512xi32, #tpu.memory_space<vmem>>, vector<1x512xi32>,
    %get3A_746 = arith.constant 0 : index
    %get3A_747 = arith.constant 1728 : index
    %get3A_748 = vector.load %arg1[%get3A_746, %get3A_747] : memref<512x4096xf32, #tpu.memory_space<vmem>>, vector<512x64xf32>
    %get3A_749 = arith.constant 27 : index
    %get3A_750 = arith.constant 0 : index
    %get3A_751 = arith.constant 0 : index
    %get3A_752 = vector.load %arg2[%get3A_749, %get3A_750, %get3A_751] : memref<64x512x64xf32, #tpu.memory_space<vmem>>, vector<1x512x64xf32>
    %get3A_753 = vector.shape_cast %get3A_752 : vector<1x512x64xf32> to vector<512x64xf32>
    %dot_general3A_754 = arith.constant dense<0.000000e+00> : vector<512x512xf32>
    %dot_general3A_755 = tpu.matmul %get3A_753, %get3A_748, %dot_general3A_754 {dimension_numbers = #tpu.dot_dimension_numbers<[1], [1], [0], [0], [0, 0, 1, 0], [], []>, transpose_lhs_hint = false} : vector<512x64xf32>, vector<512x64xf32>, vector<512x512xf32> -> vector<512x512xf32>
    %reduce_max3A_756 = arith.constant dense<0xFF800000> : vector<512xf32>
    %reduce_max3A_757 = vector.multi_reduction <maximumf>, %dot_general3A_755, %reduce_max3A_756 [0] : vector<512x512xf32> to vector<512xf32>
    %broadcast_in_dim3A_758 = vector.shape_cast %reduce_max3A_757 : vector<512xf32> to vector<1x512xf32>
    %eq3A_759 = vector.broadcast %broadcast_in_dim3A_758 : vector<1x512xf32> to vector<512x512xf32>
    %eq3A_760 = arith.cmpf oeq, %dot_general3A_755, %eq3A_759 : vector<512x512xf32>
    %jit3A_761 = arith.constant 5.120000e+02 : f32
    %broadcast_in_dim3A_762 = vector.broadcast %jit3A_761 : f32 to vector<512x512xf32>
    %select_n3A_763 = arith.select %eq3A_760, %convert_element_type3A, %broadcast_in_dim3A_762 : vector<512x512xi1>, vector<512x512xf32>
    %reduce_min3A_764 = arith.constant dense<0x7F800000> : vector<512xf32>
    %reduce_min3A_765 = vector.multi_reduction <minimumf>, %select_n3A_763, %reduce_min3A_764 [0] : vector<512x512xf32> to vector<512xf32>
    %convert_element_type3A_766 = arith.fptosi %reduce_min3A_765 : vector<512xf32> to vector<512xi32>
    %add3A_767 = arith.constant 13824 : i32
    %add3A_768 = vector.broadcast %add3A_767 : i32 to vector<512xi32>
    %add3A_769 = arith.addi %convert_element_type3A_766, %add3A_768 : vector<512xi32>
    %broadcast_in_dim3A_770 = vector.shape_cast %add3A_769 : vector<512xi32> to vector<1x512xi32>
    %swap3A_771 = arith.constant 27 : index
    %swap3A_772 = arith.constant 0 : index
    %swap3A_773 = vector.load %arg3[%swap3A_771, %swap3A_772] : memref<64x512xi32, #tpu.memory_space<vmem>>, vector<1x512xi32>
    tpu.vector_store %arg3[%swap3A_771, %swap3A_772], %broadcast_in_dim3A_770 {strides = array<i32>} : memref<64x512xi32, #tpu.memory_space<vmem>>, vector<1x512xi32>,
    %get3A_774 = arith.constant 0 : index
    %get3A_775 = arith.constant 1792 : index
    %get3A_776 = vector.load %arg1[%get3A_774, %get3A_775] : memref<512x4096xf32, #tpu.memory_space<vmem>>, vector<512x64xf32>
    %get3A_777 = arith.constant 28 : index
    %get3A_778 = arith.constant 0 : index
    %get3A_779 = arith.constant 0 : index
    %get3A_780 = vector.load %arg2[%get3A_777, %get3A_778, %get3A_779] : memref<64x512x64xf32, #tpu.memory_space<vmem>>, vector<1x512x64xf32>
    %get3A_781 = vector.shape_cast %get3A_780 : vector<1x512x64xf32> to vector<512x64xf32>
    %dot_general3A_782 = arith.constant dense<0.000000e+00> : vector<512x512xf32>
    %dot_general3A_783 = tpu.matmul %get3A_781, %get3A_776, %dot_general3A_782 {dimension_numbers = #tpu.dot_dimension_numbers<[1], [1], [0], [0], [0, 0, 1, 0], [], []>, transpose_lhs_hint = false} : vector<512x64xf32>, vector<512x64xf32>, vector<512x512xf32> -> vector<512x512xf32>
    %reduce_max3A_784 = arith.constant dense<0xFF800000> : vector<512xf32>
    %reduce_max3A_785 = vector.multi_reduction <maximumf>, %dot_general3A_783, %reduce_max3A_784 [0] : vector<512x512xf32> to vector<512xf32>
    %broadcast_in_dim3A_786 = vector.shape_cast %reduce_max3A_785 : vector<512xf32> to vector<1x512xf32>
    %eq3A_787 = vector.broadcast %broadcast_in_dim3A_786 : vector<1x512xf32> to vector<512x512xf32>
    %eq3A_788 = arith.cmpf oeq, %dot_general3A_783, %eq3A_787 : vector<512x512xf32>
    %jit3A_789 = arith.constant 5.120000e+02 : f32
    %broadcast_in_dim3A_790 = vector.broadcast %jit3A_789 : f32 to vector<512x512xf32>
    %select_n3A_791 = arith.select %eq3A_788, %convert_element_type3A, %broadcast_in_dim3A_790 : vector<512x512xi1>, vector<512x512xf32>
    %reduce_min3A_792 = arith.constant dense<0x7F800000> : vector<512xf32>
    %reduce_min3A_793 = vector.multi_reduction <minimumf>, %select_n3A_791, %reduce_min3A_792 [0] : vector<512x512xf32> to vector<512xf32>
    %convert_element_type3A_794 = arith.fptosi %reduce_min3A_793 : vector<512xf32> to vector<512xi32>
    %add3A_795 = arith.constant 14336 : i32
    %add3A_796 = vector.broadcast %add3A_795 : i32 to vector<512xi32>
    %add3A_797 = arith.addi %convert_element_type3A_794, %add3A_796 : vector<512xi32>
    %broadcast_in_dim3A_798 = vector.shape_cast %add3A_797 : vector<512xi32> to vector<1x512xi32>
    %swap3A_799 = arith.constant 28 : index
    %swap3A_800 = arith.constant 0 : index
    %swap3A_801 = vector.load %arg3[%swap3A_799, %swap3A_800] : memref<64x512xi32, #tpu.memory_space<vmem>>, vector<1x512xi32>
    tpu.vector_store %arg3[%swap3A_799, %swap3A_800], %broadcast_in_dim3A_798 {strides = array<i32>} : memref<64x512xi32, #tpu.memory_space<vmem>>, vector<1x512xi32>,
    %get3A_802 = arith.constant 0 : index
    %get3A_803 = arith.constant 1856 : index
    %get3A_804 = vector.load %arg1[%get3A_802, %get3A_803] : memref<512x4096xf32, #tpu.memory_space<vmem>>, vector<512x64xf32>
    %get3A_805 = arith.constant 29 : index
    %get3A_806 = arith.constant 0 : index
    %get3A_807 = arith.constant 0 : index
    %get3A_808 = vector.load %arg2[%get3A_805, %get3A_806, %get3A_807] : memref<64x512x64xf32, #tpu.memory_space<vmem>>, vector<1x512x64xf32>
    %get3A_809 = vector.shape_cast %get3A_808 : vector<1x512x64xf32> to vector<512x64xf32>
    %dot_general3A_810 = arith.constant dense<0.000000e+00> : vector<512x512xf32>
    %dot_general3A_811 = tpu.matmul %get3A_809, %get3A_804, %dot_general3A_810 {dimension_numbers = #tpu.dot_dimension_numbers<[1], [1], [0], [0], [0, 0, 1, 0], [], []>, transpose_lhs_hint = false} : vector<512x64xf32>, vector<512x64xf32>, vector<512x512xf32> -> vector<512x512xf32>
    %reduce_max3A_812 = arith.constant dense<0xFF800000> : vector<512xf32>
    %reduce_max3A_813 = vector.multi_reduction <maximumf>, %dot_general3A_811, %reduce_max3A_812 [0] : vector<512x512xf32> to vector<512xf32>
    %broadcast_in_dim3A_814 = vector.shape_cast %reduce_max3A_813 : vector<512xf32> to vector<1x512xf32>
    %eq3A_815 = vector.broadcast %broadcast_in_dim3A_814 : vector<1x512xf32> to vector<512x512xf32>
    %eq3A_816 = arith.cmpf oeq, %dot_general3A_811, %eq3A_815 : vector<512x512xf32>
    %jit3A_817 = arith.constant 5.120000e+02 : f32
    %broadcast_in_dim3A_818 = vector.broadcast %jit3A_817 : f32 to vector<512x512xf32>
    %select_n3A_819 = arith.select %eq3A_816, %convert_element_type3A, %broadcast_in_dim3A_818 : vector<512x512xi1>, vector<512x512xf32>
    %reduce_min3A_820 = arith.constant dense<0x7F800000> : vector<512xf32>
    %reduce_min3A_821 = vector.multi_reduction <minimumf>, %select_n3A_819, %reduce_min3A_820 [0] : vector<512x512xf32> to vector<512xf32>
    %convert_element_type3A_822 = arith.fptosi %reduce_min3A_821 : vector<512xf32> to vector<512xi32>
    %add3A_823 = arith.constant 14848 : i32
    %add3A_824 = vector.broadcast %add3A_823 : i32 to vector<512xi32>
    %add3A_825 = arith.addi %convert_element_type3A_822, %add3A_824 : vector<512xi32>
    %broadcast_in_dim3A_826 = vector.shape_cast %add3A_825 : vector<512xi32> to vector<1x512xi32>
    %swap3A_827 = arith.constant 29 : index
    %swap3A_828 = arith.constant 0 : index
    %swap3A_829 = vector.load %arg3[%swap3A_827, %swap3A_828] : memref<64x512xi32, #tpu.memory_space<vmem>>, vector<1x512xi32>
    tpu.vector_store %arg3[%swap3A_827, %swap3A_828], %broadcast_in_dim3A_826 {strides = array<i32>} : memref<64x512xi32, #tpu.memory_space<vmem>>, vector<1x512xi32>,
    %get3A_830 = arith.constant 0 : index
    %get3A_831 = arith.constant 1920 : index
    %get3A_832 = vector.load %arg1[%get3A_830, %get3A_831] : memref<512x4096xf32, #tpu.memory_space<vmem>>, vector<512x64xf32>
    %get3A_833 = arith.constant 30 : index
    %get3A_834 = arith.constant 0 : index
    %get3A_835 = arith.constant 0 : index
    %get3A_836 = vector.load %arg2[%get3A_833, %get3A_834, %get3A_835] : memref<64x512x64xf32, #tpu.memory_space<vmem>>, vector<1x512x64xf32>
    %get3A_837 = vector.shape_cast %get3A_836 : vector<1x512x64xf32> to vector<512x64xf32>
    %dot_general3A_838 = arith.constant dense<0.000000e+00> : vector<512x512xf32>
    %dot_general3A_839 = tpu.matmul %get3A_837, %get3A_832, %dot_general3A_838 {dimension_numbers = #tpu.dot_dimension_numbers<[1], [1], [0], [0], [0, 0, 1, 0], [], []>, transpose_lhs_hint = false} : vector<512x64xf32>, vector<512x64xf32>, vector<512x512xf32> -> vector<512x512xf32>
    %reduce_max3A_840 = arith.constant dense<0xFF800000> : vector<512xf32>
    %reduce_max3A_841 = vector.multi_reduction <maximumf>, %dot_general3A_839, %reduce_max3A_840 [0] : vector<512x512xf32> to vector<512xf32>
    %broadcast_in_dim3A_842 = vector.shape_cast %reduce_max3A_841 : vector<512xf32> to vector<1x512xf32>
    %eq3A_843 = vector.broadcast %broadcast_in_dim3A_842 : vector<1x512xf32> to vector<512x512xf32>
    %eq3A_844 = arith.cmpf oeq, %dot_general3A_839, %eq3A_843 : vector<512x512xf32>
    %jit3A_845 = arith.constant 5.120000e+02 : f32
    %broadcast_in_dim3A_846 = vector.broadcast %jit3A_845 : f32 to vector<512x512xf32>
    %select_n3A_847 = arith.select %eq3A_844, %convert_element_type3A, %broadcast_in_dim3A_846 : vector<512x512xi1>, vector<512x512xf32>
    %reduce_min3A_848 = arith.constant dense<0x7F800000> : vector<512xf32>
    %reduce_min3A_849 = vector.multi_reduction <minimumf>, %select_n3A_847, %reduce_min3A_848 [0] : vector<512x512xf32> to vector<512xf32>
    %convert_element_type3A_850 = arith.fptosi %reduce_min3A_849 : vector<512xf32> to vector<512xi32>
    %add3A_851 = arith.constant 15360 : i32
    %add3A_852 = vector.broadcast %add3A_851 : i32 to vector<512xi32>
    %add3A_853 = arith.addi %convert_element_type3A_850, %add3A_852 : vector<512xi32>
    %broadcast_in_dim3A_854 = vector.shape_cast %add3A_853 : vector<512xi32> to vector<1x512xi32>
    %swap3A_855 = arith.constant 30 : index
    %swap3A_856 = arith.constant 0 : index
    %swap3A_857 = vector.load %arg3[%swap3A_855, %swap3A_856] : memref<64x512xi32, #tpu.memory_space<vmem>>, vector<1x512xi32>
    tpu.vector_store %arg3[%swap3A_855, %swap3A_856], %broadcast_in_dim3A_854 {strides = array<i32>} : memref<64x512xi32, #tpu.memory_space<vmem>>, vector<1x512xi32>,
    %get3A_858 = arith.constant 0 : index
    %get3A_859 = arith.constant 1984 : index
    %get3A_860 = vector.load %arg1[%get3A_858, %get3A_859] : memref<512x4096xf32, #tpu.memory_space<vmem>>, vector<512x64xf32>
    %get3A_861 = arith.constant 31 : index
    %get3A_862 = arith.constant 0 : index
    %get3A_863 = arith.constant 0 : index
    %get3A_864 = vector.load %arg2[%get3A_861, %get3A_862, %get3A_863] : memref<64x512x64xf32, #tpu.memory_space<vmem>>, vector<1x512x64xf32>
    %get3A_865 = vector.shape_cast %get3A_864 : vector<1x512x64xf32> to vector<512x64xf32>
    %dot_general3A_866 = arith.constant dense<0.000000e+00> : vector<512x512xf32>
    %dot_general3A_867 = tpu.matmul %get3A_865, %get3A_860, %dot_general3A_866 {dimension_numbers = #tpu.dot_dimension_numbers<[1], [1], [0], [0], [0, 0, 1, 0], [], []>, transpose_lhs_hint = false} : vector<512x64xf32>, vector<512x64xf32>, vector<512x512xf32> -> vector<512x512xf32>
    %reduce_max3A_868 = arith.constant dense<0xFF800000> : vector<512xf32>
    %reduce_max3A_869 = vector.multi_reduction <maximumf>, %dot_general3A_867, %reduce_max3A_868 [0] : vector<512x512xf32> to vector<512xf32>
    %broadcast_in_dim3A_870 = vector.shape_cast %reduce_max3A_869 : vector<512xf32> to vector<1x512xf32>
    %eq3A_871 = vector.broadcast %broadcast_in_dim3A_870 : vector<1x512xf32> to vector<512x512xf32>
    %eq3A_872 = arith.cmpf oeq, %dot_general3A_867, %eq3A_871 : vector<512x512xf32>
    %jit3A_873 = arith.constant 5.120000e+02 : f32
    %broadcast_in_dim3A_874 = vector.broadcast %jit3A_873 : f32 to vector<512x512xf32>
    %select_n3A_875 = arith.select %eq3A_872, %convert_element_type3A, %broadcast_in_dim3A_874 : vector<512x512xi1>, vector<512x512xf32>
    %reduce_min3A_876 = arith.constant dense<0x7F800000> : vector<512xf32>
    %reduce_min3A_877 = vector.multi_reduction <minimumf>, %select_n3A_875, %reduce_min3A_876 [0] : vector<512x512xf32> to vector<512xf32>
    %convert_element_type3A_878 = arith.fptosi %reduce_min3A_877 : vector<512xf32> to vector<512xi32>
    %add3A_879 = arith.constant 15872 : i32
    %add3A_880 = vector.broadcast %add3A_879 : i32 to vector<512xi32>
    %add3A_881 = arith.addi %convert_element_type3A_878, %add3A_880 : vector<512xi32>
    %broadcast_in_dim3A_882 = vector.shape_cast %add3A_881 : vector<512xi32> to vector<1x512xi32>
    %swap3A_883 = arith.constant 31 : index
    %swap3A_884 = arith.constant 0 : index
    %swap3A_885 = vector.load %arg3[%swap3A_883, %swap3A_884] : memref<64x512xi32, #tpu.memory_space<vmem>>, vector<1x512xi32>
    tpu.vector_store %arg3[%swap3A_883, %swap3A_884], %broadcast_in_dim3A_882 {strides = array<i32>} : memref<64x512xi32, #tpu.memory_space<vmem>>, vector<1x512xi32>,
    %get3A_886 = arith.constant 0 : index
    %get3A_887 = arith.constant 2048 : index
    %get3A_888 = vector.load %arg1[%get3A_886, %get3A_887] : memref<512x4096xf32, #tpu.memory_space<vmem>>, vector<512x64xf32>
    %get3A_889 = arith.constant 32 : index
    %get3A_890 = arith.constant 0 : index
    %get3A_891 = arith.constant 0 : index
    %get3A_892 = vector.load %arg2[%get3A_889, %get3A_890, %get3A_891] : memref<64x512x64xf32, #tpu.memory_space<vmem>>, vector<1x512x64xf32>
    %get3A_893 = vector.shape_cast %get3A_892 : vector<1x512x64xf32> to vector<512x64xf32>
    %dot_general3A_894 = arith.constant dense<0.000000e+00> : vector<512x512xf32>
    %dot_general3A_895 = tpu.matmul %get3A_893, %get3A_888, %dot_general3A_894 {dimension_numbers = #tpu.dot_dimension_numbers<[1], [1], [0], [0], [0, 0, 1, 0], [], []>, transpose_lhs_hint = false} : vector<512x64xf32>, vector<512x64xf32>, vector<512x512xf32> -> vector<512x512xf32>
    %reduce_max3A_896 = arith.constant dense<0xFF800000> : vector<512xf32>
    %reduce_max3A_897 = vector.multi_reduction <maximumf>, %dot_general3A_895, %reduce_max3A_896 [0] : vector<512x512xf32> to vector<512xf32>
    %broadcast_in_dim3A_898 = vector.shape_cast %reduce_max3A_897 : vector<512xf32> to vector<1x512xf32>
    %eq3A_899 = vector.broadcast %broadcast_in_dim3A_898 : vector<1x512xf32> to vector<512x512xf32>
    %eq3A_900 = arith.cmpf oeq, %dot_general3A_895, %eq3A_899 : vector<512x512xf32>
    %jit3A_901 = arith.constant 5.120000e+02 : f32
    %broadcast_in_dim3A_902 = vector.broadcast %jit3A_901 : f32 to vector<512x512xf32>
    %select_n3A_903 = arith.select %eq3A_900, %convert_element_type3A, %broadcast_in_dim3A_902 : vector<512x512xi1>, vector<512x512xf32>
    %reduce_min3A_904 = arith.constant dense<0x7F800000> : vector<512xf32>
    %reduce_min3A_905 = vector.multi_reduction <minimumf>, %select_n3A_903, %reduce_min3A_904 [0] : vector<512x512xf32> to vector<512xf32>
    %convert_element_type3A_906 = arith.fptosi %reduce_min3A_905 : vector<512xf32> to vector<512xi32>
    %add3A_907 = arith.constant 16384 : i32
    %add3A_908 = vector.broadcast %add3A_907 : i32 to vector<512xi32>
    %add3A_909 = arith.addi %convert_element_type3A_906, %add3A_908 : vector<512xi32>
    %broadcast_in_dim3A_910 = vector.shape_cast %add3A_909 : vector<512xi32> to vector<1x512xi32>
    %swap3A_911 = arith.constant 32 : index
    %swap3A_912 = arith.constant 0 : index
    %swap3A_913 = vector.load %arg3[%swap3A_911, %swap3A_912] : memref<64x512xi32, #tpu.memory_space<vmem>>, vector<1x512xi32>
    tpu.vector_store %arg3[%swap3A_911, %swap3A_912], %broadcast_in_dim3A_910 {strides = array<i32>} : memref<64x512xi32, #tpu.memory_space<vmem>>, vector<1x512xi32>,
    %get3A_914 = arith.constant 0 : index
    %get3A_915 = arith.constant 2112 : index
    %get3A_916 = vector.load %arg1[%get3A_914, %get3A_915] : memref<512x4096xf32, #tpu.memory_space<vmem>>, vector<512x64xf32>
    %get3A_917 = arith.constant 33 : index
    %get3A_918 = arith.constant 0 : index
    %get3A_919 = arith.constant 0 : index
    %get3A_920 = vector.load %arg2[%get3A_917, %get3A_918, %get3A_919] : memref<64x512x64xf32, #tpu.memory_space<vmem>>, vector<1x512x64xf32>
    %get3A_921 = vector.shape_cast %get3A_920 : vector<1x512x64xf32> to vector<512x64xf32>
    %dot_general3A_922 = arith.constant dense<0.000000e+00> : vector<512x512xf32>
    %dot_general3A_923 = tpu.matmul %get3A_921, %get3A_916, %dot_general3A_922 {dimension_numbers = #tpu.dot_dimension_numbers<[1], [1], [0], [0], [0, 0, 1, 0], [], []>, transpose_lhs_hint = false} : vector<512x64xf32>, vector<512x64xf32>, vector<512x512xf32> -> vector<512x512xf32>
    %reduce_max3A_924 = arith.constant dense<0xFF800000> : vector<512xf32>
    %reduce_max3A_925 = vector.multi_reduction <maximumf>, %dot_general3A_923, %reduce_max3A_924 [0] : vector<512x512xf32> to vector<512xf32>
    %broadcast_in_dim3A_926 = vector.shape_cast %reduce_max3A_925 : vector<512xf32> to vector<1x512xf32>
    %eq3A_927 = vector.broadcast %broadcast_in_dim3A_926 : vector<1x512xf32> to vector<512x512xf32>
    %eq3A_928 = arith.cmpf oeq, %dot_general3A_923, %eq3A_927 : vector<512x512xf32>
    %jit3A_929 = arith.constant 5.120000e+02 : f32
    %broadcast_in_dim3A_930 = vector.broadcast %jit3A_929 : f32 to vector<512x512xf32>
    %select_n3A_931 = arith.select %eq3A_928, %convert_element_type3A, %broadcast_in_dim3A_930 : vector<512x512xi1>, vector<512x512xf32>
    %reduce_min3A_932 = arith.constant dense<0x7F800000> : vector<512xf32>
    %reduce_min3A_933 = vector.multi_reduction <minimumf>, %select_n3A_931, %reduce_min3A_932 [0] : vector<512x512xf32> to vector<512xf32>
    %convert_element_type3A_934 = arith.fptosi %reduce_min3A_933 : vector<512xf32> to vector<512xi32>
    %add3A_935 = arith.constant 16896 : i32
    %add3A_936 = vector.broadcast %add3A_935 : i32 to vector<512xi32>
    %add3A_937 = arith.addi %convert_element_type3A_934, %add3A_936 : vector<512xi32>
    %broadcast_in_dim3A_938 = vector.shape_cast %add3A_937 : vector<512xi32> to vector<1x512xi32>
    %swap3A_939 = arith.constant 33 : index
    %swap3A_940 = arith.constant 0 : index
    %swap3A_941 = vector.load %arg3[%swap3A_939, %swap3A_940] : memref<64x512xi32, #tpu.memory_space<vmem>>, vector<1x512xi32>
    tpu.vector_store %arg3[%swap3A_939, %swap3A_940], %broadcast_in_dim3A_938 {strides = array<i32>} : memref<64x512xi32, #tpu.memory_space<vmem>>, vector<1x512xi32>,
    %get3A_942 = arith.constant 0 : index
    %get3A_943 = arith.constant 2176 : index
    %get3A_944 = vector.load %arg1[%get3A_942, %get3A_943] : memref<512x4096xf32, #tpu.memory_space<vmem>>, vector<512x64xf32>
    %get3A_945 = arith.constant 34 : index
    %get3A_946 = arith.constant 0 : index
    %get3A_947 = arith.constant 0 : index
    %get3A_948 = vector.load %arg2[%get3A_945, %get3A_946, %get3A_947] : memref<64x512x64xf32, #tpu.memory_space<vmem>>, vector<1x512x64xf32>
    %get3A_949 = vector.shape_cast %get3A_948 : vector<1x512x64xf32> to vector<512x64xf32>
    %dot_general3A_950 = arith.constant dense<0.000000e+00> : vector<512x512xf32>
    %dot_general3A_951 = tpu.matmul %get3A_949, %get3A_944, %dot_general3A_950 {dimension_numbers = #tpu.dot_dimension_numbers<[1], [1], [0], [0], [0, 0, 1, 0], [], []>, transpose_lhs_hint = false} : vector<512x64xf32>, vector<512x64xf32>, vector<512x512xf32> -> vector<512x512xf32>
    %reduce_max3A_952 = arith.constant dense<0xFF800000> : vector<512xf32>
    %reduce_max3A_953 = vector.multi_reduction <maximumf>, %dot_general3A_951, %reduce_max3A_952 [0] : vector<512x512xf32> to vector<512xf32>
    %broadcast_in_dim3A_954 = vector.shape_cast %reduce_max3A_953 : vector<512xf32> to vector<1x512xf32>
    %eq3A_955 = vector.broadcast %broadcast_in_dim3A_954 : vector<1x512xf32> to vector<512x512xf32>
    %eq3A_956 = arith.cmpf oeq, %dot_general3A_951, %eq3A_955 : vector<512x512xf32>
    %jit3A_957 = arith.constant 5.120000e+02 : f32
    %broadcast_in_dim3A_958 = vector.broadcast %jit3A_957 : f32 to vector<512x512xf32>
    %select_n3A_959 = arith.select %eq3A_956, %convert_element_type3A, %broadcast_in_dim3A_958 : vector<512x512xi1>, vector<512x512xf32>
    %reduce_min3A_960 = arith.constant dense<0x7F800000> : vector<512xf32>
    %reduce_min3A_961 = vector.multi_reduction <minimumf>, %select_n3A_959, %reduce_min3A_960 [0] : vector<512x512xf32> to vector<512xf32>
    %convert_element_type3A_962 = arith.fptosi %reduce_min3A_961 : vector<512xf32> to vector<512xi32>
    %add3A_963 = arith.constant 17408 : i32
    %add3A_964 = vector.broadcast %add3A_963 : i32 to vector<512xi32>
    %add3A_965 = arith.addi %convert_element_type3A_962, %add3A_964 : vector<512xi32>
    %broadcast_in_dim3A_966 = vector.shape_cast %add3A_965 : vector<512xi32> to vector<1x512xi32>
    %swap3A_967 = arith.constant 34 : index
    %swap3A_968 = arith.constant 0 : index
    %swap3A_969 = vector.load %arg3[%swap3A_967, %swap3A_968] : memref<64x512xi32, #tpu.memory_space<vmem>>, vector<1x512xi32>
    tpu.vector_store %arg3[%swap3A_967, %swap3A_968], %broadcast_in_dim3A_966 {strides = array<i32>} : memref<64x512xi32, #tpu.memory_space<vmem>>, vector<1x512xi32>,
    %get3A_970 = arith.constant 0 : index
    %get3A_971 = arith.constant 2240 : index
    %get3A_972 = vector.load %arg1[%get3A_970, %get3A_971] : memref<512x4096xf32, #tpu.memory_space<vmem>>, vector<512x64xf32>
    %get3A_973 = arith.constant 35 : index
    %get3A_974 = arith.constant 0 : index
    %get3A_975 = arith.constant 0 : index
    %get3A_976 = vector.load %arg2[%get3A_973, %get3A_974, %get3A_975] : memref<64x512x64xf32, #tpu.memory_space<vmem>>, vector<1x512x64xf32>
    %get3A_977 = vector.shape_cast %get3A_976 : vector<1x512x64xf32> to vector<512x64xf32>
    %dot_general3A_978 = arith.constant dense<0.000000e+00> : vector<512x512xf32>
    %dot_general3A_979 = tpu.matmul %get3A_977, %get3A_972, %dot_general3A_978 {dimension_numbers = #tpu.dot_dimension_numbers<[1], [1], [0], [0], [0, 0, 1, 0], [], []>, transpose_lhs_hint = false} : vector<512x64xf32>, vector<512x64xf32>, vector<512x512xf32> -> vector<512x512xf32>
    %reduce_max3A_980 = arith.constant dense<0xFF800000> : vector<512xf32>
    %reduce_max3A_981 = vector.multi_reduction <maximumf>, %dot_general3A_979, %reduce_max3A_980 [0] : vector<512x512xf32> to vector<512xf32>
    %broadcast_in_dim3A_982 = vector.shape_cast %reduce_max3A_981 : vector<512xf32> to vector<1x512xf32>
    %eq3A_983 = vector.broadcast %broadcast_in_dim3A_982 : vector<1x512xf32> to vector<512x512xf32>
    %eq3A_984 = arith.cmpf oeq, %dot_general3A_979, %eq3A_983 : vector<512x512xf32>
    %jit3A_985 = arith.constant 5.120000e+02 : f32
    %broadcast_in_dim3A_986 = vector.broadcast %jit3A_985 : f32 to vector<512x512xf32>
    %select_n3A_987 = arith.select %eq3A_984, %convert_element_type3A, %broadcast_in_dim3A_986 : vector<512x512xi1>, vector<512x512xf32>
    %reduce_min3A_988 = arith.constant dense<0x7F800000> : vector<512xf32>
    %reduce_min3A_989 = vector.multi_reduction <minimumf>, %select_n3A_987, %reduce_min3A_988 [0] : vector<512x512xf32> to vector<512xf32>
    %convert_element_type3A_990 = arith.fptosi %reduce_min3A_989 : vector<512xf32> to vector<512xi32>
    %add3A_991 = arith.constant 17920 : i32
    %add3A_992 = vector.broadcast %add3A_991 : i32 to vector<512xi32>
    %add3A_993 = arith.addi %convert_element_type3A_990, %add3A_992 : vector<512xi32>
    %broadcast_in_dim3A_994 = vector.shape_cast %add3A_993 : vector<512xi32> to vector<1x512xi32>
    %swap3A_995 = arith.constant 35 : index
    %swap3A_996 = arith.constant 0 : index
    %swap3A_997 = vector.load %arg3[%swap3A_995, %swap3A_996] : memref<64x512xi32, #tpu.memory_space<vmem>>, vector<1x512xi32>
    tpu.vector_store %arg3[%swap3A_995, %swap3A_996], %broadcast_in_dim3A_994 {strides = array<i32>} : memref<64x512xi32, #tpu.memory_space<vmem>>, vector<1x512xi32>,
    %get3A_998 = arith.constant 0 : index
    %get3A_999 = arith.constant 2304 : index
    %get3A_1000 = vector.load %arg1[%get3A_998, %get3A_999] : memref<512x4096xf32, #tpu.memory_space<vmem>>, vector<512x64xf32>
    %get3A_1001 = arith.constant 36 : index
    %get3A_1002 = arith.constant 0 : index
    %get3A_1003 = arith.constant 0 : index
    %get3A_1004 = vector.load %arg2[%get3A_1001, %get3A_1002, %get3A_1003] : memref<64x512x64xf32, #tpu.memory_space<vmem>>, vector<1x512x64xf32>
    %get3A_1005 = vector.shape_cast %get3A_1004 : vector<1x512x64xf32> to vector<512x64xf32>
    %dot_general3A_1006 = arith.constant dense<0.000000e+00> : vector<512x512xf32>
    %dot_general3A_1007 = tpu.matmul %get3A_1005, %get3A_1000, %dot_general3A_1006 {dimension_numbers = #tpu.dot_dimension_numbers<[1], [1], [0], [0], [0, 0, 1, 0], [], []>, transpose_lhs_hint = false} : vector<512x64xf32>, vector<512x64xf32>, vector<512x512xf32> -> vector<512x512xf32>
    %reduce_max3A_1008 = arith.constant dense<0xFF800000> : vector<512xf32>
    %reduce_max3A_1009 = vector.multi_reduction <maximumf>, %dot_general3A_1007, %reduce_max3A_1008 [0] : vector<512x512xf32> to vector<512xf32>
    %broadcast_in_dim3A_1010 = vector.shape_cast %reduce_max3A_1009 : vector<512xf32> to vector<1x512xf32>
    %eq3A_1011 = vector.broadcast %broadcast_in_dim3A_1010 : vector<1x512xf32> to vector<512x512xf32>
    %eq3A_1012 = arith.cmpf oeq, %dot_general3A_1007, %eq3A_1011 : vector<512x512xf32>
    %jit3A_1013 = arith.constant 5.120000e+02 : f32
    %broadcast_in_dim3A_1014 = vector.broadcast %jit3A_1013 : f32 to vector<512x512xf32>
    %select_n3A_1015 = arith.select %eq3A_1012, %convert_element_type3A, %broadcast_in_dim3A_1014 : vector<512x512xi1>, vector<512x512xf32>
    %reduce_min3A_1016 = arith.constant dense<0x7F800000> : vector<512xf32>
    %reduce_min3A_1017 = vector.multi_reduction <minimumf>, %select_n3A_1015, %reduce_min3A_1016 [0] : vector<512x512xf32> to vector<512xf32>
    %convert_element_type3A_1018 = arith.fptosi %reduce_min3A_1017 : vector<512xf32> to vector<512xi32>
    %add3A_1019 = arith.constant 18432 : i32
    %add3A_1020 = vector.broadcast %add3A_1019 : i32 to vector<512xi32>
    %add3A_1021 = arith.addi %convert_element_type3A_1018, %add3A_1020 : vector<512xi32>
    %broadcast_in_dim3A_1022 = vector.shape_cast %add3A_1021 : vector<512xi32> to vector<1x512xi32>
    %swap3A_1023 = arith.constant 36 : index
    %swap3A_1024 = arith.constant 0 : index
    %swap3A_1025 = vector.load %arg3[%swap3A_1023, %swap3A_1024] : memref<64x512xi32, #tpu.memory_space<vmem>>, vector<1x512xi32>
    tpu.vector_store %arg3[%swap3A_1023, %swap3A_1024], %broadcast_in_dim3A_1022 {strides = array<i32>} : memref<64x512xi32, #tpu.memory_space<vmem>>, vector<1x512xi32>,
    %get3A_1026 = arith.constant 0 : index
    %get3A_1027 = arith.constant 2368 : index
    %get3A_1028 = vector.load %arg1[%get3A_1026, %get3A_1027] : memref<512x4096xf32, #tpu.memory_space<vmem>>, vector<512x64xf32>
    %get3A_1029 = arith.constant 37 : index
    %get3A_1030 = arith.constant 0 : index
    %get3A_1031 = arith.constant 0 : index
    %get3A_1032 = vector.load %arg2[%get3A_1029, %get3A_1030, %get3A_1031] : memref<64x512x64xf32, #tpu.memory_space<vmem>>, vector<1x512x64xf32>
    %get3A_1033 = vector.shape_cast %get3A_1032 : vector<1x512x64xf32> to vector<512x64xf32>
    %dot_general3A_1034 = arith.constant dense<0.000000e+00> : vector<512x512xf32>
    %dot_general3A_1035 = tpu.matmul %get3A_1033, %get3A_1028, %dot_general3A_1034 {dimension_numbers = #tpu.dot_dimension_numbers<[1], [1], [0], [0], [0, 0, 1, 0], [], []>, transpose_lhs_hint = false} : vector<512x64xf32>, vector<512x64xf32>, vector<512x512xf32> -> vector<512x512xf32>
    %reduce_max3A_1036 = arith.constant dense<0xFF800000> : vector<512xf32>
    %reduce_max3A_1037 = vector.multi_reduction <maximumf>, %dot_general3A_1035, %reduce_max3A_1036 [0] : vector<512x512xf32> to vector<512xf32>
    %broadcast_in_dim3A_1038 = vector.shape_cast %reduce_max3A_1037 : vector<512xf32> to vector<1x512xf32>
    %eq3A_1039 = vector.broadcast %broadcast_in_dim3A_1038 : vector<1x512xf32> to vector<512x512xf32>
    %eq3A_1040 = arith.cmpf oeq, %dot_general3A_1035, %eq3A_1039 : vector<512x512xf32>
    %jit3A_1041 = arith.constant 5.120000e+02 : f32
    %broadcast_in_dim3A_1042 = vector.broadcast %jit3A_1041 : f32 to vector<512x512xf32>
    %select_n3A_1043 = arith.select %eq3A_1040, %convert_element_type3A, %broadcast_in_dim3A_1042 : vector<512x512xi1>, vector<512x512xf32>
    %reduce_min3A_1044 = arith.constant dense<0x7F800000> : vector<512xf32>
    %reduce_min3A_1045 = vector.multi_reduction <minimumf>, %select_n3A_1043, %reduce_min3A_1044 [0] : vector<512x512xf32> to vector<512xf32>
    %convert_element_type3A_1046 = arith.fptosi %reduce_min3A_1045 : vector<512xf32> to vector<512xi32>
    %add3A_1047 = arith.constant 18944 : i32
    %add3A_1048 = vector.broadcast %add3A_1047 : i32 to vector<512xi32>
    %add3A_1049 = arith.addi %convert_element_type3A_1046, %add3A_1048 : vector<512xi32>
    %broadcast_in_dim3A_1050 = vector.shape_cast %add3A_1049 : vector<512xi32> to vector<1x512xi32>
    %swap3A_1051 = arith.constant 37 : index
    %swap3A_1052 = arith.constant 0 : index
    %swap3A_1053 = vector.load %arg3[%swap3A_1051, %swap3A_1052] : memref<64x512xi32, #tpu.memory_space<vmem>>, vector<1x512xi32>
    tpu.vector_store %arg3[%swap3A_1051, %swap3A_1052], %broadcast_in_dim3A_1050 {strides = array<i32>} : memref<64x512xi32, #tpu.memory_space<vmem>>, vector<1x512xi32>,
    %get3A_1054 = arith.constant 0 : index
    %get3A_1055 = arith.constant 2432 : index
    %get3A_1056 = vector.load %arg1[%get3A_1054, %get3A_1055] : memref<512x4096xf32, #tpu.memory_space<vmem>>, vector<512x64xf32>
    %get3A_1057 = arith.constant 38 : index
    %get3A_1058 = arith.constant 0 : index
    %get3A_1059 = arith.constant 0 : index
    %get3A_1060 = vector.load %arg2[%get3A_1057, %get3A_1058, %get3A_1059] : memref<64x512x64xf32, #tpu.memory_space<vmem>>, vector<1x512x64xf32>
    %get3A_1061 = vector.shape_cast %get3A_1060 : vector<1x512x64xf32> to vector<512x64xf32>
    %dot_general3A_1062 = arith.constant dense<0.000000e+00> : vector<512x512xf32>
    %dot_general3A_1063 = tpu.matmul %get3A_1061, %get3A_1056, %dot_general3A_1062 {dimension_numbers = #tpu.dot_dimension_numbers<[1], [1], [0], [0], [0, 0, 1, 0], [], []>, transpose_lhs_hint = false} : vector<512x64xf32>, vector<512x64xf32>, vector<512x512xf32> -> vector<512x512xf32>
    %reduce_max3A_1064 = arith.constant dense<0xFF800000> : vector<512xf32>
    %reduce_max3A_1065 = vector.multi_reduction <maximumf>, %dot_general3A_1063, %reduce_max3A_1064 [0] : vector<512x512xf32> to vector<512xf32>
    %broadcast_in_dim3A_1066 = vector.shape_cast %reduce_max3A_1065 : vector<512xf32> to vector<1x512xf32>
    %eq3A_1067 = vector.broadcast %broadcast_in_dim3A_1066 : vector<1x512xf32> to vector<512x512xf32>
    %eq3A_1068 = arith.cmpf oeq, %dot_general3A_1063, %eq3A_1067 : vector<512x512xf32>
    %jit3A_1069 = arith.constant 5.120000e+02 : f32
    %broadcast_in_dim3A_1070 = vector.broadcast %jit3A_1069 : f32 to vector<512x512xf32>
    %select_n3A_1071 = arith.select %eq3A_1068, %convert_element_type3A, %broadcast_in_dim3A_1070 : vector<512x512xi1>, vector<512x512xf32>
    %reduce_min3A_1072 = arith.constant dense<0x7F800000> : vector<512xf32>
    %reduce_min3A_1073 = vector.multi_reduction <minimumf>, %select_n3A_1071, %reduce_min3A_1072 [0] : vector<512x512xf32> to vector<512xf32>
    %convert_element_type3A_1074 = arith.fptosi %reduce_min3A_1073 : vector<512xf32> to vector<512xi32>
    %add3A_1075 = arith.constant 19456 : i32
    %add3A_1076 = vector.broadcast %add3A_1075 : i32 to vector<512xi32>
    %add3A_1077 = arith.addi %convert_element_type3A_1074, %add3A_1076 : vector<512xi32>
    %broadcast_in_dim3A_1078 = vector.shape_cast %add3A_1077 : vector<512xi32> to vector<1x512xi32>
    %swap3A_1079 = arith.constant 38 : index
    %swap3A_1080 = arith.constant 0 : index
    %swap3A_1081 = vector.load %arg3[%swap3A_1079, %swap3A_1080] : memref<64x512xi32, #tpu.memory_space<vmem>>, vector<1x512xi32>
    tpu.vector_store %arg3[%swap3A_1079, %swap3A_1080], %broadcast_in_dim3A_1078 {strides = array<i32>} : memref<64x512xi32, #tpu.memory_space<vmem>>, vector<1x512xi32>,
    %get3A_1082 = arith.constant 0 : index
    %get3A_1083 = arith.constant 2496 : index
    %get3A_1084 = vector.load %arg1[%get3A_1082, %get3A_1083] : memref<512x4096xf32, #tpu.memory_space<vmem>>, vector<512x64xf32>
    %get3A_1085 = arith.constant 39 : index
    %get3A_1086 = arith.constant 0 : index
    %get3A_1087 = arith.constant 0 : index
    %get3A_1088 = vector.load %arg2[%get3A_1085, %get3A_1086, %get3A_1087] : memref<64x512x64xf32, #tpu.memory_space<vmem>>, vector<1x512x64xf32>
    %get3A_1089 = vector.shape_cast %get3A_1088 : vector<1x512x64xf32> to vector<512x64xf32>
    %dot_general3A_1090 = arith.constant dense<0.000000e+00> : vector<512x512xf32>
    %dot_general3A_1091 = tpu.matmul %get3A_1089, %get3A_1084, %dot_general3A_1090 {dimension_numbers = #tpu.dot_dimension_numbers<[1], [1], [0], [0], [0, 0, 1, 0], [], []>, transpose_lhs_hint = false} : vector<512x64xf32>, vector<512x64xf32>, vector<512x512xf32> -> vector<512x512xf32>
    %reduce_max3A_1092 = arith.constant dense<0xFF800000> : vector<512xf32>
    %reduce_max3A_1093 = vector.multi_reduction <maximumf>, %dot_general3A_1091, %reduce_max3A_1092 [0] : vector<512x512xf32> to vector<512xf32>
    %broadcast_in_dim3A_1094 = vector.shape_cast %reduce_max3A_1093 : vector<512xf32> to vector<1x512xf32>
    %eq3A_1095 = vector.broadcast %broadcast_in_dim3A_1094 : vector<1x512xf32> to vector<512x512xf32>
    %eq3A_1096 = arith.cmpf oeq, %dot_general3A_1091, %eq3A_1095 : vector<512x512xf32>
    %jit3A_1097 = arith.constant 5.120000e+02 : f32
    %broadcast_in_dim3A_1098 = vector.broadcast %jit3A_1097 : f32 to vector<512x512xf32>
    %select_n3A_1099 = arith.select %eq3A_1096, %convert_element_type3A, %broadcast_in_dim3A_1098 : vector<512x512xi1>, vector<512x512xf32>
    %reduce_min3A_1100 = arith.constant dense<0x7F800000> : vector<512xf32>
    %reduce_min3A_1101 = vector.multi_reduction <minimumf>, %select_n3A_1099, %reduce_min3A_1100 [0] : vector<512x512xf32> to vector<512xf32>
    %convert_element_type3A_1102 = arith.fptosi %reduce_min3A_1101 : vector<512xf32> to vector<512xi32>
    %add3A_1103 = arith.constant 19968 : i32
    %add3A_1104 = vector.broadcast %add3A_1103 : i32 to vector<512xi32>
    %add3A_1105 = arith.addi %convert_element_type3A_1102, %add3A_1104 : vector<512xi32>
    %broadcast_in_dim3A_1106 = vector.shape_cast %add3A_1105 : vector<512xi32> to vector<1x512xi32>
    %swap3A_1107 = arith.constant 39 : index
    %swap3A_1108 = arith.constant 0 : index
    %swap3A_1109 = vector.load %arg3[%swap3A_1107, %swap3A_1108] : memref<64x512xi32, #tpu.memory_space<vmem>>, vector<1x512xi32>
    tpu.vector_store %arg3[%swap3A_1107, %swap3A_1108], %broadcast_in_dim3A_1106 {strides = array<i32>} : memref<64x512xi32, #tpu.memory_space<vmem>>, vector<1x512xi32>,
    %get3A_1110 = arith.constant 0 : index
    %get3A_1111 = arith.constant 2560 : index
    %get3A_1112 = vector.load %arg1[%get3A_1110, %get3A_1111] : memref<512x4096xf32, #tpu.memory_space<vmem>>, vector<512x64xf32>
    %get3A_1113 = arith.constant 40 : index
    %get3A_1114 = arith.constant 0 : index
    %get3A_1115 = arith.constant 0 : index
    %get3A_1116 = vector.load %arg2[%get3A_1113, %get3A_1114, %get3A_1115] : memref<64x512x64xf32, #tpu.memory_space<vmem>>, vector<1x512x64xf32>
    %get3A_1117 = vector.shape_cast %get3A_1116 : vector<1x512x64xf32> to vector<512x64xf32>
    %dot_general3A_1118 = arith.constant dense<0.000000e+00> : vector<512x512xf32>
    %dot_general3A_1119 = tpu.matmul %get3A_1117, %get3A_1112, %dot_general3A_1118 {dimension_numbers = #tpu.dot_dimension_numbers<[1], [1], [0], [0], [0, 0, 1, 0], [], []>, transpose_lhs_hint = false} : vector<512x64xf32>, vector<512x64xf32>, vector<512x512xf32> -> vector<512x512xf32>
    %reduce_max3A_1120 = arith.constant dense<0xFF800000> : vector<512xf32>
    %reduce_max3A_1121 = vector.multi_reduction <maximumf>, %dot_general3A_1119, %reduce_max3A_1120 [0] : vector<512x512xf32> to vector<512xf32>
    %broadcast_in_dim3A_1122 = vector.shape_cast %reduce_max3A_1121 : vector<512xf32> to vector<1x512xf32>
    %eq3A_1123 = vector.broadcast %broadcast_in_dim3A_1122 : vector<1x512xf32> to vector<512x512xf32>
    %eq3A_1124 = arith.cmpf oeq, %dot_general3A_1119, %eq3A_1123 : vector<512x512xf32>
    %jit3A_1125 = arith.constant 5.120000e+02 : f32
    %broadcast_in_dim3A_1126 = vector.broadcast %jit3A_1125 : f32 to vector<512x512xf32>
    %select_n3A_1127 = arith.select %eq3A_1124, %convert_element_type3A, %broadcast_in_dim3A_1126 : vector<512x512xi1>, vector<512x512xf32>
    %reduce_min3A_1128 = arith.constant dense<0x7F800000> : vector<512xf32>
    %reduce_min3A_1129 = vector.multi_reduction <minimumf>, %select_n3A_1127, %reduce_min3A_1128 [0] : vector<512x512xf32> to vector<512xf32>
    %convert_element_type3A_1130 = arith.fptosi %reduce_min3A_1129 : vector<512xf32> to vector<512xi32>
    %add3A_1131 = arith.constant 20480 : i32
    %add3A_1132 = vector.broadcast %add3A_1131 : i32 to vector<512xi32>
    %add3A_1133 = arith.addi %convert_element_type3A_1130, %add3A_1132 : vector<512xi32>
    %broadcast_in_dim3A_1134 = vector.shape_cast %add3A_1133 : vector<512xi32> to vector<1x512xi32>
    %swap3A_1135 = arith.constant 40 : index
    %swap3A_1136 = arith.constant 0 : index
    %swap3A_1137 = vector.load %arg3[%swap3A_1135, %swap3A_1136] : memref<64x512xi32, #tpu.memory_space<vmem>>, vector<1x512xi32>
    tpu.vector_store %arg3[%swap3A_1135, %swap3A_1136], %broadcast_in_dim3A_1134 {strides = array<i32>} : memref<64x512xi32, #tpu.memory_space<vmem>>, vector<1x512xi32>,
    %get3A_1138 = arith.constant 0 : index
    %get3A_1139 = arith.constant 2624 : index
    %get3A_1140 = vector.load %arg1[%get3A_1138, %get3A_1139] : memref<512x4096xf32, #tpu.memory_space<vmem>>, vector<512x64xf32>
    %get3A_1141 = arith.constant 41 : index
    %get3A_1142 = arith.constant 0 : index
    %get3A_1143 = arith.constant 0 : index
    %get3A_1144 = vector.load %arg2[%get3A_1141, %get3A_1142, %get3A_1143] : memref<64x512x64xf32, #tpu.memory_space<vmem>>, vector<1x512x64xf32>
    %get3A_1145 = vector.shape_cast %get3A_1144 : vector<1x512x64xf32> to vector<512x64xf32>
    %dot_general3A_1146 = arith.constant dense<0.000000e+00> : vector<512x512xf32>
    %dot_general3A_1147 = tpu.matmul %get3A_1145, %get3A_1140, %dot_general3A_1146 {dimension_numbers = #tpu.dot_dimension_numbers<[1], [1], [0], [0], [0, 0, 1, 0], [], []>, transpose_lhs_hint = false} : vector<512x64xf32>, vector<512x64xf32>, vector<512x512xf32> -> vector<512x512xf32>
    %reduce_max3A_1148 = arith.constant dense<0xFF800000> : vector<512xf32>
    %reduce_max3A_1149 = vector.multi_reduction <maximumf>, %dot_general3A_1147, %reduce_max3A_1148 [0] : vector<512x512xf32> to vector<512xf32>
    %broadcast_in_dim3A_1150 = vector.shape_cast %reduce_max3A_1149 : vector<512xf32> to vector<1x512xf32>
    %eq3A_1151 = vector.broadcast %broadcast_in_dim3A_1150 : vector<1x512xf32> to vector<512x512xf32>
    %eq3A_1152 = arith.cmpf oeq, %dot_general3A_1147, %eq3A_1151 : vector<512x512xf32>
    %jit3A_1153 = arith.constant 5.120000e+02 : f32
    %broadcast_in_dim3A_1154 = vector.broadcast %jit3A_1153 : f32 to vector<512x512xf32>
    %select_n3A_1155 = arith.select %eq3A_1152, %convert_element_type3A, %broadcast_in_dim3A_1154 : vector<512x512xi1>, vector<512x512xf32>
    %reduce_min3A_1156 = arith.constant dense<0x7F800000> : vector<512xf32>
    %reduce_min3A_1157 = vector.multi_reduction <minimumf>, %select_n3A_1155, %reduce_min3A_1156 [0] : vector<512x512xf32> to vector<512xf32>
    %convert_element_type3A_1158 = arith.fptosi %reduce_min3A_1157 : vector<512xf32> to vector<512xi32>
    %add3A_1159 = arith.constant 20992 : i32
    %add3A_1160 = vector.broadcast %add3A_1159 : i32 to vector<512xi32>
    %add3A_1161 = arith.addi %convert_element_type3A_1158, %add3A_1160 : vector<512xi32>
    %broadcast_in_dim3A_1162 = vector.shape_cast %add3A_1161 : vector<512xi32> to vector<1x512xi32>
    %swap3A_1163 = arith.constant 41 : index
    %swap3A_1164 = arith.constant 0 : index
    %swap3A_1165 = vector.load %arg3[%swap3A_1163, %swap3A_1164] : memref<64x512xi32, #tpu.memory_space<vmem>>, vector<1x512xi32>
    tpu.vector_store %arg3[%swap3A_1163, %swap3A_1164], %broadcast_in_dim3A_1162 {strides = array<i32>} : memref<64x512xi32, #tpu.memory_space<vmem>>, vector<1x512xi32>,
    %get3A_1166 = arith.constant 0 : index
    %get3A_1167 = arith.constant 2688 : index
    %get3A_1168 = vector.load %arg1[%get3A_1166, %get3A_1167] : memref<512x4096xf32, #tpu.memory_space<vmem>>, vector<512x64xf32>
    %get3A_1169 = arith.constant 42 : index
    %get3A_1170 = arith.constant 0 : index
    %get3A_1171 = arith.constant 0 : index
    %get3A_1172 = vector.load %arg2[%get3A_1169, %get3A_1170, %get3A_1171] : memref<64x512x64xf32, #tpu.memory_space<vmem>>, vector<1x512x64xf32>
    %get3A_1173 = vector.shape_cast %get3A_1172 : vector<1x512x64xf32> to vector<512x64xf32>
    %dot_general3A_1174 = arith.constant dense<0.000000e+00> : vector<512x512xf32>
    %dot_general3A_1175 = tpu.matmul %get3A_1173, %get3A_1168, %dot_general3A_1174 {dimension_numbers = #tpu.dot_dimension_numbers<[1], [1], [0], [0], [0, 0, 1, 0], [], []>, transpose_lhs_hint = false} : vector<512x64xf32>, vector<512x64xf32>, vector<512x512xf32> -> vector<512x512xf32>
    %reduce_max3A_1176 = arith.constant dense<0xFF800000> : vector<512xf32>
    %reduce_max3A_1177 = vector.multi_reduction <maximumf>, %dot_general3A_1175, %reduce_max3A_1176 [0] : vector<512x512xf32> to vector<512xf32>
    %broadcast_in_dim3A_1178 = vector.shape_cast %reduce_max3A_1177 : vector<512xf32> to vector<1x512xf32>
    %eq3A_1179 = vector.broadcast %broadcast_in_dim3A_1178 : vector<1x512xf32> to vector<512x512xf32>
    %eq3A_1180 = arith.cmpf oeq, %dot_general3A_1175, %eq3A_1179 : vector<512x512xf32>
    %jit3A_1181 = arith.constant 5.120000e+02 : f32
    %broadcast_in_dim3A_1182 = vector.broadcast %jit3A_1181 : f32 to vector<512x512xf32>
    %select_n3A_1183 = arith.select %eq3A_1180, %convert_element_type3A, %broadcast_in_dim3A_1182 : vector<512x512xi1>, vector<512x512xf32>
    %reduce_min3A_1184 = arith.constant dense<0x7F800000> : vector<512xf32>
    %reduce_min3A_1185 = vector.multi_reduction <minimumf>, %select_n3A_1183, %reduce_min3A_1184 [0] : vector<512x512xf32> to vector<512xf32>
    %convert_element_type3A_1186 = arith.fptosi %reduce_min3A_1185 : vector<512xf32> to vector<512xi32>
    %add3A_1187 = arith.constant 21504 : i32
    %add3A_1188 = vector.broadcast %add3A_1187 : i32 to vector<512xi32>
    %add3A_1189 = arith.addi %convert_element_type3A_1186, %add3A_1188 : vector<512xi32>
    %broadcast_in_dim3A_1190 = vector.shape_cast %add3A_1189 : vector<512xi32> to vector<1x512xi32>
    %swap3A_1191 = arith.constant 42 : index
    %swap3A_1192 = arith.constant 0 : index
    %swap3A_1193 = vector.load %arg3[%swap3A_1191, %swap3A_1192] : memref<64x512xi32, #tpu.memory_space<vmem>>, vector<1x512xi32>
    tpu.vector_store %arg3[%swap3A_1191, %swap3A_1192], %broadcast_in_dim3A_1190 {strides = array<i32>} : memref<64x512xi32, #tpu.memory_space<vmem>>, vector<1x512xi32>,
    %get3A_1194 = arith.constant 0 : index
    %get3A_1195 = arith.constant 2752 : index
    %get3A_1196 = vector.load %arg1[%get3A_1194, %get3A_1195] : memref<512x4096xf32, #tpu.memory_space<vmem>>, vector<512x64xf32>
    %get3A_1197 = arith.constant 43 : index
    %get3A_1198 = arith.constant 0 : index
    %get3A_1199 = arith.constant 0 : index
    %get3A_1200 = vector.load %arg2[%get3A_1197, %get3A_1198, %get3A_1199] : memref<64x512x64xf32, #tpu.memory_space<vmem>>, vector<1x512x64xf32>
    %get3A_1201 = vector.shape_cast %get3A_1200 : vector<1x512x64xf32> to vector<512x64xf32>
    %dot_general3A_1202 = arith.constant dense<0.000000e+00> : vector<512x512xf32>
    %dot_general3A_1203 = tpu.matmul %get3A_1201, %get3A_1196, %dot_general3A_1202 {dimension_numbers = #tpu.dot_dimension_numbers<[1], [1], [0], [0], [0, 0, 1, 0], [], []>, transpose_lhs_hint = false} : vector<512x64xf32>, vector<512x64xf32>, vector<512x512xf32> -> vector<512x512xf32>
    %reduce_max3A_1204 = arith.constant dense<0xFF800000> : vector<512xf32>
    %reduce_max3A_1205 = vector.multi_reduction <maximumf>, %dot_general3A_1203, %reduce_max3A_1204 [0] : vector<512x512xf32> to vector<512xf32>
    %broadcast_in_dim3A_1206 = vector.shape_cast %reduce_max3A_1205 : vector<512xf32> to vector<1x512xf32>
    %eq3A_1207 = vector.broadcast %broadcast_in_dim3A_1206 : vector<1x512xf32> to vector<512x512xf32>
    %eq3A_1208 = arith.cmpf oeq, %dot_general3A_1203, %eq3A_1207 : vector<512x512xf32>
    %jit3A_1209 = arith.constant 5.120000e+02 : f32
    %broadcast_in_dim3A_1210 = vector.broadcast %jit3A_1209 : f32 to vector<512x512xf32>
    %select_n3A_1211 = arith.select %eq3A_1208, %convert_element_type3A, %broadcast_in_dim3A_1210 : vector<512x512xi1>, vector<512x512xf32>
    %reduce_min3A_1212 = arith.constant dense<0x7F800000> : vector<512xf32>
    %reduce_min3A_1213 = vector.multi_reduction <minimumf>, %select_n3A_1211, %reduce_min3A_1212 [0] : vector<512x512xf32> to vector<512xf32>
    %convert_element_type3A_1214 = arith.fptosi %reduce_min3A_1213 : vector<512xf32> to vector<512xi32>
    %add3A_1215 = arith.constant 22016 : i32
    %add3A_1216 = vector.broadcast %add3A_1215 : i32 to vector<512xi32>
    %add3A_1217 = arith.addi %convert_element_type3A_1214, %add3A_1216 : vector<512xi32>
    %broadcast_in_dim3A_1218 = vector.shape_cast %add3A_1217 : vector<512xi32> to vector<1x512xi32>
    %swap3A_1219 = arith.constant 43 : index
    %swap3A_1220 = arith.constant 0 : index
    %swap3A_1221 = vector.load %arg3[%swap3A_1219, %swap3A_1220] : memref<64x512xi32, #tpu.memory_space<vmem>>, vector<1x512xi32>
    tpu.vector_store %arg3[%swap3A_1219, %swap3A_1220], %broadcast_in_dim3A_1218 {strides = array<i32>} : memref<64x512xi32, #tpu.memory_space<vmem>>, vector<1x512xi32>,
    %get3A_1222 = arith.constant 0 : index
    %get3A_1223 = arith.constant 2816 : index
    %get3A_1224 = vector.load %arg1[%get3A_1222, %get3A_1223] : memref<512x4096xf32, #tpu.memory_space<vmem>>, vector<512x64xf32>
    %get3A_1225 = arith.constant 44 : index
    %get3A_1226 = arith.constant 0 : index
    %get3A_1227 = arith.constant 0 : index
    %get3A_1228 = vector.load %arg2[%get3A_1225, %get3A_1226, %get3A_1227] : memref<64x512x64xf32, #tpu.memory_space<vmem>>, vector<1x512x64xf32>
    %get3A_1229 = vector.shape_cast %get3A_1228 : vector<1x512x64xf32> to vector<512x64xf32>
    %dot_general3A_1230 = arith.constant dense<0.000000e+00> : vector<512x512xf32>
    %dot_general3A_1231 = tpu.matmul %get3A_1229, %get3A_1224, %dot_general3A_1230 {dimension_numbers = #tpu.dot_dimension_numbers<[1], [1], [0], [0], [0, 0, 1, 0], [], []>, transpose_lhs_hint = false} : vector<512x64xf32>, vector<512x64xf32>, vector<512x512xf32> -> vector<512x512xf32>
    %reduce_max3A_1232 = arith.constant dense<0xFF800000> : vector<512xf32>
    %reduce_max3A_1233 = vector.multi_reduction <maximumf>, %dot_general3A_1231, %reduce_max3A_1232 [0] : vector<512x512xf32> to vector<512xf32>
    %broadcast_in_dim3A_1234 = vector.shape_cast %reduce_max3A_1233 : vector<512xf32> to vector<1x512xf32>
    %eq3A_1235 = vector.broadcast %broadcast_in_dim3A_1234 : vector<1x512xf32> to vector<512x512xf32>
    %eq3A_1236 = arith.cmpf oeq, %dot_general3A_1231, %eq3A_1235 : vector<512x512xf32>
    %jit3A_1237 = arith.constant 5.120000e+02 : f32
    %broadcast_in_dim3A_1238 = vector.broadcast %jit3A_1237 : f32 to vector<512x512xf32>
    %select_n3A_1239 = arith.select %eq3A_1236, %convert_element_type3A, %broadcast_in_dim3A_1238 : vector<512x512xi1>, vector<512x512xf32>
    %reduce_min3A_1240 = arith.constant dense<0x7F800000> : vector<512xf32>
    %reduce_min3A_1241 = vector.multi_reduction <minimumf>, %select_n3A_1239, %reduce_min3A_1240 [0] : vector<512x512xf32> to vector<512xf32>
    %convert_element_type3A_1242 = arith.fptosi %reduce_min3A_1241 : vector<512xf32> to vector<512xi32>
    %add3A_1243 = arith.constant 22528 : i32
    %add3A_1244 = vector.broadcast %add3A_1243 : i32 to vector<512xi32>
    %add3A_1245 = arith.addi %convert_element_type3A_1242, %add3A_1244 : vector<512xi32>
    %broadcast_in_dim3A_1246 = vector.shape_cast %add3A_1245 : vector<512xi32> to vector<1x512xi32>
    %swap3A_1247 = arith.constant 44 : index
    %swap3A_1248 = arith.constant 0 : index
    %swap3A_1249 = vector.load %arg3[%swap3A_1247, %swap3A_1248] : memref<64x512xi32, #tpu.memory_space<vmem>>, vector<1x512xi32>
    tpu.vector_store %arg3[%swap3A_1247, %swap3A_1248], %broadcast_in_dim3A_1246 {strides = array<i32>} : memref<64x512xi32, #tpu.memory_space<vmem>>, vector<1x512xi32>,
    %get3A_1250 = arith.constant 0 : index
    %get3A_1251 = arith.constant 2880 : index
    %get3A_1252 = vector.load %arg1[%get3A_1250, %get3A_1251] : memref<512x4096xf32, #tpu.memory_space<vmem>>, vector<512x64xf32>
    %get3A_1253 = arith.constant 45 : index
    %get3A_1254 = arith.constant 0 : index
    %get3A_1255 = arith.constant 0 : index
    %get3A_1256 = vector.load %arg2[%get3A_1253, %get3A_1254, %get3A_1255] : memref<64x512x64xf32, #tpu.memory_space<vmem>>, vector<1x512x64xf32>
    %get3A_1257 = vector.shape_cast %get3A_1256 : vector<1x512x64xf32> to vector<512x64xf32>
    %dot_general3A_1258 = arith.constant dense<0.000000e+00> : vector<512x512xf32>
    %dot_general3A_1259 = tpu.matmul %get3A_1257, %get3A_1252, %dot_general3A_1258 {dimension_numbers = #tpu.dot_dimension_numbers<[1], [1], [0], [0], [0, 0, 1, 0], [], []>, transpose_lhs_hint = false} : vector<512x64xf32>, vector<512x64xf32>, vector<512x512xf32> -> vector<512x512xf32>
    %reduce_max3A_1260 = arith.constant dense<0xFF800000> : vector<512xf32>
    %reduce_max3A_1261 = vector.multi_reduction <maximumf>, %dot_general3A_1259, %reduce_max3A_1260 [0] : vector<512x512xf32> to vector<512xf32>
    %broadcast_in_dim3A_1262 = vector.shape_cast %reduce_max3A_1261 : vector<512xf32> to vector<1x512xf32>
    %eq3A_1263 = vector.broadcast %broadcast_in_dim3A_1262 : vector<1x512xf32> to vector<512x512xf32>
    %eq3A_1264 = arith.cmpf oeq, %dot_general3A_1259, %eq3A_1263 : vector<512x512xf32>
    %jit3A_1265 = arith.constant 5.120000e+02 : f32
    %broadcast_in_dim3A_1266 = vector.broadcast %jit3A_1265 : f32 to vector<512x512xf32>
    %select_n3A_1267 = arith.select %eq3A_1264, %convert_element_type3A, %broadcast_in_dim3A_1266 : vector<512x512xi1>, vector<512x512xf32>
    %reduce_min3A_1268 = arith.constant dense<0x7F800000> : vector<512xf32>
    %reduce_min3A_1269 = vector.multi_reduction <minimumf>, %select_n3A_1267, %reduce_min3A_1268 [0] : vector<512x512xf32> to vector<512xf32>
    %convert_element_type3A_1270 = arith.fptosi %reduce_min3A_1269 : vector<512xf32> to vector<512xi32>
    %add3A_1271 = arith.constant 23040 : i32
    %add3A_1272 = vector.broadcast %add3A_1271 : i32 to vector<512xi32>
    %add3A_1273 = arith.addi %convert_element_type3A_1270, %add3A_1272 : vector<512xi32>
    %broadcast_in_dim3A_1274 = vector.shape_cast %add3A_1273 : vector<512xi32> to vector<1x512xi32>
    %swap3A_1275 = arith.constant 45 : index
    %swap3A_1276 = arith.constant 0 : index
    %swap3A_1277 = vector.load %arg3[%swap3A_1275, %swap3A_1276] : memref<64x512xi32, #tpu.memory_space<vmem>>, vector<1x512xi32>
    tpu.vector_store %arg3[%swap3A_1275, %swap3A_1276], %broadcast_in_dim3A_1274 {strides = array<i32>} : memref<64x512xi32, #tpu.memory_space<vmem>>, vector<1x512xi32>,
    %get3A_1278 = arith.constant 0 : index
    %get3A_1279 = arith.constant 2944 : index
    %get3A_1280 = vector.load %arg1[%get3A_1278, %get3A_1279] : memref<512x4096xf32, #tpu.memory_space<vmem>>, vector<512x64xf32>
    %get3A_1281 = arith.constant 46 : index
    %get3A_1282 = arith.constant 0 : index
    %get3A_1283 = arith.constant 0 : index
    %get3A_1284 = vector.load %arg2[%get3A_1281, %get3A_1282, %get3A_1283] : memref<64x512x64xf32, #tpu.memory_space<vmem>>, vector<1x512x64xf32>
    %get3A_1285 = vector.shape_cast %get3A_1284 : vector<1x512x64xf32> to vector<512x64xf32>
    %dot_general3A_1286 = arith.constant dense<0.000000e+00> : vector<512x512xf32>
    %dot_general3A_1287 = tpu.matmul %get3A_1285, %get3A_1280, %dot_general3A_1286 {dimension_numbers = #tpu.dot_dimension_numbers<[1], [1], [0], [0], [0, 0, 1, 0], [], []>, transpose_lhs_hint = false} : vector<512x64xf32>, vector<512x64xf32>, vector<512x512xf32> -> vector<512x512xf32>
    %reduce_max3A_1288 = arith.constant dense<0xFF800000> : vector<512xf32>
    %reduce_max3A_1289 = vector.multi_reduction <maximumf>, %dot_general3A_1287, %reduce_max3A_1288 [0] : vector<512x512xf32> to vector<512xf32>
    %broadcast_in_dim3A_1290 = vector.shape_cast %reduce_max3A_1289 : vector<512xf32> to vector<1x512xf32>
    %eq3A_1291 = vector.broadcast %broadcast_in_dim3A_1290 : vector<1x512xf32> to vector<512x512xf32>
    %eq3A_1292 = arith.cmpf oeq, %dot_general3A_1287, %eq3A_1291 : vector<512x512xf32>
    %jit3A_1293 = arith.constant 5.120000e+02 : f32
    %broadcast_in_dim3A_1294 = vector.broadcast %jit3A_1293 : f32 to vector<512x512xf32>
    %select_n3A_1295 = arith.select %eq3A_1292, %convert_element_type3A, %broadcast_in_dim3A_1294 : vector<512x512xi1>, vector<512x512xf32>
    %reduce_min3A_1296 = arith.constant dense<0x7F800000> : vector<512xf32>
    %reduce_min3A_1297 = vector.multi_reduction <minimumf>, %select_n3A_1295, %reduce_min3A_1296 [0] : vector<512x512xf32> to vector<512xf32>
    %convert_element_type3A_1298 = arith.fptosi %reduce_min3A_1297 : vector<512xf32> to vector<512xi32>
    %add3A_1299 = arith.constant 23552 : i32
    %add3A_1300 = vector.broadcast %add3A_1299 : i32 to vector<512xi32>
    %add3A_1301 = arith.addi %convert_element_type3A_1298, %add3A_1300 : vector<512xi32>
    %broadcast_in_dim3A_1302 = vector.shape_cast %add3A_1301 : vector<512xi32> to vector<1x512xi32>
    %swap3A_1303 = arith.constant 46 : index
    %swap3A_1304 = arith.constant 0 : index
    %swap3A_1305 = vector.load %arg3[%swap3A_1303, %swap3A_1304] : memref<64x512xi32, #tpu.memory_space<vmem>>, vector<1x512xi32>
    tpu.vector_store %arg3[%swap3A_1303, %swap3A_1304], %broadcast_in_dim3A_1302 {strides = array<i32>} : memref<64x512xi32, #tpu.memory_space<vmem>>, vector<1x512xi32>,
    %get3A_1306 = arith.constant 0 : index
    %get3A_1307 = arith.constant 3008 : index
    %get3A_1308 = vector.load %arg1[%get3A_1306, %get3A_1307] : memref<512x4096xf32, #tpu.memory_space<vmem>>, vector<512x64xf32>
    %get3A_1309 = arith.constant 47 : index
    %get3A_1310 = arith.constant 0 : index
    %get3A_1311 = arith.constant 0 : index
    %get3A_1312 = vector.load %arg2[%get3A_1309, %get3A_1310, %get3A_1311] : memref<64x512x64xf32, #tpu.memory_space<vmem>>, vector<1x512x64xf32>
    %get3A_1313 = vector.shape_cast %get3A_1312 : vector<1x512x64xf32> to vector<512x64xf32>
    %dot_general3A_1314 = arith.constant dense<0.000000e+00> : vector<512x512xf32>
    %dot_general3A_1315 = tpu.matmul %get3A_1313, %get3A_1308, %dot_general3A_1314 {dimension_numbers = #tpu.dot_dimension_numbers<[1], [1], [0], [0], [0, 0, 1, 0], [], []>, transpose_lhs_hint = false} : vector<512x64xf32>, vector<512x64xf32>, vector<512x512xf32> -> vector<512x512xf32>
    %reduce_max3A_1316 = arith.constant dense<0xFF800000> : vector<512xf32>
    %reduce_max3A_1317 = vector.multi_reduction <maximumf>, %dot_general3A_1315, %reduce_max3A_1316 [0] : vector<512x512xf32> to vector<512xf32>
    %broadcast_in_dim3A_1318 = vector.shape_cast %reduce_max3A_1317 : vector<512xf32> to vector<1x512xf32>
    %eq3A_1319 = vector.broadcast %broadcast_in_dim3A_1318 : vector<1x512xf32> to vector<512x512xf32>
    %eq3A_1320 = arith.cmpf oeq, %dot_general3A_1315, %eq3A_1319 : vector<512x512xf32>
    %jit3A_1321 = arith.constant 5.120000e+02 : f32
    %broadcast_in_dim3A_1322 = vector.broadcast %jit3A_1321 : f32 to vector<512x512xf32>
    %select_n3A_1323 = arith.select %eq3A_1320, %convert_element_type3A, %broadcast_in_dim3A_1322 : vector<512x512xi1>, vector<512x512xf32>
    %reduce_min3A_1324 = arith.constant dense<0x7F800000> : vector<512xf32>
    %reduce_min3A_1325 = vector.multi_reduction <minimumf>, %select_n3A_1323, %reduce_min3A_1324 [0] : vector<512x512xf32> to vector<512xf32>
    %convert_element_type3A_1326 = arith.fptosi %reduce_min3A_1325 : vector<512xf32> to vector<512xi32>
    %add3A_1327 = arith.constant 24064 : i32
    %add3A_1328 = vector.broadcast %add3A_1327 : i32 to vector<512xi32>
    %add3A_1329 = arith.addi %convert_element_type3A_1326, %add3A_1328 : vector<512xi32>
    %broadcast_in_dim3A_1330 = vector.shape_cast %add3A_1329 : vector<512xi32> to vector<1x512xi32>
    %swap3A_1331 = arith.constant 47 : index
    %swap3A_1332 = arith.constant 0 : index
    %swap3A_1333 = vector.load %arg3[%swap3A_1331, %swap3A_1332] : memref<64x512xi32, #tpu.memory_space<vmem>>, vector<1x512xi32>
    tpu.vector_store %arg3[%swap3A_1331, %swap3A_1332], %broadcast_in_dim3A_1330 {strides = array<i32>} : memref<64x512xi32, #tpu.memory_space<vmem>>, vector<1x512xi32>,
    %get3A_1334 = arith.constant 0 : index
    %get3A_1335 = arith.constant 3072 : index
    %get3A_1336 = vector.load %arg1[%get3A_1334, %get3A_1335] : memref<512x4096xf32, #tpu.memory_space<vmem>>, vector<512x64xf32>
    %get3A_1337 = arith.constant 48 : index
    %get3A_1338 = arith.constant 0 : index
    %get3A_1339 = arith.constant 0 : index
    %get3A_1340 = vector.load %arg2[%get3A_1337, %get3A_1338, %get3A_1339] : memref<64x512x64xf32, #tpu.memory_space<vmem>>, vector<1x512x64xf32>
    %get3A_1341 = vector.shape_cast %get3A_1340 : vector<1x512x64xf32> to vector<512x64xf32>
    %dot_general3A_1342 = arith.constant dense<0.000000e+00> : vector<512x512xf32>
    %dot_general3A_1343 = tpu.matmul %get3A_1341, %get3A_1336, %dot_general3A_1342 {dimension_numbers = #tpu.dot_dimension_numbers<[1], [1], [0], [0], [0, 0, 1, 0], [], []>, transpose_lhs_hint = false} : vector<512x64xf32>, vector<512x64xf32>, vector<512x512xf32> -> vector<512x512xf32>
    %reduce_max3A_1344 = arith.constant dense<0xFF800000> : vector<512xf32>
    %reduce_max3A_1345 = vector.multi_reduction <maximumf>, %dot_general3A_1343, %reduce_max3A_1344 [0] : vector<512x512xf32> to vector<512xf32>
    %broadcast_in_dim3A_1346 = vector.shape_cast %reduce_max3A_1345 : vector<512xf32> to vector<1x512xf32>
    %eq3A_1347 = vector.broadcast %broadcast_in_dim3A_1346 : vector<1x512xf32> to vector<512x512xf32>
    %eq3A_1348 = arith.cmpf oeq, %dot_general3A_1343, %eq3A_1347 : vector<512x512xf32>
    %jit3A_1349 = arith.constant 5.120000e+02 : f32
    %broadcast_in_dim3A_1350 = vector.broadcast %jit3A_1349 : f32 to vector<512x512xf32>
    %select_n3A_1351 = arith.select %eq3A_1348, %convert_element_type3A, %broadcast_in_dim3A_1350 : vector<512x512xi1>, vector<512x512xf32>
    %reduce_min3A_1352 = arith.constant dense<0x7F800000> : vector<512xf32>
    %reduce_min3A_1353 = vector.multi_reduction <minimumf>, %select_n3A_1351, %reduce_min3A_1352 [0] : vector<512x512xf32> to vector<512xf32>
    %convert_element_type3A_1354 = arith.fptosi %reduce_min3A_1353 : vector<512xf32> to vector<512xi32>
    %add3A_1355 = arith.constant 24576 : i32
    %add3A_1356 = vector.broadcast %add3A_1355 : i32 to vector<512xi32>
    %add3A_1357 = arith.addi %convert_element_type3A_1354, %add3A_1356 : vector<512xi32>
    %broadcast_in_dim3A_1358 = vector.shape_cast %add3A_1357 : vector<512xi32> to vector<1x512xi32>
    %swap3A_1359 = arith.constant 48 : index
    %swap3A_1360 = arith.constant 0 : index
    %swap3A_1361 = vector.load %arg3[%swap3A_1359, %swap3A_1360] : memref<64x512xi32, #tpu.memory_space<vmem>>, vector<1x512xi32>
    tpu.vector_store %arg3[%swap3A_1359, %swap3A_1360], %broadcast_in_dim3A_1358 {strides = array<i32>} : memref<64x512xi32, #tpu.memory_space<vmem>>, vector<1x512xi32>,
    %get3A_1362 = arith.constant 0 : index
    %get3A_1363 = arith.constant 3136 : index
    %get3A_1364 = vector.load %arg1[%get3A_1362, %get3A_1363] : memref<512x4096xf32, #tpu.memory_space<vmem>>, vector<512x64xf32>
    %get3A_1365 = arith.constant 49 : index
    %get3A_1366 = arith.constant 0 : index
    %get3A_1367 = arith.constant 0 : index
    %get3A_1368 = vector.load %arg2[%get3A_1365, %get3A_1366, %get3A_1367] : memref<64x512x64xf32, #tpu.memory_space<vmem>>, vector<1x512x64xf32>
    %get3A_1369 = vector.shape_cast %get3A_1368 : vector<1x512x64xf32> to vector<512x64xf32>
    %dot_general3A_1370 = arith.constant dense<0.000000e+00> : vector<512x512xf32>
    %dot_general3A_1371 = tpu.matmul %get3A_1369, %get3A_1364, %dot_general3A_1370 {dimension_numbers = #tpu.dot_dimension_numbers<[1], [1], [0], [0], [0, 0, 1, 0], [], []>, transpose_lhs_hint = false} : vector<512x64xf32>, vector<512x64xf32>, vector<512x512xf32> -> vector<512x512xf32>
    %reduce_max3A_1372 = arith.constant dense<0xFF800000> : vector<512xf32>
    %reduce_max3A_1373 = vector.multi_reduction <maximumf>, %dot_general3A_1371, %reduce_max3A_1372 [0] : vector<512x512xf32> to vector<512xf32>
    %broadcast_in_dim3A_1374 = vector.shape_cast %reduce_max3A_1373 : vector<512xf32> to vector<1x512xf32>
    %eq3A_1375 = vector.broadcast %broadcast_in_dim3A_1374 : vector<1x512xf32> to vector<512x512xf32>
    %eq3A_1376 = arith.cmpf oeq, %dot_general3A_1371, %eq3A_1375 : vector<512x512xf32>
    %jit3A_1377 = arith.constant 5.120000e+02 : f32
    %broadcast_in_dim3A_1378 = vector.broadcast %jit3A_1377 : f32 to vector<512x512xf32>
    %select_n3A_1379 = arith.select %eq3A_1376, %convert_element_type3A, %broadcast_in_dim3A_1378 : vector<512x512xi1>, vector<512x512xf32>
    %reduce_min3A_1380 = arith.constant dense<0x7F800000> : vector<512xf32>
    %reduce_min3A_1381 = vector.multi_reduction <minimumf>, %select_n3A_1379, %reduce_min3A_1380 [0] : vector<512x512xf32> to vector<512xf32>
    %convert_element_type3A_1382 = arith.fptosi %reduce_min3A_1381 : vector<512xf32> to vector<512xi32>
    %add3A_1383 = arith.constant 25088 : i32
    %add3A_1384 = vector.broadcast %add3A_1383 : i32 to vector<512xi32>
    %add3A_1385 = arith.addi %convert_element_type3A_1382, %add3A_1384 : vector<512xi32>
    %broadcast_in_dim3A_1386 = vector.shape_cast %add3A_1385 : vector<512xi32> to vector<1x512xi32>
    %swap3A_1387 = arith.constant 49 : index
    %swap3A_1388 = arith.constant 0 : index
    %swap3A_1389 = vector.load %arg3[%swap3A_1387, %swap3A_1388] : memref<64x512xi32, #tpu.memory_space<vmem>>, vector<1x512xi32>
    tpu.vector_store %arg3[%swap3A_1387, %swap3A_1388], %broadcast_in_dim3A_1386 {strides = array<i32>} : memref<64x512xi32, #tpu.memory_space<vmem>>, vector<1x512xi32>,
    %get3A_1390 = arith.constant 0 : index
    %get3A_1391 = arith.constant 3200 : index
    %get3A_1392 = vector.load %arg1[%get3A_1390, %get3A_1391] : memref<512x4096xf32, #tpu.memory_space<vmem>>, vector<512x64xf32>
    %get3A_1393 = arith.constant 50 : index
    %get3A_1394 = arith.constant 0 : index
    %get3A_1395 = arith.constant 0 : index
    %get3A_1396 = vector.load %arg2[%get3A_1393, %get3A_1394, %get3A_1395] : memref<64x512x64xf32, #tpu.memory_space<vmem>>, vector<1x512x64xf32>
    %get3A_1397 = vector.shape_cast %get3A_1396 : vector<1x512x64xf32> to vector<512x64xf32>
    %dot_general3A_1398 = arith.constant dense<0.000000e+00> : vector<512x512xf32>
    %dot_general3A_1399 = tpu.matmul %get3A_1397, %get3A_1392, %dot_general3A_1398 {dimension_numbers = #tpu.dot_dimension_numbers<[1], [1], [0], [0], [0, 0, 1, 0], [], []>, transpose_lhs_hint = false} : vector<512x64xf32>, vector<512x64xf32>, vector<512x512xf32> -> vector<512x512xf32>
    %reduce_max3A_1400 = arith.constant dense<0xFF800000> : vector<512xf32>
    %reduce_max3A_1401 = vector.multi_reduction <maximumf>, %dot_general3A_1399, %reduce_max3A_1400 [0] : vector<512x512xf32> to vector<512xf32>
    %broadcast_in_dim3A_1402 = vector.shape_cast %reduce_max3A_1401 : vector<512xf32> to vector<1x512xf32>
    %eq3A_1403 = vector.broadcast %broadcast_in_dim3A_1402 : vector<1x512xf32> to vector<512x512xf32>
    %eq3A_1404 = arith.cmpf oeq, %dot_general3A_1399, %eq3A_1403 : vector<512x512xf32>
    %jit3A_1405 = arith.constant 5.120000e+02 : f32
    %broadcast_in_dim3A_1406 = vector.broadcast %jit3A_1405 : f32 to vector<512x512xf32>
    %select_n3A_1407 = arith.select %eq3A_1404, %convert_element_type3A, %broadcast_in_dim3A_1406 : vector<512x512xi1>, vector<512x512xf32>
    %reduce_min3A_1408 = arith.constant dense<0x7F800000> : vector<512xf32>
    %reduce_min3A_1409 = vector.multi_reduction <minimumf>, %select_n3A_1407, %reduce_min3A_1408 [0] : vector<512x512xf32> to vector<512xf32>
    %convert_element_type3A_1410 = arith.fptosi %reduce_min3A_1409 : vector<512xf32> to vector<512xi32>
    %add3A_1411 = arith.constant 25600 : i32
    %add3A_1412 = vector.broadcast %add3A_1411 : i32 to vector<512xi32>
    %add3A_1413 = arith.addi %convert_element_type3A_1410, %add3A_1412 : vector<512xi32>
    %broadcast_in_dim3A_1414 = vector.shape_cast %add3A_1413 : vector<512xi32> to vector<1x512xi32>
    %swap3A_1415 = arith.constant 50 : index
    %swap3A_1416 = arith.constant 0 : index
    %swap3A_1417 = vector.load %arg3[%swap3A_1415, %swap3A_1416] : memref<64x512xi32, #tpu.memory_space<vmem>>, vector<1x512xi32>
    tpu.vector_store %arg3[%swap3A_1415, %swap3A_1416], %broadcast_in_dim3A_1414 {strides = array<i32>} : memref<64x512xi32, #tpu.memory_space<vmem>>, vector<1x512xi32>,
    %get3A_1418 = arith.constant 0 : index
    %get3A_1419 = arith.constant 3264 : index
    %get3A_1420 = vector.load %arg1[%get3A_1418, %get3A_1419] : memref<512x4096xf32, #tpu.memory_space<vmem>>, vector<512x64xf32>
    %get3A_1421 = arith.constant 51 : index
    %get3A_1422 = arith.constant 0 : index
    %get3A_1423 = arith.constant 0 : index
    %get3A_1424 = vector.load %arg2[%get3A_1421, %get3A_1422, %get3A_1423] : memref<64x512x64xf32, #tpu.memory_space<vmem>>, vector<1x512x64xf32>
    %get3A_1425 = vector.shape_cast %get3A_1424 : vector<1x512x64xf32> to vector<512x64xf32>
    %dot_general3A_1426 = arith.constant dense<0.000000e+00> : vector<512x512xf32>
    %dot_general3A_1427 = tpu.matmul %get3A_1425, %get3A_1420, %dot_general3A_1426 {dimension_numbers = #tpu.dot_dimension_numbers<[1], [1], [0], [0], [0, 0, 1, 0], [], []>, transpose_lhs_hint = false} : vector<512x64xf32>, vector<512x64xf32>, vector<512x512xf32> -> vector<512x512xf32>
    %reduce_max3A_1428 = arith.constant dense<0xFF800000> : vector<512xf32>
    %reduce_max3A_1429 = vector.multi_reduction <maximumf>, %dot_general3A_1427, %reduce_max3A_1428 [0] : vector<512x512xf32> to vector<512xf32>
    %broadcast_in_dim3A_1430 = vector.shape_cast %reduce_max3A_1429 : vector<512xf32> to vector<1x512xf32>
    %eq3A_1431 = vector.broadcast %broadcast_in_dim3A_1430 : vector<1x512xf32> to vector<512x512xf32>
    %eq3A_1432 = arith.cmpf oeq, %dot_general3A_1427, %eq3A_1431 : vector<512x512xf32>
    %jit3A_1433 = arith.constant 5.120000e+02 : f32
    %broadcast_in_dim3A_1434 = vector.broadcast %jit3A_1433 : f32 to vector<512x512xf32>
    %select_n3A_1435 = arith.select %eq3A_1432, %convert_element_type3A, %broadcast_in_dim3A_1434 : vector<512x512xi1>, vector<512x512xf32>
    %reduce_min3A_1436 = arith.constant dense<0x7F800000> : vector<512xf32>
    %reduce_min3A_1437 = vector.multi_reduction <minimumf>, %select_n3A_1435, %reduce_min3A_1436 [0] : vector<512x512xf32> to vector<512xf32>
    %convert_element_type3A_1438 = arith.fptosi %reduce_min3A_1437 : vector<512xf32> to vector<512xi32>
    %add3A_1439 = arith.constant 26112 : i32
    %add3A_1440 = vector.broadcast %add3A_1439 : i32 to vector<512xi32>
    %add3A_1441 = arith.addi %convert_element_type3A_1438, %add3A_1440 : vector<512xi32>
    %broadcast_in_dim3A_1442 = vector.shape_cast %add3A_1441 : vector<512xi32> to vector<1x512xi32>
    %swap3A_1443 = arith.constant 51 : index
    %swap3A_1444 = arith.constant 0 : index
    %swap3A_1445 = vector.load %arg3[%swap3A_1443, %swap3A_1444] : memref<64x512xi32, #tpu.memory_space<vmem>>, vector<1x512xi32>
    tpu.vector_store %arg3[%swap3A_1443, %swap3A_1444], %broadcast_in_dim3A_1442 {strides = array<i32>} : memref<64x512xi32, #tpu.memory_space<vmem>>, vector<1x512xi32>,
    %get3A_1446 = arith.constant 0 : index
    %get3A_1447 = arith.constant 3328 : index
    %get3A_1448 = vector.load %arg1[%get3A_1446, %get3A_1447] : memref<512x4096xf32, #tpu.memory_space<vmem>>, vector<512x64xf32>
    %get3A_1449 = arith.constant 52 : index
    %get3A_1450 = arith.constant 0 : index
    %get3A_1451 = arith.constant 0 : index
    %get3A_1452 = vector.load %arg2[%get3A_1449, %get3A_1450, %get3A_1451] : memref<64x512x64xf32, #tpu.memory_space<vmem>>, vector<1x512x64xf32>
    %get3A_1453 = vector.shape_cast %get3A_1452 : vector<1x512x64xf32> to vector<512x64xf32>
    %dot_general3A_1454 = arith.constant dense<0.000000e+00> : vector<512x512xf32>
    %dot_general3A_1455 = tpu.matmul %get3A_1453, %get3A_1448, %dot_general3A_1454 {dimension_numbers = #tpu.dot_dimension_numbers<[1], [1], [0], [0], [0, 0, 1, 0], [], []>, transpose_lhs_hint = false} : vector<512x64xf32>, vector<512x64xf32>, vector<512x512xf32> -> vector<512x512xf32>
    %reduce_max3A_1456 = arith.constant dense<0xFF800000> : vector<512xf32>
    %reduce_max3A_1457 = vector.multi_reduction <maximumf>, %dot_general3A_1455, %reduce_max3A_1456 [0] : vector<512x512xf32> to vector<512xf32>
    %broadcast_in_dim3A_1458 = vector.shape_cast %reduce_max3A_1457 : vector<512xf32> to vector<1x512xf32>
    %eq3A_1459 = vector.broadcast %broadcast_in_dim3A_1458 : vector<1x512xf32> to vector<512x512xf32>
    %eq3A_1460 = arith.cmpf oeq, %dot_general3A_1455, %eq3A_1459 : vector<512x512xf32>
    %jit3A_1461 = arith.constant 5.120000e+02 : f32
    %broadcast_in_dim3A_1462 = vector.broadcast %jit3A_1461 : f32 to vector<512x512xf32>
    %select_n3A_1463 = arith.select %eq3A_1460, %convert_element_type3A, %broadcast_in_dim3A_1462 : vector<512x512xi1>, vector<512x512xf32>
    %reduce_min3A_1464 = arith.constant dense<0x7F800000> : vector<512xf32>
    %reduce_min3A_1465 = vector.multi_reduction <minimumf>, %select_n3A_1463, %reduce_min3A_1464 [0] : vector<512x512xf32> to vector<512xf32>
    %convert_element_type3A_1466 = arith.fptosi %reduce_min3A_1465 : vector<512xf32> to vector<512xi32>
    %add3A_1467 = arith.constant 26624 : i32
    %add3A_1468 = vector.broadcast %add3A_1467 : i32 to vector<512xi32>
    %add3A_1469 = arith.addi %convert_element_type3A_1466, %add3A_1468 : vector<512xi32>
    %broadcast_in_dim3A_1470 = vector.shape_cast %add3A_1469 : vector<512xi32> to vector<1x512xi32>
    %swap3A_1471 = arith.constant 52 : index
    %swap3A_1472 = arith.constant 0 : index
    %swap3A_1473 = vector.load %arg3[%swap3A_1471, %swap3A_1472] : memref<64x512xi32, #tpu.memory_space<vmem>>, vector<1x512xi32>
    tpu.vector_store %arg3[%swap3A_1471, %swap3A_1472], %broadcast_in_dim3A_1470 {strides = array<i32>} : memref<64x512xi32, #tpu.memory_space<vmem>>, vector<1x512xi32>,
    %get3A_1474 = arith.constant 0 : index
    %get3A_1475 = arith.constant 3392 : index
    %get3A_1476 = vector.load %arg1[%get3A_1474, %get3A_1475] : memref<512x4096xf32, #tpu.memory_space<vmem>>, vector<512x64xf32>
    %get3A_1477 = arith.constant 53 : index
    %get3A_1478 = arith.constant 0 : index
    %get3A_1479 = arith.constant 0 : index
    %get3A_1480 = vector.load %arg2[%get3A_1477, %get3A_1478, %get3A_1479] : memref<64x512x64xf32, #tpu.memory_space<vmem>>, vector<1x512x64xf32>
    %get3A_1481 = vector.shape_cast %get3A_1480 : vector<1x512x64xf32> to vector<512x64xf32>
    %dot_general3A_1482 = arith.constant dense<0.000000e+00> : vector<512x512xf32>
    %dot_general3A_1483 = tpu.matmul %get3A_1481, %get3A_1476, %dot_general3A_1482 {dimension_numbers = #tpu.dot_dimension_numbers<[1], [1], [0], [0], [0, 0, 1, 0], [], []>, transpose_lhs_hint = false} : vector<512x64xf32>, vector<512x64xf32>, vector<512x512xf32> -> vector<512x512xf32>
    %reduce_max3A_1484 = arith.constant dense<0xFF800000> : vector<512xf32>
    %reduce_max3A_1485 = vector.multi_reduction <maximumf>, %dot_general3A_1483, %reduce_max3A_1484 [0] : vector<512x512xf32> to vector<512xf32>
    %broadcast_in_dim3A_1486 = vector.shape_cast %reduce_max3A_1485 : vector<512xf32> to vector<1x512xf32>
    %eq3A_1487 = vector.broadcast %broadcast_in_dim3A_1486 : vector<1x512xf32> to vector<512x512xf32>
    %eq3A_1488 = arith.cmpf oeq, %dot_general3A_1483, %eq3A_1487 : vector<512x512xf32>
    %jit3A_1489 = arith.constant 5.120000e+02 : f32
    %broadcast_in_dim3A_1490 = vector.broadcast %jit3A_1489 : f32 to vector<512x512xf32>
    %select_n3A_1491 = arith.select %eq3A_1488, %convert_element_type3A, %broadcast_in_dim3A_1490 : vector<512x512xi1>, vector<512x512xf32>
    %reduce_min3A_1492 = arith.constant dense<0x7F800000> : vector<512xf32>
    %reduce_min3A_1493 = vector.multi_reduction <minimumf>, %select_n3A_1491, %reduce_min3A_1492 [0] : vector<512x512xf32> to vector<512xf32>
    %convert_element_type3A_1494 = arith.fptosi %reduce_min3A_1493 : vector<512xf32> to vector<512xi32>
    %add3A_1495 = arith.constant 27136 : i32
    %add3A_1496 = vector.broadcast %add3A_1495 : i32 to vector<512xi32>
    %add3A_1497 = arith.addi %convert_element_type3A_1494, %add3A_1496 : vector<512xi32>
    %broadcast_in_dim3A_1498 = vector.shape_cast %add3A_1497 : vector<512xi32> to vector<1x512xi32>
    %swap3A_1499 = arith.constant 53 : index
    %swap3A_1500 = arith.constant 0 : index
    %swap3A_1501 = vector.load %arg3[%swap3A_1499, %swap3A_1500] : memref<64x512xi32, #tpu.memory_space<vmem>>, vector<1x512xi32>
    tpu.vector_store %arg3[%swap3A_1499, %swap3A_1500], %broadcast_in_dim3A_1498 {strides = array<i32>} : memref<64x512xi32, #tpu.memory_space<vmem>>, vector<1x512xi32>,
    %get3A_1502 = arith.constant 0 : index
    %get3A_1503 = arith.constant 3456 : index
    %get3A_1504 = vector.load %arg1[%get3A_1502, %get3A_1503] : memref<512x4096xf32, #tpu.memory_space<vmem>>, vector<512x64xf32>
    %get3A_1505 = arith.constant 54 : index
    %get3A_1506 = arith.constant 0 : index
    %get3A_1507 = arith.constant 0 : index
    %get3A_1508 = vector.load %arg2[%get3A_1505, %get3A_1506, %get3A_1507] : memref<64x512x64xf32, #tpu.memory_space<vmem>>, vector<1x512x64xf32>
    %get3A_1509 = vector.shape_cast %get3A_1508 : vector<1x512x64xf32> to vector<512x64xf32>
    %dot_general3A_1510 = arith.constant dense<0.000000e+00> : vector<512x512xf32>
    %dot_general3A_1511 = tpu.matmul %get3A_1509, %get3A_1504, %dot_general3A_1510 {dimension_numbers = #tpu.dot_dimension_numbers<[1], [1], [0], [0], [0, 0, 1, 0], [], []>, transpose_lhs_hint = false} : vector<512x64xf32>, vector<512x64xf32>, vector<512x512xf32> -> vector<512x512xf32>
    %reduce_max3A_1512 = arith.constant dense<0xFF800000> : vector<512xf32>
    %reduce_max3A_1513 = vector.multi_reduction <maximumf>, %dot_general3A_1511, %reduce_max3A_1512 [0] : vector<512x512xf32> to vector<512xf32>
    %broadcast_in_dim3A_1514 = vector.shape_cast %reduce_max3A_1513 : vector<512xf32> to vector<1x512xf32>
    %eq3A_1515 = vector.broadcast %broadcast_in_dim3A_1514 : vector<1x512xf32> to vector<512x512xf32>
    %eq3A_1516 = arith.cmpf oeq, %dot_general3A_1511, %eq3A_1515 : vector<512x512xf32>
    %jit3A_1517 = arith.constant 5.120000e+02 : f32
    %broadcast_in_dim3A_1518 = vector.broadcast %jit3A_1517 : f32 to vector<512x512xf32>
    %select_n3A_1519 = arith.select %eq3A_1516, %convert_element_type3A, %broadcast_in_dim3A_1518 : vector<512x512xi1>, vector<512x512xf32>
    %reduce_min3A_1520 = arith.constant dense<0x7F800000> : vector<512xf32>
    %reduce_min3A_1521 = vector.multi_reduction <minimumf>, %select_n3A_1519, %reduce_min3A_1520 [0] : vector<512x512xf32> to vector<512xf32>
    %convert_element_type3A_1522 = arith.fptosi %reduce_min3A_1521 : vector<512xf32> to vector<512xi32>
    %add3A_1523 = arith.constant 27648 : i32
    %add3A_1524 = vector.broadcast %add3A_1523 : i32 to vector<512xi32>
    %add3A_1525 = arith.addi %convert_element_type3A_1522, %add3A_1524 : vector<512xi32>
    %broadcast_in_dim3A_1526 = vector.shape_cast %add3A_1525 : vector<512xi32> to vector<1x512xi32>
    %swap3A_1527 = arith.constant 54 : index
    %swap3A_1528 = arith.constant 0 : index
    %swap3A_1529 = vector.load %arg3[%swap3A_1527, %swap3A_1528] : memref<64x512xi32, #tpu.memory_space<vmem>>, vector<1x512xi32>
    tpu.vector_store %arg3[%swap3A_1527, %swap3A_1528], %broadcast_in_dim3A_1526 {strides = array<i32>} : memref<64x512xi32, #tpu.memory_space<vmem>>, vector<1x512xi32>,
    %get3A_1530 = arith.constant 0 : index
    %get3A_1531 = arith.constant 3520 : index
    %get3A_1532 = vector.load %arg1[%get3A_1530, %get3A_1531] : memref<512x4096xf32, #tpu.memory_space<vmem>>, vector<512x64xf32>
    %get3A_1533 = arith.constant 55 : index
    %get3A_1534 = arith.constant 0 : index
    %get3A_1535 = arith.constant 0 : index
    %get3A_1536 = vector.load %arg2[%get3A_1533, %get3A_1534, %get3A_1535] : memref<64x512x64xf32, #tpu.memory_space<vmem>>, vector<1x512x64xf32>
    %get3A_1537 = vector.shape_cast %get3A_1536 : vector<1x512x64xf32> to vector<512x64xf32>
    %dot_general3A_1538 = arith.constant dense<0.000000e+00> : vector<512x512xf32>
    %dot_general3A_1539 = tpu.matmul %get3A_1537, %get3A_1532, %dot_general3A_1538 {dimension_numbers = #tpu.dot_dimension_numbers<[1], [1], [0], [0], [0, 0, 1, 0], [], []>, transpose_lhs_hint = false} : vector<512x64xf32>, vector<512x64xf32>, vector<512x512xf32> -> vector<512x512xf32>
    %reduce_max3A_1540 = arith.constant dense<0xFF800000> : vector<512xf32>
    %reduce_max3A_1541 = vector.multi_reduction <maximumf>, %dot_general3A_1539, %reduce_max3A_1540 [0] : vector<512x512xf32> to vector<512xf32>
    %broadcast_in_dim3A_1542 = vector.shape_cast %reduce_max3A_1541 : vector<512xf32> to vector<1x512xf32>
    %eq3A_1543 = vector.broadcast %broadcast_in_dim3A_1542 : vector<1x512xf32> to vector<512x512xf32>
    %eq3A_1544 = arith.cmpf oeq, %dot_general3A_1539, %eq3A_1543 : vector<512x512xf32>
    %jit3A_1545 = arith.constant 5.120000e+02 : f32
    %broadcast_in_dim3A_1546 = vector.broadcast %jit3A_1545 : f32 to vector<512x512xf32>
    %select_n3A_1547 = arith.select %eq3A_1544, %convert_element_type3A, %broadcast_in_dim3A_1546 : vector<512x512xi1>, vector<512x512xf32>
    %reduce_min3A_1548 = arith.constant dense<0x7F800000> : vector<512xf32>
    %reduce_min3A_1549 = vector.multi_reduction <minimumf>, %select_n3A_1547, %reduce_min3A_1548 [0] : vector<512x512xf32> to vector<512xf32>
    %convert_element_type3A_1550 = arith.fptosi %reduce_min3A_1549 : vector<512xf32> to vector<512xi32>
    %add3A_1551 = arith.constant 28160 : i32
    %add3A_1552 = vector.broadcast %add3A_1551 : i32 to vector<512xi32>
    %add3A_1553 = arith.addi %convert_element_type3A_1550, %add3A_1552 : vector<512xi32>
    %broadcast_in_dim3A_1554 = vector.shape_cast %add3A_1553 : vector<512xi32> to vector<1x512xi32>
    %swap3A_1555 = arith.constant 55 : index
    %swap3A_1556 = arith.constant 0 : index
    %swap3A_1557 = vector.load %arg3[%swap3A_1555, %swap3A_1556] : memref<64x512xi32, #tpu.memory_space<vmem>>, vector<1x512xi32>
    tpu.vector_store %arg3[%swap3A_1555, %swap3A_1556], %broadcast_in_dim3A_1554 {strides = array<i32>} : memref<64x512xi32, #tpu.memory_space<vmem>>, vector<1x512xi32>,
    %get3A_1558 = arith.constant 0 : index
    %get3A_1559 = arith.constant 3584 : index
    %get3A_1560 = vector.load %arg1[%get3A_1558, %get3A_1559] : memref<512x4096xf32, #tpu.memory_space<vmem>>, vector<512x64xf32>
    %get3A_1561 = arith.constant 56 : index
    %get3A_1562 = arith.constant 0 : index
    %get3A_1563 = arith.constant 0 : index
    %get3A_1564 = vector.load %arg2[%get3A_1561, %get3A_1562, %get3A_1563] : memref<64x512x64xf32, #tpu.memory_space<vmem>>, vector<1x512x64xf32>
    %get3A_1565 = vector.shape_cast %get3A_1564 : vector<1x512x64xf32> to vector<512x64xf32>
    %dot_general3A_1566 = arith.constant dense<0.000000e+00> : vector<512x512xf32>
    %dot_general3A_1567 = tpu.matmul %get3A_1565, %get3A_1560, %dot_general3A_1566 {dimension_numbers = #tpu.dot_dimension_numbers<[1], [1], [0], [0], [0, 0, 1, 0], [], []>, transpose_lhs_hint = false} : vector<512x64xf32>, vector<512x64xf32>, vector<512x512xf32> -> vector<512x512xf32>
    %reduce_max3A_1568 = arith.constant dense<0xFF800000> : vector<512xf32>
    %reduce_max3A_1569 = vector.multi_reduction <maximumf>, %dot_general3A_1567, %reduce_max3A_1568 [0] : vector<512x512xf32> to vector<512xf32>
    %broadcast_in_dim3A_1570 = vector.shape_cast %reduce_max3A_1569 : vector<512xf32> to vector<1x512xf32>
    %eq3A_1571 = vector.broadcast %broadcast_in_dim3A_1570 : vector<1x512xf32> to vector<512x512xf32>
    %eq3A_1572 = arith.cmpf oeq, %dot_general3A_1567, %eq3A_1571 : vector<512x512xf32>
    %jit3A_1573 = arith.constant 5.120000e+02 : f32
    %broadcast_in_dim3A_1574 = vector.broadcast %jit3A_1573 : f32 to vector<512x512xf32>
    %select_n3A_1575 = arith.select %eq3A_1572, %convert_element_type3A, %broadcast_in_dim3A_1574 : vector<512x512xi1>, vector<512x512xf32>
    %reduce_min3A_1576 = arith.constant dense<0x7F800000> : vector<512xf32>
    %reduce_min3A_1577 = vector.multi_reduction <minimumf>, %select_n3A_1575, %reduce_min3A_1576 [0] : vector<512x512xf32> to vector<512xf32>
    %convert_element_type3A_1578 = arith.fptosi %reduce_min3A_1577 : vector<512xf32> to vector<512xi32>
    %add3A_1579 = arith.constant 28672 : i32
    %add3A_1580 = vector.broadcast %add3A_1579 : i32 to vector<512xi32>
    %add3A_1581 = arith.addi %convert_element_type3A_1578, %add3A_1580 : vector<512xi32>
    %broadcast_in_dim3A_1582 = vector.shape_cast %add3A_1581 : vector<512xi32> to vector<1x512xi32>
    %swap3A_1583 = arith.constant 56 : index
    %swap3A_1584 = arith.constant 0 : index
    %swap3A_1585 = vector.load %arg3[%swap3A_1583, %swap3A_1584] : memref<64x512xi32, #tpu.memory_space<vmem>>, vector<1x512xi32>
    tpu.vector_store %arg3[%swap3A_1583, %swap3A_1584], %broadcast_in_dim3A_1582 {strides = array<i32>} : memref<64x512xi32, #tpu.memory_space<vmem>>, vector<1x512xi32>,
    %get3A_1586 = arith.constant 0 : index
    %get3A_1587 = arith.constant 3648 : index
    %get3A_1588 = vector.load %arg1[%get3A_1586, %get3A_1587] : memref<512x4096xf32, #tpu.memory_space<vmem>>, vector<512x64xf32>
    %get3A_1589 = arith.constant 57 : index
    %get3A_1590 = arith.constant 0 : index
    %get3A_1591 = arith.constant 0 : index
    %get3A_1592 = vector.load %arg2[%get3A_1589, %get3A_1590, %get3A_1591] : memref<64x512x64xf32, #tpu.memory_space<vmem>>, vector<1x512x64xf32>
    %get3A_1593 = vector.shape_cast %get3A_1592 : vector<1x512x64xf32> to vector<512x64xf32>
    %dot_general3A_1594 = arith.constant dense<0.000000e+00> : vector<512x512xf32>
    %dot_general3A_1595 = tpu.matmul %get3A_1593, %get3A_1588, %dot_general3A_1594 {dimension_numbers = #tpu.dot_dimension_numbers<[1], [1], [0], [0], [0, 0, 1, 0], [], []>, transpose_lhs_hint = false} : vector<512x64xf32>, vector<512x64xf32>, vector<512x512xf32> -> vector<512x512xf32>
    %reduce_max3A_1596 = arith.constant dense<0xFF800000> : vector<512xf32>
    %reduce_max3A_1597 = vector.multi_reduction <maximumf>, %dot_general3A_1595, %reduce_max3A_1596 [0] : vector<512x512xf32> to vector<512xf32>
    %broadcast_in_dim3A_1598 = vector.shape_cast %reduce_max3A_1597 : vector<512xf32> to vector<1x512xf32>
    %eq3A_1599 = vector.broadcast %broadcast_in_dim3A_1598 : vector<1x512xf32> to vector<512x512xf32>
    %eq3A_1600 = arith.cmpf oeq, %dot_general3A_1595, %eq3A_1599 : vector<512x512xf32>
    %jit3A_1601 = arith.constant 5.120000e+02 : f32
    %broadcast_in_dim3A_1602 = vector.broadcast %jit3A_1601 : f32 to vector<512x512xf32>
    %select_n3A_1603 = arith.select %eq3A_1600, %convert_element_type3A, %broadcast_in_dim3A_1602 : vector<512x512xi1>, vector<512x512xf32>
    %reduce_min3A_1604 = arith.constant dense<0x7F800000> : vector<512xf32>
    %reduce_min3A_1605 = vector.multi_reduction <minimumf>, %select_n3A_1603, %reduce_min3A_1604 [0] : vector<512x512xf32> to vector<512xf32>
    %convert_element_type3A_1606 = arith.fptosi %reduce_min3A_1605 : vector<512xf32> to vector<512xi32>
    %add3A_1607 = arith.constant 29184 : i32
    %add3A_1608 = vector.broadcast %add3A_1607 : i32 to vector<512xi32>
    %add3A_1609 = arith.addi %convert_element_type3A_1606, %add3A_1608 : vector<512xi32>
    %broadcast_in_dim3A_1610 = vector.shape_cast %add3A_1609 : vector<512xi32> to vector<1x512xi32>
    %swap3A_1611 = arith.constant 57 : index
    %swap3A_1612 = arith.constant 0 : index
    %swap3A_1613 = vector.load %arg3[%swap3A_1611, %swap3A_1612] : memref<64x512xi32, #tpu.memory_space<vmem>>, vector<1x512xi32>
    tpu.vector_store %arg3[%swap3A_1611, %swap3A_1612], %broadcast_in_dim3A_1610 {strides = array<i32>} : memref<64x512xi32, #tpu.memory_space<vmem>>, vector<1x512xi32>,
    %get3A_1614 = arith.constant 0 : index
    %get3A_1615 = arith.constant 3712 : index
    %get3A_1616 = vector.load %arg1[%get3A_1614, %get3A_1615] : memref<512x4096xf32, #tpu.memory_space<vmem>>, vector<512x64xf32>
    %get3A_1617 = arith.constant 58 : index
    %get3A_1618 = arith.constant 0 : index
    %get3A_1619 = arith.constant 0 : index
    %get3A_1620 = vector.load %arg2[%get3A_1617, %get3A_1618, %get3A_1619] : memref<64x512x64xf32, #tpu.memory_space<vmem>>, vector<1x512x64xf32>
    %get3A_1621 = vector.shape_cast %get3A_1620 : vector<1x512x64xf32> to vector<512x64xf32>
    %dot_general3A_1622 = arith.constant dense<0.000000e+00> : vector<512x512xf32>
    %dot_general3A_1623 = tpu.matmul %get3A_1621, %get3A_1616, %dot_general3A_1622 {dimension_numbers = #tpu.dot_dimension_numbers<[1], [1], [0], [0], [0, 0, 1, 0], [], []>, transpose_lhs_hint = false} : vector<512x64xf32>, vector<512x64xf32>, vector<512x512xf32> -> vector<512x512xf32>
    %reduce_max3A_1624 = arith.constant dense<0xFF800000> : vector<512xf32>
    %reduce_max3A_1625 = vector.multi_reduction <maximumf>, %dot_general3A_1623, %reduce_max3A_1624 [0] : vector<512x512xf32> to vector<512xf32>
    %broadcast_in_dim3A_1626 = vector.shape_cast %reduce_max3A_1625 : vector<512xf32> to vector<1x512xf32>
    %eq3A_1627 = vector.broadcast %broadcast_in_dim3A_1626 : vector<1x512xf32> to vector<512x512xf32>
    %eq3A_1628 = arith.cmpf oeq, %dot_general3A_1623, %eq3A_1627 : vector<512x512xf32>
    %jit3A_1629 = arith.constant 5.120000e+02 : f32
    %broadcast_in_dim3A_1630 = vector.broadcast %jit3A_1629 : f32 to vector<512x512xf32>
    %select_n3A_1631 = arith.select %eq3A_1628, %convert_element_type3A, %broadcast_in_dim3A_1630 : vector<512x512xi1>, vector<512x512xf32>
    %reduce_min3A_1632 = arith.constant dense<0x7F800000> : vector<512xf32>
    %reduce_min3A_1633 = vector.multi_reduction <minimumf>, %select_n3A_1631, %reduce_min3A_1632 [0] : vector<512x512xf32> to vector<512xf32>
    %convert_element_type3A_1634 = arith.fptosi %reduce_min3A_1633 : vector<512xf32> to vector<512xi32>
    %add3A_1635 = arith.constant 29696 : i32
    %add3A_1636 = vector.broadcast %add3A_1635 : i32 to vector<512xi32>
    %add3A_1637 = arith.addi %convert_element_type3A_1634, %add3A_1636 : vector<512xi32>
    %broadcast_in_dim3A_1638 = vector.shape_cast %add3A_1637 : vector<512xi32> to vector<1x512xi32>
    %swap3A_1639 = arith.constant 58 : index
    %swap3A_1640 = arith.constant 0 : index
    %swap3A_1641 = vector.load %arg3[%swap3A_1639, %swap3A_1640] : memref<64x512xi32, #tpu.memory_space<vmem>>, vector<1x512xi32>
    tpu.vector_store %arg3[%swap3A_1639, %swap3A_1640], %broadcast_in_dim3A_1638 {strides = array<i32>} : memref<64x512xi32, #tpu.memory_space<vmem>>, vector<1x512xi32>,
    %get3A_1642 = arith.constant 0 : index
    %get3A_1643 = arith.constant 3776 : index
    %get3A_1644 = vector.load %arg1[%get3A_1642, %get3A_1643] : memref<512x4096xf32, #tpu.memory_space<vmem>>, vector<512x64xf32>
    %get3A_1645 = arith.constant 59 : index
    %get3A_1646 = arith.constant 0 : index
    %get3A_1647 = arith.constant 0 : index
    %get3A_1648 = vector.load %arg2[%get3A_1645, %get3A_1646, %get3A_1647] : memref<64x512x64xf32, #tpu.memory_space<vmem>>, vector<1x512x64xf32>
    %get3A_1649 = vector.shape_cast %get3A_1648 : vector<1x512x64xf32> to vector<512x64xf32>
    %dot_general3A_1650 = arith.constant dense<0.000000e+00> : vector<512x512xf32>
    %dot_general3A_1651 = tpu.matmul %get3A_1649, %get3A_1644, %dot_general3A_1650 {dimension_numbers = #tpu.dot_dimension_numbers<[1], [1], [0], [0], [0, 0, 1, 0], [], []>, transpose_lhs_hint = false} : vector<512x64xf32>, vector<512x64xf32>, vector<512x512xf32> -> vector<512x512xf32>
    %reduce_max3A_1652 = arith.constant dense<0xFF800000> : vector<512xf32>
    %reduce_max3A_1653 = vector.multi_reduction <maximumf>, %dot_general3A_1651, %reduce_max3A_1652 [0] : vector<512x512xf32> to vector<512xf32>
    %broadcast_in_dim3A_1654 = vector.shape_cast %reduce_max3A_1653 : vector<512xf32> to vector<1x512xf32>
    %eq3A_1655 = vector.broadcast %broadcast_in_dim3A_1654 : vector<1x512xf32> to vector<512x512xf32>
    %eq3A_1656 = arith.cmpf oeq, %dot_general3A_1651, %eq3A_1655 : vector<512x512xf32>
    %jit3A_1657 = arith.constant 5.120000e+02 : f32
    %broadcast_in_dim3A_1658 = vector.broadcast %jit3A_1657 : f32 to vector<512x512xf32>
    %select_n3A_1659 = arith.select %eq3A_1656, %convert_element_type3A, %broadcast_in_dim3A_1658 : vector<512x512xi1>, vector<512x512xf32>
    %reduce_min3A_1660 = arith.constant dense<0x7F800000> : vector<512xf32>
    %reduce_min3A_1661 = vector.multi_reduction <minimumf>, %select_n3A_1659, %reduce_min3A_1660 [0] : vector<512x512xf32> to vector<512xf32>
    %convert_element_type3A_1662 = arith.fptosi %reduce_min3A_1661 : vector<512xf32> to vector<512xi32>
    %add3A_1663 = arith.constant 30208 : i32
    %add3A_1664 = vector.broadcast %add3A_1663 : i32 to vector<512xi32>
    %add3A_1665 = arith.addi %convert_element_type3A_1662, %add3A_1664 : vector<512xi32>
    %broadcast_in_dim3A_1666 = vector.shape_cast %add3A_1665 : vector<512xi32> to vector<1x512xi32>
    %swap3A_1667 = arith.constant 59 : index
    %swap3A_1668 = arith.constant 0 : index
    %swap3A_1669 = vector.load %arg3[%swap3A_1667, %swap3A_1668] : memref<64x512xi32, #tpu.memory_space<vmem>>, vector<1x512xi32>
    tpu.vector_store %arg3[%swap3A_1667, %swap3A_1668], %broadcast_in_dim3A_1666 {strides = array<i32>} : memref<64x512xi32, #tpu.memory_space<vmem>>, vector<1x512xi32>,
    %get3A_1670 = arith.constant 0 : index
    %get3A_1671 = arith.constant 3840 : index
    %get3A_1672 = vector.load %arg1[%get3A_1670, %get3A_1671] : memref<512x4096xf32, #tpu.memory_space<vmem>>, vector<512x64xf32>
    %get3A_1673 = arith.constant 60 : index
    %get3A_1674 = arith.constant 0 : index
    %get3A_1675 = arith.constant 0 : index
    %get3A_1676 = vector.load %arg2[%get3A_1673, %get3A_1674, %get3A_1675] : memref<64x512x64xf32, #tpu.memory_space<vmem>>, vector<1x512x64xf32>
    %get3A_1677 = vector.shape_cast %get3A_1676 : vector<1x512x64xf32> to vector<512x64xf32>
    %dot_general3A_1678 = arith.constant dense<0.000000e+00> : vector<512x512xf32>
    %dot_general3A_1679 = tpu.matmul %get3A_1677, %get3A_1672, %dot_general3A_1678 {dimension_numbers = #tpu.dot_dimension_numbers<[1], [1], [0], [0], [0, 0, 1, 0], [], []>, transpose_lhs_hint = false} : vector<512x64xf32>, vector<512x64xf32>, vector<512x512xf32> -> vector<512x512xf32>
    %reduce_max3A_1680 = arith.constant dense<0xFF800000> : vector<512xf32>
    %reduce_max3A_1681 = vector.multi_reduction <maximumf>, %dot_general3A_1679, %reduce_max3A_1680 [0] : vector<512x512xf32> to vector<512xf32>
    %broadcast_in_dim3A_1682 = vector.shape_cast %reduce_max3A_1681 : vector<512xf32> to vector<1x512xf32>
    %eq3A_1683 = vector.broadcast %broadcast_in_dim3A_1682 : vector<1x512xf32> to vector<512x512xf32>
    %eq3A_1684 = arith.cmpf oeq, %dot_general3A_1679, %eq3A_1683 : vector<512x512xf32>
    %jit3A_1685 = arith.constant 5.120000e+02 : f32
    %broadcast_in_dim3A_1686 = vector.broadcast %jit3A_1685 : f32 to vector<512x512xf32>
    %select_n3A_1687 = arith.select %eq3A_1684, %convert_element_type3A, %broadcast_in_dim3A_1686 : vector<512x512xi1>, vector<512x512xf32>
    %reduce_min3A_1688 = arith.constant dense<0x7F800000> : vector<512xf32>
    %reduce_min3A_1689 = vector.multi_reduction <minimumf>, %select_n3A_1687, %reduce_min3A_1688 [0] : vector<512x512xf32> to vector<512xf32>
    %convert_element_type3A_1690 = arith.fptosi %reduce_min3A_1689 : vector<512xf32> to vector<512xi32>
    %add3A_1691 = arith.constant 30720 : i32
    %add3A_1692 = vector.broadcast %add3A_1691 : i32 to vector<512xi32>
    %add3A_1693 = arith.addi %convert_element_type3A_1690, %add3A_1692 : vector<512xi32>
    %broadcast_in_dim3A_1694 = vector.shape_cast %add3A_1693 : vector<512xi32> to vector<1x512xi32>
    %swap3A_1695 = arith.constant 60 : index
    %swap3A_1696 = arith.constant 0 : index
    %swap3A_1697 = vector.load %arg3[%swap3A_1695, %swap3A_1696] : memref<64x512xi32, #tpu.memory_space<vmem>>, vector<1x512xi32>
    tpu.vector_store %arg3[%swap3A_1695, %swap3A_1696], %broadcast_in_dim3A_1694 {strides = array<i32>} : memref<64x512xi32, #tpu.memory_space<vmem>>, vector<1x512xi32>,
    %get3A_1698 = arith.constant 0 : index
    %get3A_1699 = arith.constant 3904 : index
    %get3A_1700 = vector.load %arg1[%get3A_1698, %get3A_1699] : memref<512x4096xf32, #tpu.memory_space<vmem>>, vector<512x64xf32>
    %get3A_1701 = arith.constant 61 : index
    %get3A_1702 = arith.constant 0 : index
    %get3A_1703 = arith.constant 0 : index
    %get3A_1704 = vector.load %arg2[%get3A_1701, %get3A_1702, %get3A_1703] : memref<64x512x64xf32, #tpu.memory_space<vmem>>, vector<1x512x64xf32>
    %get3A_1705 = vector.shape_cast %get3A_1704 : vector<1x512x64xf32> to vector<512x64xf32>
    %dot_general3A_1706 = arith.constant dense<0.000000e+00> : vector<512x512xf32>
    %dot_general3A_1707 = tpu.matmul %get3A_1705, %get3A_1700, %dot_general3A_1706 {dimension_numbers = #tpu.dot_dimension_numbers<[1], [1], [0], [0], [0, 0, 1, 0], [], []>, transpose_lhs_hint = false} : vector<512x64xf32>, vector<512x64xf32>, vector<512x512xf32> -> vector<512x512xf32>
    %reduce_max3A_1708 = arith.constant dense<0xFF800000> : vector<512xf32>
    %reduce_max3A_1709 = vector.multi_reduction <maximumf>, %dot_general3A_1707, %reduce_max3A_1708 [0] : vector<512x512xf32> to vector<512xf32>
    %broadcast_in_dim3A_1710 = vector.shape_cast %reduce_max3A_1709 : vector<512xf32> to vector<1x512xf32>
    %eq3A_1711 = vector.broadcast %broadcast_in_dim3A_1710 : vector<1x512xf32> to vector<512x512xf32>
    %eq3A_1712 = arith.cmpf oeq, %dot_general3A_1707, %eq3A_1711 : vector<512x512xf32>
    %jit3A_1713 = arith.constant 5.120000e+02 : f32
    %broadcast_in_dim3A_1714 = vector.broadcast %jit3A_1713 : f32 to vector<512x512xf32>
    %select_n3A_1715 = arith.select %eq3A_1712, %convert_element_type3A, %broadcast_in_dim3A_1714 : vector<512x512xi1>, vector<512x512xf32>
    %reduce_min3A_1716 = arith.constant dense<0x7F800000> : vector<512xf32>
    %reduce_min3A_1717 = vector.multi_reduction <minimumf>, %select_n3A_1715, %reduce_min3A_1716 [0] : vector<512x512xf32> to vector<512xf32>
    %convert_element_type3A_1718 = arith.fptosi %reduce_min3A_1717 : vector<512xf32> to vector<512xi32>
    %add3A_1719 = arith.constant 31232 : i32
    %add3A_1720 = vector.broadcast %add3A_1719 : i32 to vector<512xi32>
    %add3A_1721 = arith.addi %convert_element_type3A_1718, %add3A_1720 : vector<512xi32>
    %broadcast_in_dim3A_1722 = vector.shape_cast %add3A_1721 : vector<512xi32> to vector<1x512xi32>
    %swap3A_1723 = arith.constant 61 : index
    %swap3A_1724 = arith.constant 0 : index
    %swap3A_1725 = vector.load %arg3[%swap3A_1723, %swap3A_1724] : memref<64x512xi32, #tpu.memory_space<vmem>>, vector<1x512xi32>
    tpu.vector_store %arg3[%swap3A_1723, %swap3A_1724], %broadcast_in_dim3A_1722 {strides = array<i32>} : memref<64x512xi32, #tpu.memory_space<vmem>>, vector<1x512xi32>,
    %get3A_1726 = arith.constant 0 : index
    %get3A_1727 = arith.constant 3968 : index
    %get3A_1728 = vector.load %arg1[%get3A_1726, %get3A_1727] : memref<512x4096xf32, #tpu.memory_space<vmem>>, vector<512x64xf32>
    %get3A_1729 = arith.constant 62 : index
    %get3A_1730 = arith.constant 0 : index
    %get3A_1731 = arith.constant 0 : index
    %get3A_1732 = vector.load %arg2[%get3A_1729, %get3A_1730, %get3A_1731] : memref<64x512x64xf32, #tpu.memory_space<vmem>>, vector<1x512x64xf32>
    %get3A_1733 = vector.shape_cast %get3A_1732 : vector<1x512x64xf32> to vector<512x64xf32>
    %dot_general3A_1734 = arith.constant dense<0.000000e+00> : vector<512x512xf32>
    %dot_general3A_1735 = tpu.matmul %get3A_1733, %get3A_1728, %dot_general3A_1734 {dimension_numbers = #tpu.dot_dimension_numbers<[1], [1], [0], [0], [0, 0, 1, 0], [], []>, transpose_lhs_hint = false} : vector<512x64xf32>, vector<512x64xf32>, vector<512x512xf32> -> vector<512x512xf32>
    %reduce_max3A_1736 = arith.constant dense<0xFF800000> : vector<512xf32>
    %reduce_max3A_1737 = vector.multi_reduction <maximumf>, %dot_general3A_1735, %reduce_max3A_1736 [0] : vector<512x512xf32> to vector<512xf32>
    %broadcast_in_dim3A_1738 = vector.shape_cast %reduce_max3A_1737 : vector<512xf32> to vector<1x512xf32>
    %eq3A_1739 = vector.broadcast %broadcast_in_dim3A_1738 : vector<1x512xf32> to vector<512x512xf32>
    %eq3A_1740 = arith.cmpf oeq, %dot_general3A_1735, %eq3A_1739 : vector<512x512xf32>
    %jit3A_1741 = arith.constant 5.120000e+02 : f32
    %broadcast_in_dim3A_1742 = vector.broadcast %jit3A_1741 : f32 to vector<512x512xf32>
    %select_n3A_1743 = arith.select %eq3A_1740, %convert_element_type3A, %broadcast_in_dim3A_1742 : vector<512x512xi1>, vector<512x512xf32>
    %reduce_min3A_1744 = arith.constant dense<0x7F800000> : vector<512xf32>
    %reduce_min3A_1745 = vector.multi_reduction <minimumf>, %select_n3A_1743, %reduce_min3A_1744 [0] : vector<512x512xf32> to vector<512xf32>
    %convert_element_type3A_1746 = arith.fptosi %reduce_min3A_1745 : vector<512xf32> to vector<512xi32>
    %add3A_1747 = arith.constant 31744 : i32
    %add3A_1748 = vector.broadcast %add3A_1747 : i32 to vector<512xi32>
    %add3A_1749 = arith.addi %convert_element_type3A_1746, %add3A_1748 : vector<512xi32>
    %broadcast_in_dim3A_1750 = vector.shape_cast %add3A_1749 : vector<512xi32> to vector<1x512xi32>
    %swap3A_1751 = arith.constant 62 : index
    %swap3A_1752 = arith.constant 0 : index
    %swap3A_1753 = vector.load %arg3[%swap3A_1751, %swap3A_1752] : memref<64x512xi32, #tpu.memory_space<vmem>>, vector<1x512xi32>
    tpu.vector_store %arg3[%swap3A_1751, %swap3A_1752], %broadcast_in_dim3A_1750 {strides = array<i32>} : memref<64x512xi32, #tpu.memory_space<vmem>>, vector<1x512xi32>,
    %get3A_1754 = arith.constant 0 : index
    %get3A_1755 = arith.constant 4032 : index
    %get3A_1756 = vector.load %arg1[%get3A_1754, %get3A_1755] : memref<512x4096xf32, #tpu.memory_space<vmem>>, vector<512x64xf32>
    %get3A_1757 = arith.constant 63 : index
    %get3A_1758 = arith.constant 0 : index
    %get3A_1759 = arith.constant 0 : index
    %get3A_1760 = vector.load %arg2[%get3A_1757, %get3A_1758, %get3A_1759] : memref<64x512x64xf32, #tpu.memory_space<vmem>>, vector<1x512x64xf32>
    %get3A_1761 = vector.shape_cast %get3A_1760 : vector<1x512x64xf32> to vector<512x64xf32>
    %dot_general3A_1762 = arith.constant dense<0.000000e+00> : vector<512x512xf32>
    %dot_general3A_1763 = tpu.matmul %get3A_1761, %get3A_1756, %dot_general3A_1762 {dimension_numbers = #tpu.dot_dimension_numbers<[1], [1], [0], [0], [0, 0, 1, 0], [], []>, transpose_lhs_hint = false} : vector<512x64xf32>, vector<512x64xf32>, vector<512x512xf32> -> vector<512x512xf32>
    %reduce_max3A_1764 = arith.constant dense<0xFF800000> : vector<512xf32>
    %reduce_max3A_1765 = vector.multi_reduction <maximumf>, %dot_general3A_1763, %reduce_max3A_1764 [0] : vector<512x512xf32> to vector<512xf32>
    %broadcast_in_dim3A_1766 = vector.shape_cast %reduce_max3A_1765 : vector<512xf32> to vector<1x512xf32>
    %eq3A_1767 = vector.broadcast %broadcast_in_dim3A_1766 : vector<1x512xf32> to vector<512x512xf32>
    %eq3A_1768 = arith.cmpf oeq, %dot_general3A_1763, %eq3A_1767 : vector<512x512xf32>
    %jit3A_1769 = arith.constant 5.120000e+02 : f32
    %broadcast_in_dim3A_1770 = vector.broadcast %jit3A_1769 : f32 to vector<512x512xf32>
    %select_n3A_1771 = arith.select %eq3A_1768, %convert_element_type3A, %broadcast_in_dim3A_1770 : vector<512x512xi1>, vector<512x512xf32>
    %reduce_min3A_1772 = arith.constant dense<0x7F800000> : vector<512xf32>
    %reduce_min3A_1773 = vector.multi_reduction <minimumf>, %select_n3A_1771, %reduce_min3A_1772 [0] : vector<512x512xf32> to vector<512xf32>
    %convert_element_type3A_1774 = arith.fptosi %reduce_min3A_1773 : vector<512xf32> to vector<512xi32>
    %add3A_1775 = arith.constant 32256 : i32
    %add3A_1776 = vector.broadcast %add3A_1775 : i32 to vector<512xi32>
    %add3A_1777 = arith.addi %convert_element_type3A_1774, %add3A_1776 : vector<512xi32>
    %broadcast_in_dim3A_1778 = vector.shape_cast %add3A_1777 : vector<512xi32> to vector<1x512xi32>
    %swap3A_1779 = arith.constant 63 : index
    %swap3A_1780 = arith.constant 0 : index
    %swap3A_1781 = vector.load %arg3[%swap3A_1779, %swap3A_1780] : memref<64x512xi32, #tpu.memory_space<vmem>>, vector<1x512xi32>
    tpu.vector_store %arg3[%swap3A_1779, %swap3A_1780], %broadcast_in_dim3A_1778 {strides = array<i32>} : memref<64x512xi32, #tpu.memory_space<vmem>>, vector<1x512xi32>,
    return
  }
  func.func @transform_0(%arg0: i32) -> (i32, i32) {
    %c0_i32 = arith.constant 0 : i32
    %c0_i32_0 = arith.constant 0 : i32
    return %arg0, %c0_i32 : i32, i32
  }
  func.func @transform_1(%arg0: i32) -> (i32, i32, i32) {
    %c0_i32 = arith.constant 0 : i32
    %c0_i32_0 = arith.constant 0 : i32
    %c0_i32_1 = arith.constant 0 : i32
    %c0_i32_2 = arith.constant 0 : i32
    return %c0_i32, %c0_i32_0, %c0_i32_1 : i32, i32, i32
  }
  func.func @transform_2(%arg0: i32) -> (i32, i32) {
    %c0_i32 = arith.constant 0 : i32
    %c0_i32_0 = arith.constant 0 : i32
    return %c0_i32, %arg0 : i32, i32
  }
}

</mosaic_0001>

<sc_bundles>
// kernel: kernel.4.cloned.1.call-start
scs
__scs_entry_jumppad:
0x0: {  	(pc) =	sbr.rel $0x88, $3  }
0x1: {  	(tag) =	ssettag $0x0;
	lr =	simm.s32 $0x1  }
0x2: {  	[smem:$0x3F9F] =	sst lr;
	_ =	strace $0xD0000000  }
0x3: {  	_ = 	snop  }
0x4: {  	_ = 	snop  }
0x5: {  	_ = 	snop  }
0x6: {  	_ = 	snop  }
0x7: {  	_ = 	snop  }
__scs_overlays_trampoline_lowered:
0x8: {  	[smem:$0x3FAE] =	sst s0  }
0x9: {  	[smem:$0x3FAF] =	sst s1  }
0xa: {  	[smem:$0x3FB0] =	sst s2  }
0xb: {  	[smem:$0x3FB1] =	sst s3  }
0xc: {  	[smem:$0x3FB2] =	sst s4  }
0xd: {  	[smem:$0x3FB3] =	sst s5  }
0xe: {  	[smem:$0x3FB4] =	sst s6  }
0xf: {  	[smem:$0x3FB5] =	sst s7  }
0x10: {  	[smem:$0x3FB6] =	sst s8  }
0x11: {  	[smem:$0x3FB7] =	sst s9;
	s0 =	simm.s32 @!p0 $0x0  }
0x12: {  	s1 =	sld [smem:$0x3F9D];
	s0 =	simm.s32 @p0 $0x1  }
0x13: {  	[smem:$0x3FB8] =	sst s0;
	s0 =	simm.s32 @!p1 $0x0  }
0x14: {  	s2 =	sld [smem:$0x3F9C];
	s0 =	simm.s32 @p1 $0x1  }
0x15: {  	[smem:$0x3FB9] =	sst s0;
	s0 =	simm.s32 @!p2 $0x0  }
0x16: {  	s3 =	sld [smem:$0x3FDB];
	s0 =	simm.s32 @p2 $0x1  }
0x17: {  	s4 =	simm.s32 $0x1BF5;
	[smem:$0x3FBB] =	sst s0  }
0x18: {  	s0 =	sld [smem:$0x3F9E];
	_ =	swait.ge [sflag:s4], $0x0  }
0x19: {  	s7 =	sld [smem:$0x3F9F]  }
0x1a: {  	s8 =	sadd.s32 $0xFFFFE003, lr  }
0x1b: {  	s9 =	sadd.s32 $0xFFFFFEF7, lr;
	s5 =	simm.s32 $0xFFFFFFFF;
	p2 =	slt.u32 s8, $0xFFFFF086  }
0x1c: {  	p1 =	slt.u32 s9, $0xF7A;
	s5 =	simm.s32 @!p2 $0x0  }
0x1d: {  	s5 =	simm.s32 @p1 $0x1;
	p0 =	seq.s32 s7, s2  }
0x1e: {  	s7 =	smul.u32 @!p0 $0xF7A, s2;
	p2 =	seq.s32 @!p0 s5, $0x0  }
0x1f: {  	s9 =	smul.u32 $0xF7A, s1;
	s8 =	simm.s32 @!p0 $0x1BF5;
	p2 =	por !p2, p0  }
0x20: {  	[sflag:s8] =	ssyncset.s32 @!p0 $0xFFFFF086;
	s6 =	sadd.s32 @!p0 s3, s7;
	s7 =	simm.s32 @!p0 $0x108  }
0x21: {  	s3 =	sadd.s32 s3, s9;
	s6 =	sadd.s32 @!p0 $0x88, s6;
	s7 =	simm.s32 @p2 $0x1082  }
0x22: {  	[simem:s7], [sflag:s8] =	dma.local @!p0 [hbm:s6], $0xF7A  }
0x23: {  	s9 =	sor.u32 $0xD0000000, s2;
	s6 =	simm.s32 $0x108;
	_ =	swait.ge @!p0 [sflag:s8], $0x0  }
0x24: {  	s3 =	sadd.s32 $0x88, s3;
	s6 =	simm.s32 @!p1 $0x1082;
	[sflag:s4] =	ssyncset.s32 $0xFFFFF086  }
0x25: {  	[simem:s6], [sflag:s4] =	dma.local [hbm:s3], $0xF7A  }
0x26: {  	[smem:$0x3F9F] =	sst s1;
	(tag) =	ssettag s2;
	_ =	strace s9  }
0x27: {  	s1 =	sld [smem:$0x3FAF]  }
0x28: {  	s2 =	sld [smem:$0x3FB0]  }
0x29: {  	s4 =	sld [smem:$0x3FB2]  }
0x2a: {  	p0 =	seq.s32 s5, $0x0;
	s5 =	sld [smem:$0x3FB3]  }
0x2b: {  	s6 =	sld [smem:$0x3FB4]  }
0x2c: {  	s7 =	sld [smem:$0x3FB5]  }
0x2d: {  	s3 =	simm.s32 $0x108;
	s8 =	sld [smem:$0x3FB6]  }
0x2e: {  	s3 =	simm.s32 @!p0 $0x1082;
	s9 =	sld [smem:$0x3FB7]  }
0x2f: {  	lr =	sadd.s32 s0, s3;
	s0 =	sld [smem:$0x3FAE]  }
0x30: {  	s3 =	sld [smem:$0x3FB1]  }
0x31: {  	[smem:$0x3FBA] =	sst s10  }
0x32: {  	s10 =	sld [smem:$0x3FB8];
	_ =	sdelay $0x3  }
0x33: {  	p0 =	seq.s32 s10, $0x1;
	s10 =	sld [smem:$0x3FBA];
	_ =	sdelay $0x3  }
0x34: {  	[smem:$0x3FBA] =	sst s10  }
0x35: {  	s10 =	sld [smem:$0x3FB9];
	_ =	sdelay $0x3  }
0x36: {  	p1 =	seq.s32 s10, $0x1;
	s10 =	sld [smem:$0x3FBA];
	_ =	sdelay $0x3  }
0x37: {  	[smem:$0x3FBA] =	sst s10  }
0x38: {  	s10 =	sld [smem:$0x3FBB]  }
0x39: {  	_ = 	snop;
	(pc) =	sbr.ind lr, $3  }
0x3a: {  	_ = 	snop  }
0x3b: {  	_ = 	snop  }
0x3c: {  	p2 =	seq.s32 s10, $0x1;
	s10 =	sld [smem:$0x3FBA]  }
0x3d: {  	_ =	shalt  }
0x3e: {  	_ =	shalt  }
0x3f: {  	_ =	shalt  }
0x40: {  	_ =	shalt  }
0x41: {  	_ =	shalt  }
0x42: {  	_ =	shalt  }
0x43: {  	_ =	shalt  }
0x44: {  	_ =	shalt  }
0x45: {  	_ =	shalt  }
0x46: {  	_ =	shalt  }
0x47: {  	_ =	shalt  }
0x48: {  	_ =	shalt  }
0x49: {  	_ =	shalt  }
0x4a: {  	_ =	shalt  }
0x4b: {  	_ =	shalt  }
0x4c: {  	_ =	shalt  }
0x4d: {  	_ =	shalt  }
0x4e: {  	_ =	shalt  }
0x4f: {  	_ =	shalt  }
0x50: {  	_ =	shalt  }
0x51: {  	_ =	shalt  }
0x52: {  	_ =	shalt  }
0x53: {  	_ =	shalt  }
0x54: {  	_ =	shalt  }
0x55: {  	_ =	shalt  }
0x56: {  	_ =	shalt  }
0x57: {  	_ =	shalt  }
0x58: {  	_ =	shalt  }
0x59: {  	_ =	shalt  }
0x5a: {  	_ =	shalt  }
0x5b: {  	_ =	shalt  }
0x5c: {  	_ =	shalt  }
0x5d: {  	_ =	shalt  }
0x5e: {  	_ =	shalt  }
0x5f: {  	_ =	shalt  }
0x60: {  	_ =	shalt  }
0x61: {  	_ =	shalt  }
0x62: {  	_ =	shalt  }
0x63: {  	_ =	shalt  }
0x64: {  	_ =	shalt  }
0x65: {  	_ =	shalt  }
0x66: {  	_ =	shalt  }
0x67: {  	_ =	shalt  }
0x68: {  	_ =	shalt  }
0x69: {  	_ =	shalt  }
0x6a: {  	_ =	shalt  }
0x6b: {  	_ =	shalt  }
0x6c: {  	_ =	shalt  }
0x6d: {  	_ =	shalt  }
0x6e: {  	_ =	shalt  }
0x6f: {  	_ =	shalt  }
0x70: {  	_ =	shalt  }
0x71: {  	_ =	shalt  }
0x72: {  	_ =	shalt  }
0x73: {  	_ =	shalt  }
0x74: {  	_ =	shalt  }
0x75: {  	_ =	shalt  }
0x76: {  	_ =	shalt  }
0x77: {  	_ =	shalt  }
0x78: {  	_ =	shalt  }
0x79: {  	_ =	shalt  }
0x7a: {  	_ =	shalt  }
0x7b: {  	_ =	shalt  }
0x7c: {  	_ =	shalt  }
0x7d: {  	_ =	shalt  }
0x7e: {  	_ =	shalt  }
0x7f: {  	_ =	shalt  }
0x80: {  	_ =	shalt  }
0x81: {  	_ =	shalt  }
0x82: {  	_ =	shalt  }
0x83: {  	_ =	shalt  }
0x84: {  	_ =	shalt  }
0x85: {  	_ =	shalt  }
0x86: {  	_ =	shalt  }
0x87: {  	_ =	shalt  }
.Lfunc_end0:
.L_simem_size_0:
called_computation.1_lowered:
.L_overlay_start_0:
0x88: {  	s2 =	sld [smem:$0x3FD9]  }
0x89: {  	s3 =	sld [smem:$0x3FFE];
	_ =	sdelay $0x1  }
0x8a: {  	s1 =	srdreg.scid  }
0x8b: {  	s0 =	sand.u32 $0x1, s1  }
0x8c: {  	s17 =	sshll.u32 s0, $0xA;
	s2 =	sadd.s32 s3, s2  }
0x8d: {  	s2 =	sadd.s32 s2, s17  }
0x8e: {  	[smem:$0x3FC6] =	sst s2  }
0x8f: {  	_ = 	snop  }
0x90: {  	s2 =	sld [smem:$0x3FD0];
	(tm) =	ssettm $0x1  }
0x91: {  	s18 =	sld [smem:$0x3FFB];
	_ =	sdelay $0x3  }
0x92: {  	_ =	strace s18  }
0x93: {  	s3 =	sld [smem:$0x3FFC];
	_ =	sdelay $0x3  }
0x94: {  	_ =	strace s3  }
0x95: {  	s3 =	sld [smem:$0x3FFD];
	_ =	sdelay $0x3  }
0x96: {  	_ =	strace s3  }
0x97: {  	_ =	strace $0x8FFFFFFF  }
0x98: {  	s19 =	sld [smem:$0x3FDB];
	_ =	sdelay $0x1  }
0x99: {  	s4 =	simm.s32 $_scs_section_size  }
0x9a: {  	s5 =	simm.s32 $_size__tile_overlayer_lowered;
	s6 =	simm.s32 $_tile_overlayer_lowered  }
0x9b: {  	s22 =	simm.s32 $0x1BFF;
	s21 =	sshll.u32 s6, $0x1;
	s3 =	sadd.s32 s4, s19  }
0x9c: {  	s7 =	simm.s32 $0x0;
	s20 =	sshll.u32 s5, $0x1;
	s5 =	sadd.s32 s21, s3  }
0x9d: {  	[timem:s7], [sflag:s22] =	dma.local [hbm:s5], s20  }
0x9e: {  	_ =	swait.ge [sflag:s22], s20  }
0x9f: {  	s4 =	ssub.s32 $0x0, s20;
	[sflag:s22] =	ssyncset.done $0x0  }
0xa0: {  	[sflag:s22] =	ssyncadd.s32 s4;
	_ =	sdelay $0x1  }
0xa1: {  	s23 =	simm.s32 $0x1B8B  }
0xa2: {  	_ =	swait.ge [sflag:s23], $0x1  }
0xa3: {  	[sflag:s23] =	ssyncset.done $0x0  }
0xa4: {  	s25 =	simm.s32 $0x1B8E;
	s24 =	sld [smem:$0x3FFE];
	[sflag:s23] =	ssyncadd.s32 $0xFFFFFFFF  }
0xa5: {  	s26 =	simm.s32 $execute0_lowered;
	[smem:$0x3FD2] =	sst s25  }
0xa6: {  	s5 =	sshll.u32 s26, $0x1;
	_ =	strace $0x80000046;
	[dreg:$0x1] =	wrdreg $0xFFFFFFFF  }
0xa7: {  	s28 =	simm.s32 $_size_execute0_lowered;
	s3 =	sadd.s32 s3, s5;
	[dreg:$0x0] =	wrdreg $0x0  }
0xa8: {  	s5 =	sshll.u32 s28, $0x1;
	[dreg:$0x2] =	wrdreg s3  }
0xa9: {  	[dreg:$0x3] =	wrdreg s5  }
0xaa: {  	[dreg:$0x4] =	wrdreg $0xC0  }
0xab: {  	_ =	task [dreg:s7], $0x5FFFF  }
0xac: {  	[dreg:$0x1] =	wrdreg $0xFFFFFFFF  }
0xad: {  	[dreg:$0x0] =	wrdreg $0x60  }
0xae: {  	[dreg:$0x2] =	wrdreg s2  }
0xaf: {  	[dreg:$0x3] =	wrdreg s24  }
0xb0: {  	[dreg:$0x4] =	wrdreg $0x9  }
0xb1: {  	_ =	task.clear_ibuf [dreg:s7], $0x5FFFF;
	_ =	strace $0x90000046  }
0xb2: {  	s29 =	simm.s32 $0x9;
	_ =	strace $0x80000048  }
0xb3: {  	_ =	swait.ge [sflag:s29], $0x1  }
0xb4: {  	[sflag:s29] =	ssyncadd.s32 $0xFFFFFFFF  }
0xb5: {  	_ =	strace $0x90000048  }
0xb6: {  	_ =	sfence  }
0xb7: {  	s30 =	sld [smem:$0x0];
	_ =	sdelay $0x2  }
0xb8: {  	s31 =	sshll.u32 s1, $0xD;
	s1 =	sshrl.u32 s1, $0x2  }
0xb9: {  	s3 =	sand.u32 $0x4000, s31;
	s1 =	sadd.s32 s1, s30  }
0xba: {  	s0 =	sor.u32 s3, s0;
	s1 =	sshll.u32 s1, $0x11  }
0xbb: {  	s0 =	sor.u32 s1, s0  }
0xbc: {  	s0 =	sadd.s32 $0x8F2B, s0  }
0xbd: {  	[sflag:s0] =	ssyncadd.remote.s32 $0x1  }
0xbe: {  	_ =	sfence.sel $0xFFFF  }
0xbf: {  	[dreg:$0x0] =	wrdreg $0xFFFFFFFF;
	(pc) =	sbr.abs _section_cstart, $3  }
0xc0: {  	[dreg:$0x1] =	wrdreg $0xFFFFFFFF  }
0xc1: {  	_ =	task.clear_ibuf [dreg:s7], $0x2FFFF;
	_ =	strace $0x9FFFFFFF  }
0xc2: {  	(tm) =	ssettm $0x7FFFFFFF  }
0xc3: {  	_ =	shalt  }
tec
execute0_lowered:
.L_overlay_start_1:
0x0: {  	(tag) =	ssettag $0x1  }
0x1: {  	s1 =	rddreg [dreg:$0x0]  }
0x2: {  	s4 =	rddreg [dreg:$0x1]  }
0x3: {  	s0 =	rddreg [dreg:$0x2];
	s3 =	simm.s32 $0x0;
	s5 =	srdreg.scid  }
0x4: {  	s2 =	stileid.u32;
	s11 =	simm.s32 $0x4000;
	s12 =	simm.s32 $0x6000  }
0x5: {  	s13 =	simm.s32 $0x8000;
	s14 =	simm.s32 $0xA000;
	s15 =	simm.s32 $0xC000  }
0x6: {  	s16 =	simm.s32 $0xE000;
	s17 =	simm.s32 $0x10000;
	s18 =	simm.s32 $0x1  }
0x7: {  	s19 =	simm.s32 $0x40;
	s20 =	simm.s32 $0x2;
	s21 =	simm.s32 $0x0  }
0x8: {  	[smem:$0x7FF] =	sst s3;
	s5 =	sand.u32 $0x1, s5;
	s6 =	sshll.u32 s2, $0xB  }
0x9: {  	s24 =	sshll.u32 s2, $0x8;
	s25 =	sadd.s32 $0x8800, s4;
	_ =	strace $0x80000047  }
0xa: {  	s7 =	sshll.u32 s5, $0xA;
	s8 =	sshll.u32 s5, $0x7;
	s5 =	ssub.s32 $0x2, s5  }
0xb: {  	s6 =	sor.u32 s7, s6;
	s7 =	sor.u32 s8, s24;
	s26 =	sshrl.u32 s5, $0x1  }
0xc: {  	s8 =	simm.s32 $0x1000;
	s6 =	sadd.s32 s6, s4;
	s9 =	sshrl.u32 s7, $0x3  }
0xd: {  	s10 =	ssub.s32 s5, s26;
	s29 =	sor.u32 $0x100000, s7;
	s31 =	sor.u32 $0x80000, s7  }
0xe: {  	s7 =	sor.u32 $0x180000, s7;
	s28 =	sadd.s32 s9, s25;
	s30 =	sshrl.u32 s29, $0x3  }
0xf: {  	s5 =	sshrl.u32 s31, $0x3;
	s7 =	sshrl.u32 s7, $0x3;
	s9 =	simm.s32 $0x80  }
0x10: {  	[dreg:$0x3] =	wrdreg s28;
	s4 =	sadd.s32 s30, s25;
	s5 =	sadd.s32 s5, s25  }
0x11: {  	s7 =	sadd.s32 s7, s25;
	[dreg:$0x4] =	wrdreg s4;
	s4 =	sadd.s32 $0x800, s6  }
0x12: {  	[dreg:$0x5] =	wrdreg s5;
	s5 =	sadd.s32 $0xA00, s6;
	s6 =	smax.u32 s10, $0x1  }
0x13: {  	[dreg:$0x6] =	wrdreg s7;
	s7 =	simm.s32 $0x3;
	s10 =	simm.s32 $0x2000  }
.LBB2_1:
0x14: {  	[tilespmem:s3], [sflag:$0x3] =	stream.linear.gather [hbm4b:s4+s3], $0x1000, $0x38;
	[tilespmem:$0x12000] =	vst v63  }
0x15: {  	_ =	swait.ge [sflag:s7], $0x1000  }
0x16: {  	[sflag:s7] =	ssyncset.done $0x0  }
0x17: {  	[sflag:s7] =	ssyncadd.s32 $0xFFFFF000  }
0x18: {  	[tilespmem:s8], [sflag:$0x3] =	stream.linear.gather [hbm4b:s5+s3], $0x1000, $0x38;
	[tilespmem:$0x12000] =	vst v63  }
0x19: {  	_ =	swait.ge [sflag:s7], $0x1000  }
0x1a: {  	p0 =	por $0x1, $0x1;
	[sflag:s7] =	ssyncset.done $0x0  }
0x1b: {  	s22 =	simm.s32 @!p0 $0x2;
	[sflag:s7] =	ssyncadd.s32 $0xFFFFF000  }
0x1c: {  	_ =	swait.ge @!p0 [sflag:s22], $0x2000  }
0x1d: {  	[sflag:s22] =	ssyncset.done @!p0 $0x0  }
0x1e: {  	[sflag:s22] =	ssyncadd.s32 @!p0 $0xFFFFE000  }
0x1f: {  	_ =	swait.ge @!p0 [sflag:s22], $0x2000  }
0x20: {  	[sflag:s22] =	ssyncset.done @!p0 $0x0  }
0x21: {  	[sflag:s22] =	ssyncadd.s32 @!p0 $0xFFFFE000  }
0x22: {  	_ =	swait.ge @!p0 [sflag:s22], $0x2000  }
0x23: {  	[sflag:s22] =	ssyncset.done @!p0 $0x0  }
0x24: {  	[sflag:s22] =	ssyncadd.s32 @!p0 $0xFFFFE000  }
0x25: {  	_ =	swait.ge @!p0 [sflag:s22], $0x2000  }
0x26: {  	[sflag:s22] =	ssyncset.done @!p0 $0x0  }
0x27: {  	[sflag:s22] =	ssyncadd.s32 @!p0 $0xFFFFE000  }
0x28: {  	_ =	swait.ge @!p0 [sflag:s22], $0x2000  }
0x29: {  	[sflag:s22] =	ssyncset.done @!p0 $0x0  }
0x2a: {  	[sflag:s22] =	ssyncadd.s32 @!p0 $0xFFFFE000  }
0x2b: {  	_ =	swait.ge @!p0 [sflag:s22], $0x2000  }
0x2c: {  	[sflag:s22] =	ssyncset.done @!p0 $0x0  }
0x2d: {  	[sflag:s22] =	ssyncadd.s32 @!p0 $0xFFFFE000  }
0x2e: {  	_ =	swait.ge @!p0 [sflag:s22], $0x2000  }
0x2f: {  	[sflag:s22] =	ssyncset.done @!p0 $0x0  }
0x30: {  	[sflag:s22] =	ssyncadd.s32 @!p0 $0xFFFFE000  }
0x31: {  	_ =	swait.ge @!p0 [sflag:s22], $0x2000  }
0x32: {  	[sflag:s22] =	ssyncset.done @!p0 $0x0  }
0x33: {  	s29 =	simm.s32 $0x0;
	[sflag:s22] =	ssyncadd.s32 @!p0 $0xFFFFE000  }
0x34: {  	[tilespmem:s10], [sflag:$0x1] =	stream.indirect.gather [hbm4b:s1+s9], $0x40, s29, s9, $0xb8;
	[tilespmem:$0x12000] =	vst v63  }
0x35: {  	s30 =	simm.s32 $0x1000  }
0x36: {  	[tilespmem:s11], [sflag:$0x1] =	stream.indirect.gather [hbm4b:s1+s9], $0x40, s30, s9, $0xb8;
	[tilespmem:$0x12000] =	vst v63  }
0x37: {  	s31 =	simm.s32 $0x80  }
0x38: {  	[tilespmem:s12], [sflag:$0x1] =	stream.indirect.gather [hbm4b:s1+s9], $0x40, s31, s9, $0xb8;
	[tilespmem:$0x12000] =	vst v63  }
0x39: {  	s23 =	simm.s32 $0x1080  }
0x3a: {  	[tilespmem:s13], [sflag:$0x1] =	stream.indirect.gather [hbm4b:s1+s9], $0x40, s23, s9, $0xb8;
	[tilespmem:$0x12000] =	vst v63  }
0x3b: {  	s24 =	simm.s32 $0x100  }
0x3c: {  	[tilespmem:s14], [sflag:$0x1] =	stream.indirect.gather [hbm4b:s1+s9], $0x40, s24, s9, $0xb8;
	[tilespmem:$0x12000] =	vst v63  }
0x3d: {  	s25 =	simm.s32 $0x1100  }
0x3e: {  	[tilespmem:s15], [sflag:$0x1] =	stream.indirect.gather [hbm4b:s1+s9], $0x40, s25, s9, $0xb8;
	[tilespmem:$0x12000] =	vst v63  }
0x3f: {  	s26 =	simm.s32 $0x180  }
0x40: {  	[tilespmem:s16], [sflag:$0x1] =	stream.indirect.gather [hbm4b:s1+s9], $0x40, s26, s9, $0xb8;
	[tilespmem:$0x12000] =	vst v63  }
0x41: {  	s28 =	simm.s32 $0x1180  }
0x42: {  	[tilespmem:s17], [sflag:$0x1] =	stream.indirect.gather [hbm4b:s1+s9], $0x40, s28, s9, $0xb8;
	[tilespmem:$0x12000] =	vst v63  }
0x43: {  	_ =	swait.ge [sflag:s18], $0x2000  }
0x44: {  	s29 =	rddreg [dreg:$0x3];
	[sflag:s18] =	ssyncset.done $0x0  }
0x45: {  	[sflag:s18] =	ssyncadd.s32 $0xFFFFE000;
	s22 =	sadd.s32 $0x0, s29  }
0x46: {  	[hbm4b:s22+s19] =	stream.strided.scatter [tilespmem:s10], [sflag:$0x2], $0x2000, s8, s19, $0x38;
	[tilespmem:$0x12000] =	vst v63  }
0x47: {  	_ =	swait.ge [sflag:s18], $0x2000  }
0x48: {  	[sflag:s18] =	ssyncset.done $0x0  }
0x49: {  	s22 =	sadd.s32 $0x8, s22;
	[sflag:s18] =	ssyncadd.s32 $0xFFFFE000  }
0x4a: {  	[hbm4b:s22+s19] =	stream.strided.scatter [tilespmem:s11], [sflag:$0x2], $0x2000, s8, s19, $0x38;
	[tilespmem:$0x12000] =	vst v63  }
0x4b: {  	_ =	swait.ge [sflag:s18], $0x2000  }
0x4c: {  	s30 =	rddreg [dreg:$0x5];
	[sflag:s18] =	ssyncset.done $0x0  }
0x4d: {  	[sflag:s18] =	ssyncadd.s32 $0xFFFFE000;
	s22 =	sadd.s32 $0x0, s30  }
0x4e: {  	[hbm4b:s22+s19] =	stream.strided.scatter [tilespmem:s12], [sflag:$0x2], $0x2000, s8, s19, $0x38;
	[tilespmem:$0x12000] =	vst v63  }
0x4f: {  	_ =	swait.ge [sflag:s18], $0x2000  }
0x50: {  	[sflag:s18] =	ssyncset.done $0x0  }
0x51: {  	s22 =	sadd.s32 $0x8, s22;
	[sflag:s18] =	ssyncadd.s32 $0xFFFFE000  }
0x52: {  	[hbm4b:s22+s19] =	stream.strided.scatter [tilespmem:s13], [sflag:$0x2], $0x2000, s8, s19, $0x38;
	[tilespmem:$0x12000] =	vst v63  }
0x53: {  	_ =	swait.ge [sflag:s18], $0x2000  }
0x54: {  	s31 =	rddreg [dreg:$0x4];
	[sflag:s18] =	ssyncset.done $0x0  }
0x55: {  	[sflag:s18] =	ssyncadd.s32 $0xFFFFE000;
	s22 =	sadd.s32 $0x0, s31  }
0x56: {  	[hbm4b:s22+s19] =	stream.strided.scatter [tilespmem:s14], [sflag:$0x2], $0x2000, s8, s19, $0x38;
	[tilespmem:$0x12000] =	vst v63  }
0x57: {  	_ =	swait.ge [sflag:s18], $0x2000  }
0x58: {  	[sflag:s18] =	ssyncset.done $0x0  }
0x59: {  	s22 =	sadd.s32 $0x8, s22;
	[sflag:s18] =	ssyncadd.s32 $0xFFFFE000  }
0x5a: {  	[hbm4b:s22+s19] =	stream.strided.scatter [tilespmem:s15], [sflag:$0x2], $0x2000, s8, s19, $0x38;
	[tilespmem:$0x12000] =	vst v63  }
0x5b: {  	_ =	swait.ge [sflag:s18], $0x2000  }
0x5c: {  	s23 =	rddreg [dreg:$0x6];
	[sflag:s18] =	ssyncset.done $0x0  }
0x5d: {  	p1 =	por $0x0, $0x0;
	[sflag:s18] =	ssyncadd.s32 $0xFFFFE000;
	s25 =	sadd.s32 $0x0, s23  }
0x5e: {  	[hbm4b:s25+s19] =	stream.strided.scatter [tilespmem:s16], [sflag:$0x2], $0x2000, s8, s19, $0x38;
	[tilespmem:$0x12000] =	vst v63  }
0x5f: {  	s24 =	simm.s32 $0x80000;
	s22 =	simm.s32 $0x40000;
	_ =	swait.ge [sflag:s18], $0x2000  }
0x60: {  	s23 =	simm.s32 $0x800;
	s26 =	sadd.s32 $0x8, s25;
	[sflag:s18] =	ssyncset.done $0x0  }
.LBB2_2:
0x61: {  	s28 =	simm.s32 @!p1 $0x2;
	[sflag:s18] =	ssyncadd.s32 $0xFFFFE000  }
0x62: {  	[hbm4b:s26+s19] =	stream.strided.scatter [tilespmem:s17], [sflag:$0x2], $0x2000, s8, s19, $0x38;
	[tilespmem:$0x12000] =	vst v63  }
0x63: {  	_ =	swait.ge @!p1 [sflag:s28], $0x2000  }
0x64: {  	[sflag:s28] =	ssyncset.done @!p1 $0x0  }
0x65: {  	[sflag:s28] =	ssyncadd.s32 @!p1 $0xFFFFE000  }
0x66: {  	_ =	swait.ge @!p1 [sflag:s28], $0x2000  }
0x67: {  	[sflag:s28] =	ssyncset.done @!p1 $0x0  }
0x68: {  	[sflag:s28] =	ssyncadd.s32 @!p1 $0xFFFFE000  }
0x69: {  	_ =	swait.ge @!p1 [sflag:s28], $0x2000  }
0x6a: {  	[sflag:s28] =	ssyncset.done @!p1 $0x0  }
0x6b: {  	[sflag:s28] =	ssyncadd.s32 @!p1 $0xFFFFE000  }
0x6c: {  	_ =	swait.ge @!p1 [sflag:s28], $0x2000  }
0x6d: {  	[sflag:s28] =	ssyncset.done @!p1 $0x0  }
0x6e: {  	[sflag:s28] =	ssyncadd.s32 @!p1 $0xFFFFE000  }
0x6f: {  	_ =	swait.ge @!p1 [sflag:s28], $0x2000  }
0x70: {  	[sflag:s28] =	ssyncset.done @!p1 $0x0  }
0x71: {  	[sflag:s28] =	ssyncadd.s32 @!p1 $0xFFFFE000  }
0x72: {  	_ =	swait.ge @!p1 [sflag:s28], $0x2000  }
0x73: {  	[sflag:s28] =	ssyncset.done @!p1 $0x0  }
0x74: {  	[sflag:s28] =	ssyncadd.s32 @!p1 $0xFFFFE000  }
0x75: {  	_ =	swait.ge @!p1 [sflag:s28], $0x2000  }
0x76: {  	[sflag:s28] =	ssyncset.done @!p1 $0x0  }
0x77: {  	[sflag:s28] =	ssyncadd.s32 @!p1 $0xFFFFE000  }
0x78: {  	_ =	swait.ge @!p1 [sflag:s28], $0x2000  }
0x79: {  	[sflag:s28] =	ssyncset.done @!p1 $0x0  }
0x7a: {  	s26 =	sshra.s32 s23, $0x2;
	[sflag:s28] =	ssyncadd.s32 @!p1 $0xFFFFE000  }
0x7b: {  	[tilespmem:s10], [sflag:$0x1] =	stream.indirect.gather [hbm4b:s1+s9], $0x40, s26, s9, $0xb8;
	[tilespmem:$0x12000] =	vst v63  }
0x7c: {  	s29 =	sadd.s32 $0x1000, s26  }
0x7d: {  	[tilespmem:s11], [sflag:$0x1] =	stream.indirect.gather [hbm4b:s1+s9], $0x40, s29, s9, $0xb8;
	[tilespmem:$0x12000] =	vst v63  }
0x7e: {  	s30 =	sadd.s32 $0x80, s26  }
0x7f: {  	[tilespmem:s12], [sflag:$0x1] =	stream.indirect.gather [hbm4b:s1+s9], $0x40, s30, s9, $0xb8;
	[tilespmem:$0x12000] =	vst v63  }
0x80: {  	s31 =	sadd.s32 $0x1080, s26  }
0x81: {  	[tilespmem:s13], [sflag:$0x1] =	stream.indirect.gather [hbm4b:s1+s9], $0x40, s31, s9, $0xb8;
	[tilespmem:$0x12000] =	vst v63  }
0x82: {  	s29 =	sadd.s32 $0x100, s26  }
0x83: {  	[tilespmem:s14], [sflag:$0x1] =	stream.indirect.gather [hbm4b:s1+s9], $0x40, s29, s9, $0xb8;
	[tilespmem:$0x12000] =	vst v63  }
0x84: {  	s30 =	sadd.s32 $0x1100, s26  }
0x85: {  	[tilespmem:s15], [sflag:$0x1] =	stream.indirect.gather [hbm4b:s1+s9], $0x40, s30, s9, $0xb8;
	[tilespmem:$0x12000] =	vst v63  }
0x86: {  	s31 =	sadd.s32 $0x180, s26  }
0x87: {  	[tilespmem:s16], [sflag:$0x1] =	stream.indirect.gather [hbm4b:s1+s9], $0x40, s31, s9, $0xb8;
	[tilespmem:$0x12000] =	vst v63  }
0x88: {  	s26 =	sadd.s32 $0x1180, s26  }
0x89: {  	[tilespmem:s17], [sflag:$0x1] =	stream.indirect.gather [hbm4b:s1+s9], $0x40, s26, s9, $0xb8;
	[tilespmem:$0x12000] =	vst v63  }
0x8a: {  	_ =	swait.ge [sflag:s18], $0x2000  }
0x8b: {  	s28 =	rddreg [dreg:$0x3];
	[sflag:s18] =	ssyncset.done $0x0  }
0x8c: {  	[sflag:s18] =	ssyncadd.s32 $0xFFFFE000;
	s26 =	sadd.s32 s22, s28  }
0x8d: {  	[hbm4b:s26+s19] =	stream.strided.scatter [tilespmem:s10], [sflag:$0x2], $0x2000, s8, s19, $0x38;
	[tilespmem:$0x12000] =	vst v63  }
0x8e: {  	_ =	swait.ge [sflag:s18], $0x2000  }
0x8f: {  	[sflag:s18] =	ssyncset.done $0x0  }
0x90: {  	s26 =	sadd.s32 $0x8, s26;
	[sflag:s18] =	ssyncadd.s32 $0xFFFFE000  }
0x91: {  	[hbm4b:s26+s19] =	stream.strided.scatter [tilespmem:s11], [sflag:$0x2], $0x2000, s8, s19, $0x38;
	[tilespmem:$0x12000] =	vst v63  }
0x92: {  	_ =	swait.ge [sflag:s18], $0x2000  }
0x93: {  	s29 =	rddreg [dreg:$0x5];
	[sflag:s18] =	ssyncset.done $0x0  }
0x94: {  	[sflag:s18] =	ssyncadd.s32 $0xFFFFE000;
	s26 =	sadd.s32 s22, s29  }
0x95: {  	[hbm4b:s26+s19] =	stream.strided.scatter [tilespmem:s12], [sflag:$0x2], $0x2000, s8, s19, $0x38;
	[tilespmem:$0x12000] =	vst v63  }
0x96: {  	_ =	swait.ge [sflag:s18], $0x2000  }
0x97: {  	[sflag:s18] =	ssyncset.done $0x0  }
0x98: {  	s26 =	sadd.s32 $0x8, s26;
	[sflag:s18] =	ssyncadd.s32 $0xFFFFE000  }
0x99: {  	[hbm4b:s26+s19] =	stream.strided.scatter [tilespmem:s13], [sflag:$0x2], $0x2000, s8, s19, $0x38;
	[tilespmem:$0x12000] =	vst v63  }
0x9a: {  	_ =	swait.ge [sflag:s18], $0x2000  }
0x9b: {  	s30 =	rddreg [dreg:$0x4];
	[sflag:s18] =	ssyncset.done $0x0  }
0x9c: {  	[sflag:s18] =	ssyncadd.s32 $0xFFFFE000;
	s26 =	sadd.s32 s22, s30  }
0x9d: {  	[hbm4b:s26+s19] =	stream.strided.scatter [tilespmem:s14], [sflag:$0x2], $0x2000, s8, s19, $0x38;
	[tilespmem:$0x12000] =	vst v63  }
0x9e: {  	_ =	swait.ge [sflag:s18], $0x2000  }
0x9f: {  	s25 =	smov.u32 s24;
	[sflag:s18] =	ssyncset.done $0x0  }
0xa0: {  	s24 =	sadd.s32 $0x40000, s24;
	s26 =	sadd.s32 $0x8, s26;
	[sflag:s18] =	ssyncadd.s32 $0xFFFFE000  }
0xa1: {  	[hbm4b:s26+s19] =	stream.strided.scatter [tilespmem:s15], [sflag:$0x2], $0x2000, s8, s19, $0x38;
	[tilespmem:$0x12000] =	vst v63  }
0xa2: {  	p0 =	sne.s32 s24, $0x200000;
	_ =	swait.ge [sflag:s18], $0x2000  }
.Ltmp0:
0xa3: {  	s31 =	rddreg [dreg:$0x6];
	[sflag:s18] =	ssyncset.done $0x0;
	(pc) =	sbr.rel @p0 .LBB2_2-.Ltmp0, $4  }
0xa4: {  	[sflag:s18] =	ssyncadd.s32 $0xFFFFE000;
	s26 =	sadd.s32 s22, s31  }
0xa5: {  	[hbm4b:s26+s19] =	stream.strided.scatter [tilespmem:s16], [sflag:$0x2], $0x2000, s8, s19, $0x38;
	[tilespmem:$0x12000] =	vst v63  }
0xa6: {  	s23 =	sadd.s32 $0x800, s23;
	s22 =	smov.u32 s25;
	_ =	swait.ge [sflag:s18], $0x2000  }
0xa7: {  	p1 =	seq.s32 s22, $0x0;
	s26 =	sadd.s32 $0x8, s26;
	[sflag:s18] =	ssyncset.done $0x0  }
0xa8: {  	s24 =	simm.s32 @!p1 $0x2;
	[sflag:s18] =	ssyncadd.s32 $0xFFFFE000  }
0xa9: {  	[hbm4b:s26+s19] =	stream.strided.scatter [tilespmem:s17], [sflag:$0x2], $0x2000, s8, s19, $0x38;
	[tilespmem:$0x12000] =	vst v63  }
0xaa: {  	_ =	swait.ge @!p1 [sflag:s24], $0x2000  }
0xab: {  	[sflag:s24] =	ssyncset.done @!p1 $0x0  }
0xac: {  	[sflag:s24] =	ssyncadd.s32 @!p1 $0xFFFFE000  }
0xad: {  	_ =	swait.ge @!p1 [sflag:s24], $0x2000  }
0xae: {  	[sflag:s24] =	ssyncset.done @!p1 $0x0  }
0xaf: {  	[sflag:s24] =	ssyncadd.s32 @!p1 $0xFFFFE000  }
0xb0: {  	_ =	swait.ge @!p1 [sflag:s24], $0x2000  }
0xb1: {  	[sflag:s24] =	ssyncset.done @!p1 $0x0  }
0xb2: {  	[sflag:s24] =	ssyncadd.s32 @!p1 $0xFFFFE000  }
0xb3: {  	_ =	swait.ge @!p1 [sflag:s24], $0x2000  }
0xb4: {  	[sflag:s24] =	ssyncset.done @!p1 $0x0  }
0xb5: {  	[sflag:s24] =	ssyncadd.s32 @!p1 $0xFFFFE000  }
0xb6: {  	_ =	swait.ge @!p1 [sflag:s24], $0x2000  }
0xb7: {  	[sflag:s24] =	ssyncset.done @!p1 $0x0  }
0xb8: {  	[sflag:s24] =	ssyncadd.s32 @!p1 $0xFFFFE000  }
0xb9: {  	_ =	swait.ge @!p1 [sflag:s24], $0x2000  }
0xba: {  	[sflag:s24] =	ssyncset.done @!p1 $0x0  }
0xbb: {  	[sflag:s24] =	ssyncadd.s32 @!p1 $0xFFFFE000  }
0xbc: {  	_ =	swait.ge @!p1 [sflag:s24], $0x2000  }
0xbd: {  	[sflag:s24] =	ssyncset.done @!p1 $0x0  }
0xbe: {  	[sflag:s24] =	ssyncadd.s32 @!p1 $0xFFFFE000  }
0xbf: {  	_ =	swait.ge @!p1 [sflag:s24], $0x2000  }
0xc0: {  	[sflag:s24] =	ssyncset.done @!p1 $0x0  }
0xc1: {  	s23 =	sshra.s32 s23, $0x2;
	[sflag:s24] =	ssyncadd.s32 @!p1 $0xFFFFE000  }
0xc2: {  	[tilespmem:s10], [sflag:$0x1] =	stream.indirect.gather [hbm4b:s1+s9], $0x40, s23, s9, $0xb8;
	[tilespmem:$0x12000] =	vst v63  }
0xc3: {  	s26 =	sadd.s32 $0x1000, s23  }
0xc4: {  	[tilespmem:s11], [sflag:$0x1] =	stream.indirect.gather [hbm4b:s1+s9], $0x40, s26, s9, $0xb8;
	[tilespmem:$0x12000] =	vst v63  }
0xc5: {  	s28 =	sadd.s32 $0x80, s23  }
0xc6: {  	[tilespmem:s12], [sflag:$0x1] =	stream.indirect.gather [hbm4b:s1+s9], $0x40, s28, s9, $0xb8;
	[tilespmem:$0x12000] =	vst v63  }
0xc7: {  	s29 =	sadd.s32 $0x1080, s23  }
0xc8: {  	[tilespmem:s13], [sflag:$0x1] =	stream.indirect.gather [hbm4b:s1+s9], $0x40, s29, s9, $0xb8;
	[tilespmem:$0x12000] =	vst v63  }
0xc9: {  	s30 =	sadd.s32 $0x100, s23  }
0xca: {  	[tilespmem:s14], [sflag:$0x1] =	stream.indirect.gather [hbm4b:s1+s9], $0x40, s30, s9, $0xb8;
	[tilespmem:$0x12000] =	vst v63  }
0xcb: {  	s31 =	sadd.s32 $0x1100, s23  }
0xcc: {  	[tilespmem:s15], [sflag:$0x1] =	stream.indirect.gather [hbm4b:s1+s9], $0x40, s31, s9, $0xb8;
	[tilespmem:$0x12000] =	vst v63  }
0xcd: {  	s25 =	sadd.s32 $0x180, s23  }
0xce: {  	[tilespmem:s16], [sflag:$0x1] =	stream.indirect.gather [hbm4b:s1+s9], $0x40, s25, s9, $0xb8;
	[tilespmem:$0x12000] =	vst v63  }
0xcf: {  	s23 =	sadd.s32 $0x1180, s23  }
0xd0: {  	[tilespmem:s17], [sflag:$0x1] =	stream.indirect.gather [hbm4b:s1+s9], $0x40, s23, s9, $0xb8;
	[tilespmem:$0x12000] =	vst v63  }
0xd1: {  	_ =	swait.ge [sflag:s18], $0x2000  }
0xd2: {  	s26 =	rddreg [dreg:$0x3];
	[sflag:s18] =	ssyncset.done $0x0  }
0xd3: {  	[sflag:s18] =	ssyncadd.s32 $0xFFFFE000;
	s23 =	sadd.s32 s22, s26  }
0xd4: {  	[hbm4b:s23+s19] =	stream.strided.scatter [tilespmem:s10], [sflag:$0x2], $0x2000, s8, s19, $0x38;
	[tilespmem:$0x12000] =	vst v63  }
0xd5: {  	_ =	swait.ge [sflag:s18], $0x2000  }
0xd6: {  	[sflag:s18] =	ssyncset.done $0x0  }
0xd7: {  	s23 =	sadd.s32 $0x8, s23;
	[sflag:s18] =	ssyncadd.s32 $0xFFFFE000  }
0xd8: {  	[hbm4b:s23+s19] =	stream.strided.scatter [tilespmem:s11], [sflag:$0x2], $0x2000, s8, s19, $0x38;
	[tilespmem:$0x12000] =	vst v63  }
0xd9: {  	_ =	swait.ge [sflag:s18], $0x2000  }
0xda: {  	s28 =	rddreg [dreg:$0x5];
	[sflag:s18] =	ssyncset.done $0x0  }
0xdb: {  	[sflag:s18] =	ssyncadd.s32 $0xFFFFE000;
	s23 =	sadd.s32 s22, s28  }
0xdc: {  	[hbm4b:s23+s19] =	stream.strided.scatter [tilespmem:s12], [sflag:$0x2], $0x2000, s8, s19, $0x38;
	[tilespmem:$0x12000] =	vst v63  }
0xdd: {  	_ =	swait.ge [sflag:s18], $0x2000  }
0xde: {  	[sflag:s18] =	ssyncset.done $0x0  }
0xdf: {  	s23 =	sadd.s32 $0x8, s23;
	[sflag:s18] =	ssyncadd.s32 $0xFFFFE000  }
0xe0: {  	[hbm4b:s23+s19] =	stream.strided.scatter [tilespmem:s13], [sflag:$0x2], $0x2000, s8, s19, $0x38;
	[tilespmem:$0x12000] =	vst v63  }
0xe1: {  	_ =	swait.ge [sflag:s18], $0x2000  }
0xe2: {  	s29 =	rddreg [dreg:$0x4];
	[sflag:s18] =	ssyncset.done $0x0  }
0xe3: {  	[sflag:s18] =	ssyncadd.s32 $0xFFFFE000;
	s23 =	sadd.s32 s22, s29  }
0xe4: {  	[hbm4b:s23+s19] =	stream.strided.scatter [tilespmem:s14], [sflag:$0x2], $0x2000, s8, s19, $0x38;
	[tilespmem:$0x12000] =	vst v63  }
0xe5: {  	_ =	swait.ge [sflag:s18], $0x2000  }
0xe6: {  	[sflag:s18] =	ssyncset.done $0x0  }
0xe7: {  	s23 =	sadd.s32 $0x8, s23;
	[sflag:s18] =	ssyncadd.s32 $0xFFFFE000  }
0xe8: {  	[hbm4b:s23+s19] =	stream.strided.scatter [tilespmem:s15], [sflag:$0x2], $0x2000, s8, s19, $0x38;
	[tilespmem:$0x12000] =	vst v63  }
0xe9: {  	_ =	swait.ge [sflag:s18], $0x2000  }
0xea: {  	s30 =	rddreg [dreg:$0x6];
	[sflag:s18] =	ssyncset.done $0x0  }
0xeb: {  	[sflag:s18] =	ssyncadd.s32 $0xFFFFE000;
	s31 =	sadd.s32 s22, s30  }
0xec: {  	[hbm4b:s31+s19] =	stream.strided.scatter [tilespmem:s16], [sflag:$0x2], $0x2000, s8, s19, $0x38;
	[tilespmem:$0x12000] =	vst v63  }
0xed: {  	_ =	swait.ge [sflag:s18], $0x2000  }
0xee: {  	[sflag:s18] =	ssyncset.done $0x0  }
0xef: {  	s22 =	sadd.s32 $0x8, s31;
	[sflag:s18] =	ssyncadd.s32 $0xFFFFE000  }
0xf0: {  	[hbm4b:s22+s19] =	stream.strided.scatter [tilespmem:s17], [sflag:$0x2], $0x2000, s8, s19, $0x38;
	[tilespmem:$0x12000] =	vst v63  }
0xf1: {  	_ =	swait.ge [sflag:s20], $0x2000  }
0xf2: {  	[sflag:s20] =	ssyncset.done $0x0  }
0xf3: {  	[sflag:s20] =	ssyncadd.s32 $0xFFFFE000  }
0xf4: {  	_ =	swait.ge [sflag:s20], $0x2000  }
0xf5: {  	[sflag:s20] =	ssyncset.done $0x0  }
0xf6: {  	[sflag:s20] =	ssyncadd.s32 $0xFFFFE000  }
0xf7: {  	_ =	swait.ge [sflag:s20], $0x2000  }
0xf8: {  	[sflag:s20] =	ssyncset.done $0x0  }
0xf9: {  	[sflag:s20] =	ssyncadd.s32 $0xFFFFE000  }
0xfa: {  	_ =	swait.ge [sflag:s20], $0x2000  }
0xfb: {  	[sflag:s20] =	ssyncset.done $0x0  }
0xfc: {  	[sflag:s20] =	ssyncadd.s32 $0xFFFFE000  }
0xfd: {  	_ =	swait.ge [sflag:s20], $0x2000  }
0xfe: {  	[sflag:s20] =	ssyncset.done $0x0  }
0xff: {  	[sflag:s20] =	ssyncadd.s32 $0xFFFFE000  }
0x100: {  	_ =	swait.ge [sflag:s20], $0x2000  }
0x101: {  	[sflag:s20] =	ssyncset.done $0x0  }
0x102: {  	s21 =	sadd.s32 $0x1, s21;
	[sflag:s20] =	ssyncadd.s32 $0xFFFFE000  }
0x103: {  	p0 =	sne.s32 s21, s6;
	_ =	swait.ge [sflag:s20], $0x2000  }
.Ltmp1:
0x104: {  	[sflag:s20] =	ssyncset.done $0x0;
	(pc) =	sbr.rel @p0 .LBB2_1-.Ltmp1, $4  }
0x105: {  	[sflag:s20] =	ssyncadd.s32 $0xFFFFE000  }
0x106: {  	_ =	swait.ge [sflag:s20], $0x2000  }
0x107: {  	[sflag:s20] =	ssyncset.done $0x0  }
0x108: {  	[sflag:s20] =	ssyncadd.s32 $0xFFFFE000  }
0x109: {  	_ =	sfence.sel $0x180000  }
0x10a: {  	[bflag:$0x0] =	sbarrier.arrive $0xFFFF  }
0x10b: {  	p0 =	sne.s32 s2, $0x0;
	_ =	strace $0x90000047  }
0x10c: {  	s0 =	sadd.s32 @!p0 $0x100000, s0;
	[bflag:$0x2] =	sbarrier.arrive $0xFFFF  }
0x10d: {  	[sflag:s0] =	ssyncadd.tile.s32 @!p0 $0x1;
	_ =	shalt  }
.Lfunc_end2:
_tile_overlayer_lowered:
.L_overlay_start_2:
0x10e: {  	(tag) =	ssettag $0x2  }
0x10f: {  	s0 =	rddreg [dreg:$0x0];
	s2 =	stileid.u32  }
0x110: {  	s1 =	rddreg [dreg:$0x1];
	p0 =	sne.s32 s2, $0x0  }
0x111: {  	s3 =	rddreg [dreg:$0x2];
	[bflag:$0x3] =	sbarrier.arrive $0xFFFF;
	s2 =	simm.s32 @!p0 $0x1C03  }
0x112: {  	[timem:s3], [sflag:s2] =	dma.local @!p0 [hbm:s0], s1  }
0x113: {  	s0 =	simm.s32 @!p0 $0x3  }
0x114: {  	_ =	swait.ge @!p0 [sflag:s0], s1  }
0x115: {  	s1 =	ssub.s32 @!p0 $0x0, s1;
	[sflag:s0] =	ssyncset.done @!p0 $0x0  }
0x116: {  	[sflag:s0] =	ssyncadd.s32 @!p0 s1  }
0x117: {  	[bflag:$0x3] =	sbarrier.arrive $0xFFFF  }
0x118: {  	_ =	shalt  }

// kernel: sparse-core-data-format-call.cloned.1.call-start
scs
called_computation_lowered:
.L_overlay_start_0:
0x0: {  	s2 =	sld [smem:$0x3FD9]  }
0x1: {  	s3 =	sld [smem:$0x3FFE];
	_ =	sdelay $0x1  }
0x2: {  	s1 =	srdreg.scid  }
0x3: {  	s0 =	sand.u32 $0x1, s1  }
0x4: {  	s18 =	sshll.u32 s0, $0xA;
	s2 =	sadd.s32 s3, s2  }
0x5: {  	s2 =	sadd.s32 s2, s18  }
0x6: {  	[smem:$0x3FC6] =	sst s2  }
0x7: {  	_ = 	snop  }
0x8: {  	s2 =	sld [smem:$0x3FD0];
	(tm) =	ssettm $0x1  }
0x9: {  	s19 =	sld [smem:$0x3FFB];
	_ =	sdelay $0x3  }
0xa: {  	_ =	strace s19  }
0xb: {  	s3 =	sld [smem:$0x3FFC];
	_ =	sdelay $0x3  }
0xc: {  	_ =	strace s3  }
0xd: {  	s3 =	sld [smem:$0x3FFD];
	_ =	sdelay $0x3  }
0xe: {  	_ =	strace s3  }
0xf: {  	_ =	strace $0x8FFFFFFF  }
0x10: {  	s20 =	sld [smem:$0x3FDB];
	_ =	sdelay $0x1  }
0x11: {  	s4 =	simm.s32 $_scs_section_size  }
0x12: {  	s5 =	simm.s32 $_size__tile_overlayer_lowered;
	s6 =	simm.s32 $_tile_overlayer_lowered  }
0x13: {  	s23 =	simm.s32 $0x1BFF;
	s22 =	sshll.u32 s6, $0x1;
	s3 =	sadd.s32 s4, s20  }
0x14: {  	s7 =	simm.s32 $0x0;
	s21 =	sshll.u32 s5, $0x1;
	s5 =	sadd.s32 s22, s3  }
0x15: {  	[timem:s7], [sflag:s23] =	dma.local [hbm:s5], s21  }
0x16: {  	_ =	swait.ge [sflag:s23], s21  }
0x17: {  	s4 =	ssub.s32 $0x0, s21;
	[sflag:s23] =	ssyncset.done $0x0  }
0x18: {  	[sflag:s23] =	ssyncadd.s32 s4;
	_ =	sdelay $0x1  }
0x19: {  	s24 =	simm.s32 $0x1B8B  }
0x1a: {  	_ =	swait.ge [sflag:s24], $0x1  }
0x1b: {  	[sflag:s24] =	ssyncset.done $0x0  }
0x1c: {  	s26 =	simm.s32 $0x1B8E;
	s25 =	sld [smem:$0x3FFE];
	[sflag:s24] =	ssyncadd.s32 $0xFFFFFFFF  }
0x1d: {  	s27 =	simm.s32 $execute0_lowered;
	[smem:$0x3FD2] =	sst s26  }
0x1e: {  	s5 =	sshll.u32 s27, $0x1;
	_ =	strace $0x80000049;
	[dreg:$0x1] =	wrdreg $0xFFFFFFFF  }
0x1f: {  	s28 =	simm.s32 $_size_execute0_lowered;
	s3 =	sadd.s32 s3, s5;
	[dreg:$0x0] =	wrdreg $0x0  }
0x20: {  	s5 =	sshll.u32 s28, $0x1;
	[dreg:$0x2] =	wrdreg s3  }
0x21: {  	[dreg:$0x3] =	wrdreg s5  }
0x22: {  	[dreg:$0x4] =	wrdreg $0xC0  }
0x23: {  	_ =	task [dreg:s7], $0x5FFFF  }
0x24: {  	[dreg:$0x1] =	wrdreg $0xFFFFFFFF  }
0x25: {  	[dreg:$0x0] =	wrdreg $0x60  }
0x26: {  	[dreg:$0x2] =	wrdreg s25  }
0x27: {  	[dreg:$0x3] =	wrdreg s2  }
0x28: {  	[dreg:$0x4] =	wrdreg $0x9  }
0x29: {  	_ =	task.clear_ibuf [dreg:s7], $0x5FFFF;
	_ =	strace $0x90000049  }
0x2a: {  	s29 =	simm.s32 $0x9;
	_ =	strace $0x8000004B  }
0x2b: {  	_ =	swait.ge [sflag:s29], $0x1  }
0x2c: {  	[sflag:s29] =	ssyncadd.s32 $0xFFFFFFFF  }
0x2d: {  	_ =	strace $0x9000004B  }
0x2e: {  	_ =	sfence  }
0x2f: {  	s30 =	sld [smem:$0x0];
	_ =	sdelay $0x2  }
0x30: {  	s31 =	sshll.u32 s1, $0xD;
	s1 =	sshrl.u32 s1, $0x2  }
0x31: {  	s3 =	sand.u32 $0x4000, s31;
	s1 =	sadd.s32 s1, s30  }
0x32: {  	s0 =	sor.u32 s3, s0;
	s1 =	sshll.u32 s1, $0x11  }
0x33: {  	s0 =	sor.u32 s1, s0  }
0x34: {  	s0 =	sadd.s32 $0x8F2B, s0  }
0x35: {  	[sflag:s0] =	ssyncadd.remote.s32 $0x1  }
0x36: {  	_ =	sfence.sel $0xFFFF  }
0x37: {  	[dreg:$0x0] =	wrdreg $0xFFFFFFFF;
	(pc) =	sbr.abs _section_cstart, $3  }
0x38: {  	[dreg:$0x1] =	wrdreg $0xFFFFFFFF  }
0x39: {  	_ =	task.clear_ibuf [dreg:s7], $0x2FFFF;
	_ =	strace $0x9FFFFFFF  }
0x3a: {  	(tm) =	ssettm $0x7FFFFFFF  }
0x3b: {  	_ =	shalt  }
tec
execute0_lowered:
.L_overlay_start_1:
0x0: {  	(tag) =	ssettag $0x1  }
0x1: {  	s1 =	rddreg [dreg:$0x0]  }
0x2: {  	s2 =	rddreg [dreg:$0x1]  }
0x3: {  	s0 =	rddreg [dreg:$0x2];
	_ =	strace $0x8000004A;
	s4 =	srdreg.scid  }
0x4: {  	s6 =	simm.s32 $0x2;
	s11 =	simm.s32 $0x0;
	p0 =	por $0x0, $0x0  }
.Ltmp0:
0x5: {  	s7 =	simm.s32 $0x400;
	s12 =	simm.s32 $0x0;
	(pc) =	sbr.rel .LBB1_1-.Ltmp0, $4  }
0x6: {  	s9 =	simm.s32 $0x0;
	s3 =	sadd.s32 $0x8800, s1;
	s5 =	sshll.u32 s4, $0x4  }
0x7: {  	s1 =	stileid.u32;
	s4 =	simm.s32 $0x1;
	s5 =	sand.u32 $0x10, s5  }
0x8: {  	s8 =	simm.s32 $0x0;
	[sflag:s4] =	ssyncpa.u1 $0x0;
	s5 =	sor.u32 s1, s5  }
0x9: {  	[sflag:s6] =	ssyncpa.u1 $0x0;
	s6 =	simm.s32 $0x200;
	s10 =	smov.u32 s5  }
.LBB1_7:
0xa: {  	s13 =	sadd.s32 $0x4, s9  }
0xb: {  	s11 =	sadd.s32 $0x20, s10;
	s15 =	smov.u32 s10;
	p2 =	sgt.s32 s13, $0x7  }
0xc: {  	p1 =	slt.u32 s8, $0x2;
	s15 =	smov.u32 @p2 s11  }
0xd: {  	s8 =	sadd.s32 $0x1, s8;
	s13 =	simm.s32 @p2 $0x0;
	p2 =	sgt.s32 s15, $0x1FF  }
0xe: {  	s15 =	smov.u32 @p2 s5;
	p2 =	sne.s32 s8, $0x22  }
.Ltmp1:
0xf: {  	_ = 	snop;
	(pc) =	sbr.rel @!p2 .LBB1_8-.Ltmp1, $4  }
0x10: {  	s14 =	simm.s32 @!p1 $0x2  }
0x11: {  	s12 =	smov.u32 s10;
	_ =	swait.ge @!p1 [sflag:s14], $0x4000  }
0x12: {  	p0 =	por !p0, !p0;
	s11 =	smov.u32 s9;
	[sflag:s14] =	ssyncset.done @!p1 $0x0  }
0x13: {  	s9 =	smov.u32 s13;
	[sflag:s14] =	ssyncadd.s32 @!p1 $0xFFFFC000;
	s10 =	smov.u32 s15  }
.LBB1_1:
0x14: {  	p1 =	sgt.u32 s8, $0x1F  }
0x15: {  	s13 =	sxor.u32 @!p1 $0xFFFFFFFF, s8;
	s14 =	sshll.u32 @!p1 s10, $0xC  }
0x16: {  	s15 =	sshll.u32 @!p1 s9, $0x9;
	s13 =	sshll.u32 @!p1 s13, $0xE;
	s14 =	sadd.s32 @!p1 s3, s14  }
0x17: {  	s13 =	sand.u32 @!p1 $0x4000, s13;
	s14 =	sadd.s32 @!p1 s15, s14;
	s15 =	simm.s32 @!p1 $0x0  }
0x18: {  	[tilespmem:s13], [sflag:$0x1] =	stream.linear.gather @!p1 [hbm4b:s14+s15], $0x4000, $0x38;
	[tilespmem:$0x10000] =	vst v63  }
0x19: {  	p1 =	seq.s32 s8, $0x0  }
0x1a: {  	p2 =	seq.s32 @!p1 s8, $0x21  }
0x1b: {  	p1 =	por p1, p2  }
.Ltmp2:
0x1c: {  	_ = 	snop;
	(pc) =	sbr.rel @p1 .LBB1_7-.Ltmp2, $1  }
0x1d: {  	_ =	sdelay $0x3  }
0x1e: {  	s13 =	simm.s32 $0x1;
	_ =	swait.ge [sflag:s4], $0x4000;
	s16 =	sshll.u32 s8, $0xE  }
0x1f: {  	s13 =	simm.s32 @!p0 $0x0;
	[sflag:s4] =	ssyncset.done $0x0;
	s31 =	sand.u32 $0x4000, s16  }
0x20: {  	s16 =	simm.s32 $0x0;
	s14 =	sshll.u32 s13, $0xE;
	[sflag:s4] =	ssyncadd.s32 $0xFFFFC000  }
0x21: {  	s13 =	sor.u32 $0x8040, s14;
	s15 =	sor.u32 $0x40, s14;
	s14 =	sor.u32 $0x8000, s31  }
.LBB1_3:
0x22: {  	v0 =	vmov s15;
	_ =	sdelay $0x3  }
0x23: {  	s18 =	simm.s32 $0x0  }
0x24: {  	v6 =	vld.idx.msk [tilespmem:v0+s18+$0x30 ss:$0x1], $0xffff  }
0x25: {  	v7 =	vld.idx.msk [tilespmem:v0+s18+$0xFFFFFFC0 ss:$0x1], $0xffff  }
0x26: {  	v5 =	vld.idx.msk [tilespmem:v0+s18+$0xFFFFFFD0 ss:$0x1], $0xffff  }
0x27: {  	v4 =	vld.idx.msk [tilespmem:v0+s18+$0xFFFFFFE0 ss:$0x1], $0xffff  }
0x28: {  	v3 =	vld.idx.msk [tilespmem:v0+s18+$0xFFFFFFF0 ss:$0x1], $0xffff  }
0x29: {  	v1 =	vld.idx.msk [tilespmem:v0+s18+$0x0 ss:$0x1], $0xffff  }
0x2a: {  	v2 =	vld.idx.msk [tilespmem:v0+s18+$0x10 ss:$0x1], $0xffff;
	[tilespmem:s13+$0x30] =	vst v6  }
0x2b: {  	s17 =	simm.s32 $0x80;
	s19 =	simm.s32 $0x400;
	[tilespmem:s13+$0xFFFFFFC0] =	vst v7;
	v6 =	vld.idx.msk [tilespmem:v0+s18+$0x20 ss:$0x1], $0xffff;
	s18 =	smov.u32 s13  }
.LBB1_4:
0x2c: {  	p1 =	sne.s32 s19, $0x3E00;
	v7 =	vld.idx.msk [tilespmem:v0+s17+$0x30 ss:$0x1], $0xffff;
	[tilespmem:s18+$0xFFFFFFD0] =	vst v5  }
0x2d: {  	v8 =	vld.idx.msk [tilespmem:v0+s17+$0xFFFFFFC0 ss:$0x1], $0xffff;
	[tilespmem:s18+$0xFFFFFFE0] =	vst v4  }
0x2e: {  	v5 =	vld.idx.msk [tilespmem:v0+s17+$0xFFFFFFD0 ss:$0x1], $0xffff;
	[tilespmem:s18+$0xFFFFFFF0] =	vst v3  }
.Ltmp3:
0x2f: {  	v4 =	vld.idx.msk [tilespmem:v0+s17+$0xFFFFFFE0 ss:$0x1], $0xffff;
	[tilespmem:s18+$0x0] =	vst v1;
	(pc) =	sbr.rel @p1 .LBB1_4-.Ltmp3, $4  }
0x30: {  	v3 =	vld.idx.msk [tilespmem:v0+s17+$0xFFFFFFF0 ss:$0x1], $0xffff;
	[tilespmem:s18+$0x10] =	vst v2  }
0x31: {  	v1 =	vld.idx.msk [tilespmem:v0+s17+$0x0 ss:$0x1], $0xffff;
	[tilespmem:s18+$0x20] =	vst v6;
	s18 =	sadd.s32 $0x200, s18  }
0x32: {  	v2 =	vld.idx.msk [tilespmem:v0+s17+$0x10 ss:$0x1], $0xffff;
	[tilespmem:s18+$0x30] =	vst v7  }
0x33: {  	[tilespmem:s18+$0xFFFFFFC0] =	vst v8;
	v6 =	vld.idx.msk [tilespmem:v0+s17+$0x20 ss:$0x1], $0xffff;
	s17 =	sshra.s32 s19, $0x2;
	s19 =	sadd.s32 $0x200, s19  }
0x34: {  	_ =	sdelay $0x2  }
0x35: {  	[tilespmem:s18+$0xFFFFFFD0] =	vst v5  }
0x36: {  	v56 =	vld.idx.msk [tilespmem:v0+s17+$0x30 ss:$0x1], $0xffff;
	[tilespmem:s18+$0xFFFFFFE0] =	vst v4  }
0x37: {  	v57 =	vld.idx.msk [tilespmem:v0+s17+$0xFFFFFFC0 ss:$0x1], $0xffff;
	[tilespmem:s18+$0xFFFFFFF0] =	vst v3  }
0x38: {  	v58 =	vld.idx.msk [tilespmem:v0+s17+$0xFFFFFFD0 ss:$0x1], $0xffff;
	[tilespmem:s18+$0x0] =	vst v1  }
0x39: {  	v59 =	vld.idx.msk [tilespmem:v0+s17+$0xFFFFFFE0 ss:$0x1], $0xffff;
	[tilespmem:s18+$0x10] =	vst v2  }
0x3a: {  	v60 =	vld.idx.msk [tilespmem:v0+s17+$0xFFFFFFF0 ss:$0x1], $0xffff;
	s31 =	sadd.s32 $0x200, s18;
	[tilespmem:s18+$0x20] =	vst v6  }
0x3b: {  	v61 =	vld.idx.msk [tilespmem:v0+s17+$0x0 ss:$0x1], $0xffff;
	[tilespmem:s31+$0x30] =	vst v56  }
0x3c: {  	v62 =	vld.idx.msk [tilespmem:v0+s17+$0x10 ss:$0x1], $0xffff;
	s16 =	sadd.s32 $0x1, s16;
	[tilespmem:s31+$0xFFFFFFC0] =	vst v57  }
0x3d: {  	v63 =	vld.idx.msk [tilespmem:v0+s17+$0x20 ss:$0x1], $0xffff;
	p1 =	sne.s32 s16, $0x4;
	[tilespmem:s31+$0xFFFFFFD0] =	vst v58  }
.Ltmp4:
0x3e: {  	[tilespmem:s31+$0xFFFFFFE0] =	vst v59;
	(pc) =	sbr.rel @p1 .LBB1_3-.Ltmp4, $4  }
0x3f: {  	[tilespmem:s31+$0xFFFFFFF0] =	vst v60  }
0x40: {  	[tilespmem:s31+$0x0] =	vst v61  }
0x41: {  	[tilespmem:s31+$0x10] =	vst v62  }
0x42: {  	s13 =	sadd.s32 $0x80, s13;
	s15 =	sadd.s32 $0x1000, s15;
	[tilespmem:s31+$0x20] =	vst v63  }
.Ltmp5:
0x43: {  	(pc) =	sbr.rel .LBB1_7-.Ltmp5, $4  }
0x44: {  	s12 =	sshll.u32 s12, $0xC;
	s11 =	sshll.u32 s11, $0x4  }
0x45: {  	s11 =	sand.u32 $0x70, s11;
	s12 =	sadd.s32 s2, s12  }
0x46: {  	s11 =	sadd.s32 s11, s12  }
0x47: {  	[hbm4b:s11+s6] =	stream.strided.scatter [tilespmem:s14], [sflag:$0x2], $0x4000, s7, s6, $0x38;
	[tilespmem:$0x10000] =	vst v63  }
.LBB1_8:
0x48: {  	_ =	sfence.sel $0x180000  }
0x49: {  	s2 =	simm.s32 $0x1;
	[bflag:$0x0] =	sbarrier.arrive $0xFFFF  }
0x4a: {  	s31 =	simm.s32 $0x2;
	[sflag:s2] =	ssyncpa.u1 $0x1  }
0x4b: {  	[sflag:s31] =	ssyncpa.u1 $0x1  }
0x4c: {  	p0 =	sne.s32 s1, $0x0;
	_ =	strace $0x9000004A  }
0x4d: {  	s0 =	sadd.s32 @!p0 $0x100000, s0;
	[bflag:$0x2] =	sbarrier.arrive $0xFFFF  }
0x4e: {  	[sflag:s0] =	ssyncadd.tile.s32 @!p0 $0x1;
	_ =	shalt  }
.Lfunc_end1:
_tile_overlayer_lowered:
.L_overlay_start_2:
0x4f: {  	(tag) =	ssettag $0x2  }
0x50: {  	s0 =	rddreg [dreg:$0x0];
	s2 =	stileid.u32  }
0x51: {  	s1 =	rddreg [dreg:$0x1];
	p0 =	sne.s32 s2, $0x0  }
0x52: {  	s3 =	rddreg [dreg:$0x2];
	[bflag:$0x3] =	sbarrier.arrive $0xFFFF;
	s2 =	simm.s32 @!p0 $0x1C01  }
0x53: {  	[timem:s3], [sflag:s2] =	dma.local @!p0 [hbm:s0], s1  }
0x54: {  	s0 =	simm.s32 @!p0 $0x1  }
0x55: {  	_ =	swait.ge @!p0 [sflag:s0], s1  }
0x56: {  	s1 =	ssub.s32 @!p0 $0x0, s1;
	[sflag:s0] =	ssyncset.done @!p0 $0x0  }
0x57: {  	[sflag:s0] =	ssyncadd.s32 @!p0 s1  }
0x58: {  	[bflag:$0x3] =	sbarrier.arrive $0xFFFF  }
0x59: {  	_ =	shalt  }

</sc_bundles>
